<compile_context>
chip_gen: v7x
topology: tpu7x:2x2x1
jax: 0.10.2.dev20260603
libtpu: 0.0.44.dev20260713+nightly
codegen_flags: <defaults>
</compile_context>

<pallas_src>
import functools
import math

import jax
import jax.numpy as jnp
from jax import lax
from jax.experimental import pallas as pl
from jax.experimental.pallas import tpu as pltpu
from jax.experimental.pallas import tpu_sc as plsc

D_MODEL = 32
BATCH = 16384
HIST = 50
SCALE = math.sqrt(D_MODEL)

_info = plsc.get_sparse_core_info()
NC = _info.num_cores
NS = _info.num_subcores
NW = NC * NS
B_PER_W = BATCH // NW
NB = 16
N_CHUNKS = B_PER_W // NB


def _body(w_hbm, x_hbm, out_hbm, xb_v, rows_v, sems):
    wid = lax.axis_index("s") * NC + lax.axis_index("c")
    b_base = wid * B_PER_W

    def stage_in(c, buf):
        b0 = b_base + c * NB
        pltpu.sync_copy(x_hbm.at[pl.ds(b0, NB), :], xb_v.at[buf])
        for i in range(NB):
            pltpu.async_copy(
                w_hbm.at[xb_v.at[buf, i, :]],
                rows_v.at[buf, i],
                sems.at[buf],
            )

    def drain(buf):
        for i in range(NB):
            pltpu.make_async_copy(
                w_hbm.at[xb_v.at[buf, i, :]],
                rows_v.at[buf, i],
                sems.at[buf],
            ).wait()

    def finish(c, buf):
        b0 = b_base + c * NB

        def scale_b(bi, carry2):
            def scale_k(k, carry3):
                rows_v[buf, bi, k >> 1, pl.ds((k & 1) * 16, 16)] = (
                    rows_v[buf, bi, k >> 1, pl.ds((k & 1) * 16, 16)] * SCALE
                )
                return carry3

            return lax.fori_loop(0, 2 * HIST, scale_k, carry2, unroll=4)

        lax.fori_loop(0, NB, scale_b, 0)
        pltpu.sync_copy(rows_v.at[buf], out_hbm.at[pl.ds(b0, NB)])

    stage_in(0, 0)

    def pair_body(p, carry):
        c0 = 2 * p
        stage_in(c0 + 1, 1)
        drain(0)
        finish(c0, 0)

        @pl.when(c0 + 2 < N_CHUNKS)
        def _():
            stage_in(c0 + 2, 0)

        drain(1)
        finish(c0 + 1, 1)
        return carry

    lax.fori_loop(0, N_CHUNKS // 2, pair_body, 0)


_sc_kernel = functools.partial(
    pl.kernel,
    out_type=jax.ShapeDtypeStruct((BATCH, HIST, D_MODEL), jnp.float32),
    mesh=plsc.VectorSubcoreMesh(core_axis_name="c", subcore_axis_name="s"),
    scratch_types=[
        pltpu.VMEM((2, NB, HIST), jnp.int32),
        pltpu.VMEM((2, NB, HIST, D_MODEL), jnp.float32),
        pltpu.SemaphoreType.DMA((2,)),
    ],
    compiler_params=pltpu.CompilerParams(use_tc_tiling_on_sc=False),
)(_body)


@jax.jit
def kernel(x, weight):
    return _sc_kernel(weight, x)

# --- scband reference (transcript-rebuilt; emitter-appended) ---
"""Pipeline reference for scband-embeddings-38319698215712 (READ-ONLY COPY).

The authoritative reference and input builder live on the scoring server;
editing this copy changes nothing except your own understanding.
"""

import jax, jax.numpy as jnp
import numpy as np
import math

D_MODEL = 32
VOCAB = 1000000
BATCH = 16384
HIST = 50

def setup_inputs(seed: int = 0) -> dict:
    key = jax.random.key(seed)
    k1, k2 = jax.random.split(key)
    x = jax.random.randint(k1, (BATCH, HIST), 0, VOCAB, dtype=jnp.int64 if jax.config.jax_enable_x64 else jnp.int32)
    weight = jax.random.normal(k2, (VOCAB, D_MODEL), dtype=jnp.float32)
    return {"x": x, "weight": weight}

def reference(x, weight):
    # Embeddings.forward: embedding(x) * sqrt(d_model)
    emb = jnp.take(weight, x, axis=0)
    return emb * math.sqrt(D_MODEL)

if __name__ == "__main__":
    import jax
    _d = setup_inputs()
    print(jax.jit(kernel)(*tuple(_d.values())))

</pallas_src>

<mosaic_0001>
#map = affine_map<(d0, d1) -> (0, 0)>
#map1 = affine_map<(d0, d1) -> (0, 0, 0)>
module attributes {stable_mosaic.version = 14 : i64} {
  func.func @_body(%arg0: i32, %arg1: i32, %arg2: memref<1000000x32xf32, #tpu.memory_space<hbm>>, %arg3: memref<16384x50xi32, #tpu.memory_space<hbm>>, %arg4: memref<16384x50x32xf32, #tpu.memory_space<hbm>>, %arg5: memref<2x16x50xi32, #tpu.memory_space<vmem>>, %arg6: memref<2x16x50x32xf32, #tpu.memory_space<vmem>>, %arg7: memref<2x!tpu.dma_semaphore, #tpu.memory_space<semaphore_mem>>) attributes {dimension_semantics = [#tpu.dimension_semantics<core_parallel>, #tpu.dimension_semantics<subcore_parallel>], iteration_bounds = array<i64: 2, 16>, scalar_prefetch = 0 : i64, scratch_operands = 3 : i64, tpu.core_type = #tpu.core_type<sc_vector_subcore>, window_params = [{transform_indices = #map}, {transform_indices = #map}, {transform_indices = #map1}]} {
    %mul3A = arith.constant 2 : i32
    %mul3A_0 = arith.muli %arg1, %mul3A : i32
    %add3A = arith.addi %mul3A_0, %arg0 : i32
    %mul3A_1 = arith.constant 512 : i32
    %mul3A_2 = arith.muli %add3A, %mul3A_1 : i32
    %add3A_3 = arith.constant 0 : i32
    %add3A_4 = arith.addi %mul3A_2, %add3A_3 : i32
    %run_scoped3A = arith.constant 0 : i32
    "tpu.region"() ({
      %run_scoped3A_281 = tpu.sem_alloc : memref<!tpu.dma_semaphore, #tpu.memory_space<semaphore_mem>>
      %dma_start3A_282 = arith.constant 0 : i32
      %dma_start3A_283 = arith.constant 0 : i32
      %dma_start3A_284 = tpu.memref_slice %arg5[%run_scoped3A, %dma_start3A_282, %dma_start3A_283] : memref<2x16x50xi32, #tpu.memory_space<vmem>> -> memref<1x16x50xi32, #tpu.memory_space<vmem>>
      %dma_start3A_285 = tpu.memref_squeeze %dma_start3A_284 : memref<1x16x50xi32, #tpu.memory_space<vmem>> -> memref<16x50xi32, #tpu.memory_space<vmem>>
      %dma_start3A_286 = arith.constant 0 : i32
      %dma_start3A_287 = tpu.memref_slice %arg3[%add3A_4, %dma_start3A_286] : memref<16384x50xi32, #tpu.memory_space<hbm>> -> memref<16x50xi32, #tpu.memory_space<hbm>>
      %dma_start3A_288 = arith.constant 0 : i32
      %dma_start3A_289 = arith.constant 0 : i32
      %dma_start3A_290 = tpu.memref_slice %arg5[%run_scoped3A, %dma_start3A_288, %dma_start3A_289] : memref<2x16x50xi32, #tpu.memory_space<vmem>> -> memref<1x16x50xi32, #tpu.memory_space<vmem>>
      %dma_start3A_291 = tpu.memref_squeeze %dma_start3A_290 : memref<1x16x50xi32, #tpu.memory_space<vmem>> -> memref<16x50xi32, #tpu.memory_space<vmem>>
      %dma_start3A_292 = arith.constant 0 : i32
      %dma_start3A_293 = tpu.memref_slice %arg3[%add3A_4, %dma_start3A_292] : memref<16384x50xi32, #tpu.memory_space<hbm>> -> memref<16x50xi32, #tpu.memory_space<hbm>>
      tpu.enqueue_dma source(%dma_start3A_293 : memref<16x50xi32, #tpu.memory_space<hbm>>) target(%dma_start3A_291 : memref<16x50xi32, #tpu.memory_space<vmem>>) target_semaphore(%run_scoped3A_281 : memref<!tpu.dma_semaphore, #tpu.memory_space<semaphore_mem>>)
      %dma_wait3A = arith.constant 0 : i32
      %dma_wait3A_294 = arith.constant 0 : i32
      %dma_wait3A_295 = tpu.memref_slice %arg5[%run_scoped3A, %dma_wait3A, %dma_wait3A_294] : memref<2x16x50xi32, #tpu.memory_space<vmem>> -> memref<1x16x50xi32, #tpu.memory_space<vmem>>
      %dma_wait3A_296 = tpu.memref_squeeze %dma_wait3A_295 : memref<1x16x50xi32, #tpu.memory_space<vmem>> -> memref<16x50xi32, #tpu.memory_space<vmem>>
      %dma_wait3A_297 = arith.constant 0 : i32
      %dma_wait3A_298 = tpu.memref_slice %arg3[%add3A_4, %dma_wait3A_297] : memref<16384x50xi32, #tpu.memory_space<hbm>> -> memref<16x50xi32, #tpu.memory_space<hbm>>
      %dma_wait3A_299 = arith.constant 0 : i32
      %dma_wait3A_300 = arith.constant 0 : i32
      %dma_wait3A_301 = tpu.memref_slice %arg5[%run_scoped3A, %dma_wait3A_299, %dma_wait3A_300] : memref<2x16x50xi32, #tpu.memory_space<vmem>> -> memref<1x16x50xi32, #tpu.memory_space<vmem>>
      %dma_wait3A_302 = tpu.memref_squeeze %dma_wait3A_301 : memref<1x16x50xi32, #tpu.memory_space<vmem>> -> memref<16x50xi32, #tpu.memory_space<vmem>>
      %dma_wait3A_303 = arith.constant 0 : i32
      %dma_wait3A_304 = tpu.memref_slice %arg3[%add3A_4, %dma_wait3A_303] : memref<16384x50xi32, #tpu.memory_space<hbm>> -> memref<16x50xi32, #tpu.memory_space<hbm>>
      tpu.wait_dma2 semaphore(%run_scoped3A_281 : memref<!tpu.dma_semaphore, #tpu.memory_space<semaphore_mem>>) src(%dma_wait3A_304 : memref<16x50xi32, #tpu.memory_space<hbm>>) dst(%dma_wait3A_302 : memref<16x50xi32, #tpu.memory_space<vmem>>)
      tpu.yield
    }) : () -> ()
    %dma_start3A = arith.constant 0 : i32
    %dma_start3A_5 = arith.constant 0 : i32
    %dma_start3A_6 = arith.constant 0 : i32
    %dma_start3A_7 = arith.constant 0 : i32
    %dma_start3A_8 = arith.constant 0 : i32
    %dma_start3A_9 = arith.constant 0 : i32
    %dma_start3A_10 = arith.constant 0 : i32
    %dma_start3A_11 = tpu.memref_slice %arg6[%dma_start3A_6, %dma_start3A_7, %dma_start3A_9, %dma_start3A_10] : memref<2x16x50x32xf32, #tpu.memory_space<vmem>> -> memref<1x1x50x32xf32, #tpu.memory_space<vmem>>
    %dma_start3A_12 = tpu.memref_squeeze %dma_start3A_11 : memref<1x1x50x32xf32, #tpu.memory_space<vmem>> -> memref<50x32xf32, #tpu.memory_space<vmem>>
    %dma_start3A_13 = arith.constant 0 : i32
    %dma_start3A_14 = tpu.memref_slice %arg5[%dma_start3A, %dma_start3A_5, %dma_start3A_13] : memref<2x16x50xi32, #tpu.memory_space<vmem>> -> memref<1x1x50xi32, #tpu.memory_space<vmem>>
    %dma_start3A_15 = tpu.memref_squeeze %dma_start3A_14 : memref<1x1x50xi32, #tpu.memory_space<vmem>> -> memref<50xi32, #tpu.memory_space<vmem>>
    %dma_start3A_16 = arith.constant 0 : i32
    %dma_start3A_17 = arith.constant 0 : i32
    %dma_start3A_18 = tpu.memref_slice %arg2[%dma_start3A_16, %dma_start3A_17] : memref<1000000x32xf32, #tpu.memory_space<hbm>> -> memref<1000000x32xf32, #tpu.memory_space<hbm>>
    %dma_start3A_19 = tpu.memref_slice %arg7[%dma_start3A_8] : memref<2x!tpu.dma_semaphore, #tpu.memory_space<semaphore_mem>> -> memref<1x!tpu.dma_semaphore, #tpu.memory_space<semaphore_mem>>
    %dma_start3A_20 = tpu.memref_squeeze %dma_start3A_19 : memref<1x!tpu.dma_semaphore, #tpu.memory_space<semaphore_mem>> -> memref<!tpu.dma_semaphore, #tpu.memory_space<semaphore_mem>>
    tpu.enqueue_indirect_dma source(%dma_start3A_18 : memref<1000000x32xf32, #tpu.memory_space<hbm>>) target(%dma_start3A_12 : memref<50x32xf32, #tpu.memory_space<vmem>>) offsets(%dma_start3A_15 : memref<50xi32, #tpu.memory_space<vmem>>) semaphore(%dma_start3A_20 : memref<!tpu.dma_semaphore, #tpu.memory_space<semaphore_mem>>)
    %dma_start3A_21 = arith.constant 0 : i32
    %dma_start3A_22 = arith.constant 1 : i32
    %dma_start3A_23 = arith.constant 0 : i32
    %dma_start3A_24 = arith.constant 1 : i32
    %dma_start3A_25 = arith.constant 0 : i32
    %dma_start3A_26 = arith.constant 0 : i32
    %dma_start3A_27 = arith.constant 0 : i32
    %dma_start3A_28 = tpu.memref_slice %arg6[%dma_start3A_23, %dma_start3A_24, %dma_start3A_26, %dma_start3A_27] : memref<2x16x50x32xf32, #tpu.memory_space<vmem>> -> memref<1x1x50x32xf32, #tpu.memory_space<vmem>>
    %dma_start3A_29 = tpu.memref_squeeze %dma_start3A_28 : memref<1x1x50x32xf32, #tpu.memory_space<vmem>> -> memref<50x32xf32, #tpu.memory_space<vmem>>
    %dma_start3A_30 = arith.constant 0 : i32
    %dma_start3A_31 = tpu.memref_slice %arg5[%dma_start3A_21, %dma_start3A_22, %dma_start3A_30] : memref<2x16x50xi32, #tpu.memory_space<vmem>> -> memref<1x1x50xi32, #tpu.memory_space<vmem>>
    %dma_start3A_32 = tpu.memref_squeeze %dma_start3A_31 : memref<1x1x50xi32, #tpu.memory_space<vmem>> -> memref<50xi32, #tpu.memory_space<vmem>>
    %dma_start3A_33 = arith.constant 0 : i32
    %dma_start3A_34 = arith.constant 0 : i32
    %dma_start3A_35 = tpu.memref_slice %arg2[%dma_start3A_33, %dma_start3A_34] : memref<1000000x32xf32, #tpu.memory_space<hbm>> -> memref<1000000x32xf32, #tpu.memory_space<hbm>>
    %dma_start3A_36 = tpu.memref_slice %arg7[%dma_start3A_25] : memref<2x!tpu.dma_semaphore, #tpu.memory_space<semaphore_mem>> -> memref<1x!tpu.dma_semaphore, #tpu.memory_space<semaphore_mem>>
    %dma_start3A_37 = tpu.memref_squeeze %dma_start3A_36 : memref<1x!tpu.dma_semaphore, #tpu.memory_space<semaphore_mem>> -> memref<!tpu.dma_semaphore, #tpu.memory_space<semaphore_mem>>
    tpu.enqueue_indirect_dma source(%dma_start3A_35 : memref<1000000x32xf32, #tpu.memory_space<hbm>>) target(%dma_start3A_29 : memref<50x32xf32, #tpu.memory_space<vmem>>) offsets(%dma_start3A_32 : memref<50xi32, #tpu.memory_space<vmem>>) semaphore(%dma_start3A_37 : memref<!tpu.dma_semaphore, #tpu.memory_space<semaphore_mem>>)
    %dma_start3A_38 = arith.constant 0 : i32
    %dma_start3A_39 = arith.constant 2 : i32
    %dma_start3A_40 = arith.constant 0 : i32
    %dma_start3A_41 = arith.constant 2 : i32
    %dma_start3A_42 = arith.constant 0 : i32
    %dma_start3A_43 = arith.constant 0 : i32
    %dma_start3A_44 = arith.constant 0 : i32
    %dma_start3A_45 = tpu.memref_slice %arg6[%dma_start3A_40, %dma_start3A_41, %dma_start3A_43, %dma_start3A_44] : memref<2x16x50x32xf32, #tpu.memory_space<vmem>> -> memref<1x1x50x32xf32, #tpu.memory_space<vmem>>
    %dma_start3A_46 = tpu.memref_squeeze %dma_start3A_45 : memref<1x1x50x32xf32, #tpu.memory_space<vmem>> -> memref<50x32xf32, #tpu.memory_space<vmem>>
    %dma_start3A_47 = arith.constant 0 : i32
    %dma_start3A_48 = tpu.memref_slice %arg5[%dma_start3A_38, %dma_start3A_39, %dma_start3A_47] : memref<2x16x50xi32, #tpu.memory_space<vmem>> -> memref<1x1x50xi32, #tpu.memory_space<vmem>>
    %dma_start3A_49 = tpu.memref_squeeze %dma_start3A_48 : memref<1x1x50xi32, #tpu.memory_space<vmem>> -> memref<50xi32, #tpu.memory_space<vmem>>
    %dma_start3A_50 = arith.constant 0 : i32
    %dma_start3A_51 = arith.constant 0 : i32
    %dma_start3A_52 = tpu.memref_slice %arg2[%dma_start3A_50, %dma_start3A_51] : memref<1000000x32xf32, #tpu.memory_space<hbm>> -> memref<1000000x32xf32, #tpu.memory_space<hbm>>
    %dma_start3A_53 = tpu.memref_slice %arg7[%dma_start3A_42] : memref<2x!tpu.dma_semaphore, #tpu.memory_space<semaphore_mem>> -> memref<1x!tpu.dma_semaphore, #tpu.memory_space<semaphore_mem>>
    %dma_start3A_54 = tpu.memref_squeeze %dma_start3A_53 : memref<1x!tpu.dma_semaphore, #tpu.memory_space<semaphore_mem>> -> memref<!tpu.dma_semaphore, #tpu.memory_space<semaphore_mem>>
    tpu.enqueue_indirect_dma source(%dma_start3A_52 : memref<1000000x32xf32, #tpu.memory_space<hbm>>) target(%dma_start3A_46 : memref<50x32xf32, #tpu.memory_space<vmem>>) offsets(%dma_start3A_49 : memref<50xi32, #tpu.memory_space<vmem>>) semaphore(%dma_start3A_54 : memref<!tpu.dma_semaphore, #tpu.memory_space<semaphore_mem>>)
    %dma_start3A_55 = arith.constant 0 : i32
    %dma_start3A_56 = arith.constant 3 : i32
    %dma_start3A_57 = arith.constant 0 : i32
    %dma_start3A_58 = arith.constant 3 : i32
    %dma_start3A_59 = arith.constant 0 : i32
    %dma_start3A_60 = arith.constant 0 : i32
    %dma_start3A_61 = arith.constant 0 : i32
    %dma_start3A_62 = tpu.memref_slice %arg6[%dma_start3A_57, %dma_start3A_58, %dma_start3A_60, %dma_start3A_61] : memref<2x16x50x32xf32, #tpu.memory_space<vmem>> -> memref<1x1x50x32xf32, #tpu.memory_space<vmem>>
    %dma_start3A_63 = tpu.memref_squeeze %dma_start3A_62 : memref<1x1x50x32xf32, #tpu.memory_space<vmem>> -> memref<50x32xf32, #tpu.memory_space<vmem>>
    %dma_start3A_64 = arith.constant 0 : i32
    %dma_start3A_65 = tpu.memref_slice %arg5[%dma_start3A_55, %dma_start3A_56, %dma_start3A_64] : memref<2x16x50xi32, #tpu.memory_space<vmem>> -> memref<1x1x50xi32, #tpu.memory_space<vmem>>
    %dma_start3A_66 = tpu.memref_squeeze %dma_start3A_65 : memref<1x1x50xi32, #tpu.memory_space<vmem>> -> memref<50xi32, #tpu.memory_space<vmem>>
    %dma_start3A_67 = arith.constant 0 : i32
    %dma_start3A_68 = arith.constant 0 : i32
    %dma_start3A_69 = tpu.memref_slice %arg2[%dma_start3A_67, %dma_start3A_68] : memref<1000000x32xf32, #tpu.memory_space<hbm>> -> memref<1000000x32xf32, #tpu.memory_space<hbm>>
    %dma_start3A_70 = tpu.memref_slice %arg7[%dma_start3A_59] : memref<2x!tpu.dma_semaphore, #tpu.memory_space<semaphore_mem>> -> memref<1x!tpu.dma_semaphore, #tpu.memory_space<semaphore_mem>>
    %dma_start3A_71 = tpu.memref_squeeze %dma_start3A_70 : memref<1x!tpu.dma_semaphore, #tpu.memory_space<semaphore_mem>> -> memref<!tpu.dma_semaphore, #tpu.memory_space<semaphore_mem>>
    tpu.enqueue_indirect_dma source(%dma_start3A_69 : memref<1000000x32xf32, #tpu.memory_space<hbm>>) target(%dma_start3A_63 : memref<50x32xf32, #tpu.memory_space<vmem>>) offsets(%dma_start3A_66 : memref<50xi32, #tpu.memory_space<vmem>>) semaphore(%dma_start3A_71 : memref<!tpu.dma_semaphore, #tpu.memory_space<semaphore_mem>>)
    %dma_start3A_72 = arith.constant 0 : i32
    %dma_start3A_73 = arith.constant 4 : i32
    %dma_start3A_74 = arith.constant 0 : i32
    %dma_start3A_75 = arith.constant 4 : i32
    %dma_start3A_76 = arith.constant 0 : i32
    %dma_start3A_77 = arith.constant 0 : i32
    %dma_start3A_78 = arith.constant 0 : i32
    %dma_start3A_79 = tpu.memref_slice %arg6[%dma_start3A_74, %dma_start3A_75, %dma_start3A_77, %dma_start3A_78] : memref<2x16x50x32xf32, #tpu.memory_space<vmem>> -> memref<1x1x50x32xf32, #tpu.memory_space<vmem>>
    %dma_start3A_80 = tpu.memref_squeeze %dma_start3A_79 : memref<1x1x50x32xf32, #tpu.memory_space<vmem>> -> memref<50x32xf32, #tpu.memory_space<vmem>>
    %dma_start3A_81 = arith.constant 0 : i32
    %dma_start3A_82 = tpu.memref_slice %arg5[%dma_start3A_72, %dma_start3A_73, %dma_start3A_81] : memref<2x16x50xi32, #tpu.memory_space<vmem>> -> memref<1x1x50xi32, #tpu.memory_space<vmem>>
    %dma_start3A_83 = tpu.memref_squeeze %dma_start3A_82 : memref<1x1x50xi32, #tpu.memory_space<vmem>> -> memref<50xi32, #tpu.memory_space<vmem>>
    %dma_start3A_84 = arith.constant 0 : i32
    %dma_start3A_85 = arith.constant 0 : i32
    %dma_start3A_86 = tpu.memref_slice %arg2[%dma_start3A_84, %dma_start3A_85] : memref<1000000x32xf32, #tpu.memory_space<hbm>> -> memref<1000000x32xf32, #tpu.memory_space<hbm>>
    %dma_start3A_87 = tpu.memref_slice %arg7[%dma_start3A_76] : memref<2x!tpu.dma_semaphore, #tpu.memory_space<semaphore_mem>> -> memref<1x!tpu.dma_semaphore, #tpu.memory_space<semaphore_mem>>
    %dma_start3A_88 = tpu.memref_squeeze %dma_start3A_87 : memref<1x!tpu.dma_semaphore, #tpu.memory_space<semaphore_mem>> -> memref<!tpu.dma_semaphore, #tpu.memory_space<semaphore_mem>>
    tpu.enqueue_indirect_dma source(%dma_start3A_86 : memref<1000000x32xf32, #tpu.memory_space<hbm>>) target(%dma_start3A_80 : memref<50x32xf32, #tpu.memory_space<vmem>>) offsets(%dma_start3A_83 : memref<50xi32, #tpu.memory_space<vmem>>) semaphore(%dma_start3A_88 : memref<!tpu.dma_semaphore, #tpu.memory_space<semaphore_mem>>)
    %dma_start3A_89 = arith.constant 0 : i32
    %dma_start3A_90 = arith.constant 5 : i32
    %dma_start3A_91 = arith.constant 0 : i32
    %dma_start3A_92 = arith.constant 5 : i32
    %dma_start3A_93 = arith.constant 0 : i32
    %dma_start3A_94 = arith.constant 0 : i32
    %dma_start3A_95 = arith.constant 0 : i32
    %dma_start3A_96 = tpu.memref_slice %arg6[%dma_start3A_91, %dma_start3A_92, %dma_start3A_94, %dma_start3A_95] : memref<2x16x50x32xf32, #tpu.memory_space<vmem>> -> memref<1x1x50x32xf32, #tpu.memory_space<vmem>>
    %dma_start3A_97 = tpu.memref_squeeze %dma_start3A_96 : memref<1x1x50x32xf32, #tpu.memory_space<vmem>> -> memref<50x32xf32, #tpu.memory_space<vmem>>
    %dma_start3A_98 = arith.constant 0 : i32
    %dma_start3A_99 = tpu.memref_slice %arg5[%dma_start3A_89, %dma_start3A_90, %dma_start3A_98] : memref<2x16x50xi32, #tpu.memory_space<vmem>> -> memref<1x1x50xi32, #tpu.memory_space<vmem>>
    %dma_start3A_100 = tpu.memref_squeeze %dma_start3A_99 : memref<1x1x50xi32, #tpu.memory_space<vmem>> -> memref<50xi32, #tpu.memory_space<vmem>>
    %dma_start3A_101 = arith.constant 0 : i32
    %dma_start3A_102 = arith.constant 0 : i32
    %dma_start3A_103 = tpu.memref_slice %arg2[%dma_start3A_101, %dma_start3A_102] : memref<1000000x32xf32, #tpu.memory_space<hbm>> -> memref<1000000x32xf32, #tpu.memory_space<hbm>>
    %dma_start3A_104 = tpu.memref_slice %arg7[%dma_start3A_93] : memref<2x!tpu.dma_semaphore, #tpu.memory_space<semaphore_mem>> -> memref<1x!tpu.dma_semaphore, #tpu.memory_space<semaphore_mem>>
    %dma_start3A_105 = tpu.memref_squeeze %dma_start3A_104 : memref<1x!tpu.dma_semaphore, #tpu.memory_space<semaphore_mem>> -> memref<!tpu.dma_semaphore, #tpu.memory_space<semaphore_mem>>
    tpu.enqueue_indirect_dma source(%dma_start3A_103 : memref<1000000x32xf32, #tpu.memory_space<hbm>>) target(%dma_start3A_97 : memref<50x32xf32, #tpu.memory_space<vmem>>) offsets(%dma_start3A_100 : memref<50xi32, #tpu.memory_space<vmem>>) semaphore(%dma_start3A_105 : memref<!tpu.dma_semaphore, #tpu.memory_space<semaphore_mem>>)
    %dma_start3A_106 = arith.constant 0 : i32
    %dma_start3A_107 = arith.constant 6 : i32
    %dma_start3A_108 = arith.constant 0 : i32
    %dma_start3A_109 = arith.constant 6 : i32
    %dma_start3A_110 = arith.constant 0 : i32
    %dma_start3A_111 = arith.constant 0 : i32
    %dma_start3A_112 = arith.constant 0 : i32
    %dma_start3A_113 = tpu.memref_slice %arg6[%dma_start3A_108, %dma_start3A_109, %dma_start3A_111, %dma_start3A_112] : memref<2x16x50x32xf32, #tpu.memory_space<vmem>> -> memref<1x1x50x32xf32, #tpu.memory_space<vmem>>
    %dma_start3A_114 = tpu.memref_squeeze %dma_start3A_113 : memref<1x1x50x32xf32, #tpu.memory_space<vmem>> -> memref<50x32xf32, #tpu.memory_space<vmem>>
    %dma_start3A_115 = arith.constant 0 : i32
    %dma_start3A_116 = tpu.memref_slice %arg5[%dma_start3A_106, %dma_start3A_107, %dma_start3A_115] : memref<2x16x50xi32, #tpu.memory_space<vmem>> -> memref<1x1x50xi32, #tpu.memory_space<vmem>>
    %dma_start3A_117 = tpu.memref_squeeze %dma_start3A_116 : memref<1x1x50xi32, #tpu.memory_space<vmem>> -> memref<50xi32, #tpu.memory_space<vmem>>
    %dma_start3A_118 = arith.constant 0 : i32
    %dma_start3A_119 = arith.constant 0 : i32
    %dma_start3A_120 = tpu.memref_slice %arg2[%dma_start3A_118, %dma_start3A_119] : memref<1000000x32xf32, #tpu.memory_space<hbm>> -> memref<1000000x32xf32, #tpu.memory_space<hbm>>
    %dma_start3A_121 = tpu.memref_slice %arg7[%dma_start3A_110] : memref<2x!tpu.dma_semaphore, #tpu.memory_space<semaphore_mem>> -> memref<1x!tpu.dma_semaphore, #tpu.memory_space<semaphore_mem>>
    %dma_start3A_122 = tpu.memref_squeeze %dma_start3A_121 : memref<1x!tpu.dma_semaphore, #tpu.memory_space<semaphore_mem>> -> memref<!tpu.dma_semaphore, #tpu.memory_space<semaphore_mem>>
    tpu.enqueue_indirect_dma source(%dma_start3A_120 : memref<1000000x32xf32, #tpu.memory_space<hbm>>) target(%dma_start3A_114 : memref<50x32xf32, #tpu.memory_space<vmem>>) offsets(%dma_start3A_117 : memref<50xi32, #tpu.memory_space<vmem>>) semaphore(%dma_start3A_122 : memref<!tpu.dma_semaphore, #tpu.memory_space<semaphore_mem>>)
    %dma_start3A_123 = arith.constant 0 : i32
    %dma_start3A_124 = arith.constant 7 : i32
    %dma_start3A_125 = arith.constant 0 : i32
    %dma_start3A_126 = arith.constant 7 : i32
    %dma_start3A_127 = arith.constant 0 : i32
    %dma_start3A_128 = arith.constant 0 : i32
    %dma_start3A_129 = arith.constant 0 : i32
    %dma_start3A_130 = tpu.memref_slice %arg6[%dma_start3A_125, %dma_start3A_126, %dma_start3A_128, %dma_start3A_129] : memref<2x16x50x32xf32, #tpu.memory_space<vmem>> -> memref<1x1x50x32xf32, #tpu.memory_space<vmem>>
    %dma_start3A_131 = tpu.memref_squeeze %dma_start3A_130 : memref<1x1x50x32xf32, #tpu.memory_space<vmem>> -> memref<50x32xf32, #tpu.memory_space<vmem>>
    %dma_start3A_132 = arith.constant 0 : i32
    %dma_start3A_133 = tpu.memref_slice %arg5[%dma_start3A_123, %dma_start3A_124, %dma_start3A_132] : memref<2x16x50xi32, #tpu.memory_space<vmem>> -> memref<1x1x50xi32, #tpu.memory_space<vmem>>
    %dma_start3A_134 = tpu.memref_squeeze %dma_start3A_133 : memref<1x1x50xi32, #tpu.memory_space<vmem>> -> memref<50xi32, #tpu.memory_space<vmem>>
    %dma_start3A_135 = arith.constant 0 : i32
    %dma_start3A_136 = arith.constant 0 : i32
    %dma_start3A_137 = tpu.memref_slice %arg2[%dma_start3A_135, %dma_start3A_136] : memref<1000000x32xf32, #tpu.memory_space<hbm>> -> memref<1000000x32xf32, #tpu.memory_space<hbm>>
    %dma_start3A_138 = tpu.memref_slice %arg7[%dma_start3A_127] : memref<2x!tpu.dma_semaphore, #tpu.memory_space<semaphore_mem>> -> memref<1x!tpu.dma_semaphore, #tpu.memory_space<semaphore_mem>>
    %dma_start3A_139 = tpu.memref_squeeze %dma_start3A_138 : memref<1x!tpu.dma_semaphore, #tpu.memory_space<semaphore_mem>> -> memref<!tpu.dma_semaphore, #tpu.memory_space<semaphore_mem>>
    tpu.enqueue_indirect_dma source(%dma_start3A_137 : memref<1000000x32xf32, #tpu.memory_space<hbm>>) target(%dma_start3A_131 : memref<50x32xf32, #tpu.memory_space<vmem>>) offsets(%dma_start3A_134 : memref<50xi32, #tpu.memory_space<vmem>>) semaphore(%dma_start3A_139 : memref<!tpu.dma_semaphore, #tpu.memory_space<semaphore_mem>>)
    %dma_start3A_140 = arith.constant 0 : i32
    %dma_start3A_141 = arith.constant 8 : i32
    %dma_start3A_142 = arith.constant 0 : i32
    %dma_start3A_143 = arith.constant 8 : i32
    %dma_start3A_144 = arith.constant 0 : i32
    %dma_start3A_145 = arith.constant 0 : i32
    %dma_start3A_146 = arith.constant 0 : i32
    %dma_start3A_147 = tpu.memref_slice %arg6[%dma_start3A_142, %dma_start3A_143, %dma_start3A_145, %dma_start3A_146] : memref<2x16x50x32xf32, #tpu.memory_space<vmem>> -> memref<1x1x50x32xf32, #tpu.memory_space<vmem>>
    %dma_start3A_148 = tpu.memref_squeeze %dma_start3A_147 : memref<1x1x50x32xf32, #tpu.memory_space<vmem>> -> memref<50x32xf32, #tpu.memory_space<vmem>>
    %dma_start3A_149 = arith.constant 0 : i32
    %dma_start3A_150 = tpu.memref_slice %arg5[%dma_start3A_140, %dma_start3A_141, %dma_start3A_149] : memref<2x16x50xi32, #tpu.memory_space<vmem>> -> memref<1x1x50xi32, #tpu.memory_space<vmem>>
    %dma_start3A_151 = tpu.memref_squeeze %dma_start3A_150 : memref<1x1x50xi32, #tpu.memory_space<vmem>> -> memref<50xi32, #tpu.memory_space<vmem>>
    %dma_start3A_152 = arith.constant 0 : i32
    %dma_start3A_153 = arith.constant 0 : i32
    %dma_start3A_154 = tpu.memref_slice %arg2[%dma_start3A_152, %dma_start3A_153] : memref<1000000x32xf32, #tpu.memory_space<hbm>> -> memref<1000000x32xf32, #tpu.memory_space<hbm>>
    %dma_start3A_155 = tpu.memref_slice %arg7[%dma_start3A_144] : memref<2x!tpu.dma_semaphore, #tpu.memory_space<semaphore_mem>> -> memref<1x!tpu.dma_semaphore, #tpu.memory_space<semaphore_mem>>
    %dma_start3A_156 = tpu.memref_squeeze %dma_start3A_155 : memref<1x!tpu.dma_semaphore, #tpu.memory_space<semaphore_mem>> -> memref<!tpu.dma_semaphore, #tpu.memory_space<semaphore_mem>>
    tpu.enqueue_indirect_dma source(%dma_start3A_154 : memref<1000000x32xf32, #tpu.memory_space<hbm>>) target(%dma_start3A_148 : memref<50x32xf32, #tpu.memory_space<vmem>>) offsets(%dma_start3A_151 : memref<50xi32, #tpu.memory_space<vmem>>) semaphore(%dma_start3A_156 : memref<!tpu.dma_semaphore, #tpu.memory_space<semaphore_mem>>)
    %dma_start3A_157 = arith.constant 0 : i32
    %dma_start3A_158 = arith.constant 9 : i32
    %dma_start3A_159 = arith.constant 0 : i32
    %dma_start3A_160 = arith.constant 9 : i32
    %dma_start3A_161 = arith.constant 0 : i32
    %dma_start3A_162 = arith.constant 0 : i32
    %dma_start3A_163 = arith.constant 0 : i32
    %dma_start3A_164 = tpu.memref_slice %arg6[%dma_start3A_159, %dma_start3A_160, %dma_start3A_162, %dma_start3A_163] : memref<2x16x50x32xf32, #tpu.memory_space<vmem>> -> memref<1x1x50x32xf32, #tpu.memory_space<vmem>>
    %dma_start3A_165 = tpu.memref_squeeze %dma_start3A_164 : memref<1x1x50x32xf32, #tpu.memory_space<vmem>> -> memref<50x32xf32, #tpu.memory_space<vmem>>
    %dma_start3A_166 = arith.constant 0 : i32
    %dma_start3A_167 = tpu.memref_slice %arg5[%dma_start3A_157, %dma_start3A_158, %dma_start3A_166] : memref<2x16x50xi32, #tpu.memory_space<vmem>> -> memref<1x1x50xi32, #tpu.memory_space<vmem>>
    %dma_start3A_168 = tpu.memref_squeeze %dma_start3A_167 : memref<1x1x50xi32, #tpu.memory_space<vmem>> -> memref<50xi32, #tpu.memory_space<vmem>>
    %dma_start3A_169 = arith.constant 0 : i32
    %dma_start3A_170 = arith.constant 0 : i32
    %dma_start3A_171 = tpu.memref_slice %arg2[%dma_start3A_169, %dma_start3A_170] : memref<1000000x32xf32, #tpu.memory_space<hbm>> -> memref<1000000x32xf32, #tpu.memory_space<hbm>>
    %dma_start3A_172 = tpu.memref_slice %arg7[%dma_start3A_161] : memref<2x!tpu.dma_semaphore, #tpu.memory_space<semaphore_mem>> -> memref<1x!tpu.dma_semaphore, #tpu.memory_space<semaphore_mem>>
    %dma_start3A_173 = tpu.memref_squeeze %dma_start3A_172 : memref<1x!tpu.dma_semaphore, #tpu.memory_space<semaphore_mem>> -> memref<!tpu.dma_semaphore, #tpu.memory_space<semaphore_mem>>
    tpu.enqueue_indirect_dma source(%dma_start3A_171 : memref<1000000x32xf32, #tpu.memory_space<hbm>>) target(%dma_start3A_165 : memref<50x32xf32, #tpu.memory_space<vmem>>) offsets(%dma_start3A_168 : memref<50xi32, #tpu.memory_space<vmem>>) semaphore(%dma_start3A_173 : memref<!tpu.dma_semaphore, #tpu.memory_space<semaphore_mem>>)
    %dma_start3A_174 = arith.constant 0 : i32
    %dma_start3A_175 = arith.constant 10 : i32
    %dma_start3A_176 = arith.constant 0 : i32
    %dma_start3A_177 = arith.constant 10 : i32
    %dma_start3A_178 = arith.constant 0 : i32
    %dma_start3A_179 = arith.constant 0 : i32
    %dma_start3A_180 = arith.constant 0 : i32
    %dma_start3A_181 = tpu.memref_slice %arg6[%dma_start3A_176, %dma_start3A_177, %dma_start3A_179, %dma_start3A_180] : memref<2x16x50x32xf32, #tpu.memory_space<vmem>> -> memref<1x1x50x32xf32, #tpu.memory_space<vmem>>
    %dma_start3A_182 = tpu.memref_squeeze %dma_start3A_181 : memref<1x1x50x32xf32, #tpu.memory_space<vmem>> -> memref<50x32xf32, #tpu.memory_space<vmem>>
    %dma_start3A_183 = arith.constant 0 : i32
    %dma_start3A_184 = tpu.memref_slice %arg5[%dma_start3A_174, %dma_start3A_175, %dma_start3A_183] : memref<2x16x50xi32, #tpu.memory_space<vmem>> -> memref<1x1x50xi32, #tpu.memory_space<vmem>>
    %dma_start3A_185 = tpu.memref_squeeze %dma_start3A_184 : memref<1x1x50xi32, #tpu.memory_space<vmem>> -> memref<50xi32, #tpu.memory_space<vmem>>
    %dma_start3A_186 = arith.constant 0 : i32
    %dma_start3A_187 = arith.constant 0 : i32
    %dma_start3A_188 = tpu.memref_slice %arg2[%dma_start3A_186, %dma_start3A_187] : memref<1000000x32xf32, #tpu.memory_space<hbm>> -> memref<1000000x32xf32, #tpu.memory_space<hbm>>
    %dma_start3A_189 = tpu.memref_slice %arg7[%dma_start3A_178] : memref<2x!tpu.dma_semaphore, #tpu.memory_space<semaphore_mem>> -> memref<1x!tpu.dma_semaphore, #tpu.memory_space<semaphore_mem>>
    %dma_start3A_190 = tpu.memref_squeeze %dma_start3A_189 : memref<1x!tpu.dma_semaphore, #tpu.memory_space<semaphore_mem>> -> memref<!tpu.dma_semaphore, #tpu.memory_space<semaphore_mem>>
    tpu.enqueue_indirect_dma source(%dma_start3A_188 : memref<1000000x32xf32, #tpu.memory_space<hbm>>) target(%dma_start3A_182 : memref<50x32xf32, #tpu.memory_space<vmem>>) offsets(%dma_start3A_185 : memref<50xi32, #tpu.memory_space<vmem>>) semaphore(%dma_start3A_190 : memref<!tpu.dma_semaphore, #tpu.memory_space<semaphore_mem>>)
    %dma_start3A_191 = arith.constant 0 : i32
    %dma_start3A_192 = arith.constant 11 : i32
    %dma_start3A_193 = arith.constant 0 : i32
    %dma_start3A_194 = arith.constant 11 : i32
    %dma_start3A_195 = arith.constant 0 : i32
    %dma_start3A_196 = arith.constant 0 : i32
    %dma_start3A_197 = arith.constant 0 : i32
    %dma_start3A_198 = tpu.memref_slice %arg6[%dma_start3A_193, %dma_start3A_194, %dma_start3A_196, %dma_start3A_197] : memref<2x16x50x32xf32, #tpu.memory_space<vmem>> -> memref<1x1x50x32xf32, #tpu.memory_space<vmem>>
    %dma_start3A_199 = tpu.memref_squeeze %dma_start3A_198 : memref<1x1x50x32xf32, #tpu.memory_space<vmem>> -> memref<50x32xf32, #tpu.memory_space<vmem>>
    %dma_start3A_200 = arith.constant 0 : i32
    %dma_start3A_201 = tpu.memref_slice %arg5[%dma_start3A_191, %dma_start3A_192, %dma_start3A_200] : memref<2x16x50xi32, #tpu.memory_space<vmem>> -> memref<1x1x50xi32, #tpu.memory_space<vmem>>
    %dma_start3A_202 = tpu.memref_squeeze %dma_start3A_201 : memref<1x1x50xi32, #tpu.memory_space<vmem>> -> memref<50xi32, #tpu.memory_space<vmem>>
    %dma_start3A_203 = arith.constant 0 : i32
    %dma_start3A_204 = arith.constant 0 : i32
    %dma_start3A_205 = tpu.memref_slice %arg2[%dma_start3A_203, %dma_start3A_204] : memref<1000000x32xf32, #tpu.memory_space<hbm>> -> memref<1000000x32xf32, #tpu.memory_space<hbm>>
    %dma_start3A_206 = tpu.memref_slice %arg7[%dma_start3A_195] : memref<2x!tpu.dma_semaphore, #tpu.memory_space<semaphore_mem>> -> memref<1x!tpu.dma_semaphore, #tpu.memory_space<semaphore_mem>>
    %dma_start3A_207 = tpu.memref_squeeze %dma_start3A_206 : memref<1x!tpu.dma_semaphore, #tpu.memory_space<semaphore_mem>> -> memref<!tpu.dma_semaphore, #tpu.memory_space<semaphore_mem>>
    tpu.enqueue_indirect_dma source(%dma_start3A_205 : memref<1000000x32xf32, #tpu.memory_space<hbm>>) target(%dma_start3A_199 : memref<50x32xf32, #tpu.memory_space<vmem>>) offsets(%dma_start3A_202 : memref<50xi32, #tpu.memory_space<vmem>>) semaphore(%dma_start3A_207 : memref<!tpu.dma_semaphore, #tpu.memory_space<semaphore_mem>>)
    %dma_start3A_208 = arith.constant 0 : i32
    %dma_start3A_209 = arith.constant 12 : i32
    %dma_start3A_210 = arith.constant 0 : i32
    %dma_start3A_211 = arith.constant 12 : i32
    %dma_start3A_212 = arith.constant 0 : i32
    %dma_start3A_213 = arith.constant 0 : i32
    %dma_start3A_214 = arith.constant 0 : i32
    %dma_start3A_215 = tpu.memref_slice %arg6[%dma_start3A_210, %dma_start3A_211, %dma_start3A_213, %dma_start3A_214] : memref<2x16x50x32xf32, #tpu.memory_space<vmem>> -> memref<1x1x50x32xf32, #tpu.memory_space<vmem>>
    %dma_start3A_216 = tpu.memref_squeeze %dma_start3A_215 : memref<1x1x50x32xf32, #tpu.memory_space<vmem>> -> memref<50x32xf32, #tpu.memory_space<vmem>>
    %dma_start3A_217 = arith.constant 0 : i32
    %dma_start3A_218 = tpu.memref_slice %arg5[%dma_start3A_208, %dma_start3A_209, %dma_start3A_217] : memref<2x16x50xi32, #tpu.memory_space<vmem>> -> memref<1x1x50xi32, #tpu.memory_space<vmem>>
    %dma_start3A_219 = tpu.memref_squeeze %dma_start3A_218 : memref<1x1x50xi32, #tpu.memory_space<vmem>> -> memref<50xi32, #tpu.memory_space<vmem>>
    %dma_start3A_220 = arith.constant 0 : i32
    %dma_start3A_221 = arith.constant 0 : i32
    %dma_start3A_222 = tpu.memref_slice %arg2[%dma_start3A_220, %dma_start3A_221] : memref<1000000x32xf32, #tpu.memory_space<hbm>> -> memref<1000000x32xf32, #tpu.memory_space<hbm>>
    %dma_start3A_223 = tpu.memref_slice %arg7[%dma_start3A_212] : memref<2x!tpu.dma_semaphore, #tpu.memory_space<semaphore_mem>> -> memref<1x!tpu.dma_semaphore, #tpu.memory_space<semaphore_mem>>
    %dma_start3A_224 = tpu.memref_squeeze %dma_start3A_223 : memref<1x!tpu.dma_semaphore, #tpu.memory_space<semaphore_mem>> -> memref<!tpu.dma_semaphore, #tpu.memory_space<semaphore_mem>>
    tpu.enqueue_indirect_dma source(%dma_start3A_222 : memref<1000000x32xf32, #tpu.memory_space<hbm>>) target(%dma_start3A_216 : memref<50x32xf32, #tpu.memory_space<vmem>>) offsets(%dma_start3A_219 : memref<50xi32, #tpu.memory_space<vmem>>) semaphore(%dma_start3A_224 : memref<!tpu.dma_semaphore, #tpu.memory_space<semaphore_mem>>)
    %dma_start3A_225 = arith.constant 0 : i32
    %dma_start3A_226 = arith.constant 13 : i32
    %dma_start3A_227 = arith.constant 0 : i32
    %dma_start3A_228 = arith.constant 13 : i32
    %dma_start3A_229 = arith.constant 0 : i32
    %dma_start3A_230 = arith.constant 0 : i32
    %dma_start3A_231 = arith.constant 0 : i32
    %dma_start3A_232 = tpu.memref_slice %arg6[%dma_start3A_227, %dma_start3A_228, %dma_start3A_230, %dma_start3A_231] : memref<2x16x50x32xf32, #tpu.memory_space<vmem>> -> memref<1x1x50x32xf32, #tpu.memory_space<vmem>>
    %dma_start3A_233 = tpu.memref_squeeze %dma_start3A_232 : memref<1x1x50x32xf32, #tpu.memory_space<vmem>> -> memref<50x32xf32, #tpu.memory_space<vmem>>
    %dma_start3A_234 = arith.constant 0 : i32
    %dma_start3A_235 = tpu.memref_slice %arg5[%dma_start3A_225, %dma_start3A_226, %dma_start3A_234] : memref<2x16x50xi32, #tpu.memory_space<vmem>> -> memref<1x1x50xi32, #tpu.memory_space<vmem>>
    %dma_start3A_236 = tpu.memref_squeeze %dma_start3A_235 : memref<1x1x50xi32, #tpu.memory_space<vmem>> -> memref<50xi32, #tpu.memory_space<vmem>>
    %dma_start3A_237 = arith.constant 0 : i32
    %dma_start3A_238 = arith.constant 0 : i32
    %dma_start3A_239 = tpu.memref_slice %arg2[%dma_start3A_237, %dma_start3A_238] : memref<1000000x32xf32, #tpu.memory_space<hbm>> -> memref<1000000x32xf32, #tpu.memory_space<hbm>>
    %dma_start3A_240 = tpu.memref_slice %arg7[%dma_start3A_229] : memref<2x!tpu.dma_semaphore, #tpu.memory_space<semaphore_mem>> -> memref<1x!tpu.dma_semaphore, #tpu.memory_space<semaphore_mem>>
    %dma_start3A_241 = tpu.memref_squeeze %dma_start3A_240 : memref<1x!tpu.dma_semaphore, #tpu.memory_space<semaphore_mem>> -> memref<!tpu.dma_semaphore, #tpu.memory_space<semaphore_mem>>
    tpu.enqueue_indirect_dma source(%dma_start3A_239 : memref<1000000x32xf32, #tpu.memory_space<hbm>>) target(%dma_start3A_233 : memref<50x32xf32, #tpu.memory_space<vmem>>) offsets(%dma_start3A_236 : memref<50xi32, #tpu.memory_space<vmem>>) semaphore(%dma_start3A_241 : memref<!tpu.dma_semaphore, #tpu.memory_space<semaphore_mem>>)
    %dma_start3A_242 = arith.constant 0 : i32
    %dma_start3A_243 = arith.constant 14 : i32
    %dma_start3A_244 = arith.constant 0 : i32
    %dma_start3A_245 = arith.constant 14 : i32
    %dma_start3A_246 = arith.constant 0 : i32
    %dma_start3A_247 = arith.constant 0 : i32
    %dma_start3A_248 = arith.constant 0 : i32
    %dma_start3A_249 = tpu.memref_slice %arg6[%dma_start3A_244, %dma_start3A_245, %dma_start3A_247, %dma_start3A_248] : memref<2x16x50x32xf32, #tpu.memory_space<vmem>> -> memref<1x1x50x32xf32, #tpu.memory_space<vmem>>
    %dma_start3A_250 = tpu.memref_squeeze %dma_start3A_249 : memref<1x1x50x32xf32, #tpu.memory_space<vmem>> -> memref<50x32xf32, #tpu.memory_space<vmem>>
    %dma_start3A_251 = arith.constant 0 : i32
    %dma_start3A_252 = tpu.memref_slice %arg5[%dma_start3A_242, %dma_start3A_243, %dma_start3A_251] : memref<2x16x50xi32, #tpu.memory_space<vmem>> -> memref<1x1x50xi32, #tpu.memory_space<vmem>>
    %dma_start3A_253 = tpu.memref_squeeze %dma_start3A_252 : memref<1x1x50xi32, #tpu.memory_space<vmem>> -> memref<50xi32, #tpu.memory_space<vmem>>
    %dma_start3A_254 = arith.constant 0 : i32
    %dma_start3A_255 = arith.constant 0 : i32
    %dma_start3A_256 = tpu.memref_slice %arg2[%dma_start3A_254, %dma_start3A_255] : memref<1000000x32xf32, #tpu.memory_space<hbm>> -> memref<1000000x32xf32, #tpu.memory_space<hbm>>
    %dma_start3A_257 = tpu.memref_slice %arg7[%dma_start3A_246] : memref<2x!tpu.dma_semaphore, #tpu.memory_space<semaphore_mem>> -> memref<1x!tpu.dma_semaphore, #tpu.memory_space<semaphore_mem>>
    %dma_start3A_258 = tpu.memref_squeeze %dma_start3A_257 : memref<1x!tpu.dma_semaphore, #tpu.memory_space<semaphore_mem>> -> memref<!tpu.dma_semaphore, #tpu.memory_space<semaphore_mem>>
    tpu.enqueue_indirect_dma source(%dma_start3A_256 : memref<1000000x32xf32, #tpu.memory_space<hbm>>) target(%dma_start3A_250 : memref<50x32xf32, #tpu.memory_space<vmem>>) offsets(%dma_start3A_253 : memref<50xi32, #tpu.memory_space<vmem>>) semaphore(%dma_start3A_258 : memref<!tpu.dma_semaphore, #tpu.memory_space<semaphore_mem>>)
    %dma_start3A_259 = arith.constant 0 : i32
    %dma_start3A_260 = arith.constant 15 : i32
    %dma_start3A_261 = arith.constant 0 : i32
    %dma_start3A_262 = arith.constant 15 : i32
    %dma_start3A_263 = arith.constant 0 : i32
    %dma_start3A_264 = arith.constant 0 : i32
    %dma_start3A_265 = arith.constant 0 : i32
    %dma_start3A_266 = tpu.memref_slice %arg6[%dma_start3A_261, %dma_start3A_262, %dma_start3A_264, %dma_start3A_265] : memref<2x16x50x32xf32, #tpu.memory_space<vmem>> -> memref<1x1x50x32xf32, #tpu.memory_space<vmem>>
    %dma_start3A_267 = tpu.memref_squeeze %dma_start3A_266 : memref<1x1x50x32xf32, #tpu.memory_space<vmem>> -> memref<50x32xf32, #tpu.memory_space<vmem>>
    %dma_start3A_268 = arith.constant 0 : i32
    %dma_start3A_269 = tpu.memref_slice %arg5[%dma_start3A_259, %dma_start3A_260, %dma_start3A_268] : memref<2x16x50xi32, #tpu.memory_space<vmem>> -> memref<1x1x50xi32, #tpu.memory_space<vmem>>
    %dma_start3A_270 = tpu.memref_squeeze %dma_start3A_269 : memref<1x1x50xi32, #tpu.memory_space<vmem>> -> memref<50xi32, #tpu.memory_space<vmem>>
    %dma_start3A_271 = arith.constant 0 : i32
    %dma_start3A_272 = arith.constant 0 : i32
    %dma_start3A_273 = tpu.memref_slice %arg2[%dma_start3A_271, %dma_start3A_272] : memref<1000000x32xf32, #tpu.memory_space<hbm>> -> memref<1000000x32xf32, #tpu.memory_space<hbm>>
    %dma_start3A_274 = tpu.memref_slice %arg7[%dma_start3A_263] : memref<2x!tpu.dma_semaphore, #tpu.memory_space<semaphore_mem>> -> memref<1x!tpu.dma_semaphore, #tpu.memory_space<semaphore_mem>>
    %dma_start3A_275 = tpu.memref_squeeze %dma_start3A_274 : memref<1x!tpu.dma_semaphore, #tpu.memory_space<semaphore_mem>> -> memref<!tpu.dma_semaphore, #tpu.memory_space<semaphore_mem>>
    tpu.enqueue_indirect_dma source(%dma_start3A_273 : memref<1000000x32xf32, #tpu.memory_space<hbm>>) target(%dma_start3A_267 : memref<50x32xf32, #tpu.memory_space<vmem>>) offsets(%dma_start3A_270 : memref<50xi32, #tpu.memory_space<vmem>>) semaphore(%dma_start3A_275 : memref<!tpu.dma_semaphore, #tpu.memory_space<semaphore_mem>>)
    %scan3A = arith.constant 0 : i32
    %scan3A_276 = arith.constant 0 : i32
    %scan3A_277 = arith.constant 16 : i32
    %scan3A_278 = arith.addi %scan3A_276, %scan3A_277 : i32
    %scan3A_279 = arith.constant 1 : i32
    scf.for %scan3A_281 = %scan3A_276 to %scan3A_278 step %scan3A_279  : i32 {
      %mul3A_282 = arith.constant 2 : i32
      %mul3A_283 = arith.muli %mul3A_282, %scan3A_281 : i32
      %add3A_284 = arith.constant 1 : i32
      %add3A_285 = arith.addi %mul3A_283, %add3A_284 : i32
      %mul3A_286 = arith.constant 16 : i32
      %mul3A_287 = arith.muli %add3A_285, %mul3A_286 : i32
      %add3A_288 = arith.addi %mul3A_2, %mul3A_287 : i32
      %run_scoped3A_289 = arith.constant 1 : i32
      "tpu.region"() ({
        %run_scoped3A_1131 = tpu.sem_alloc : memref<!tpu.dma_semaphore, #tpu.memory_space<semaphore_mem>>
        %dma_start3A_1132 = arith.constant 0 : i32
        %dma_start3A_1133 = arith.constant 0 : i32
        %dma_start3A_1134 = tpu.memref_slice %arg5[%run_scoped3A_289, %dma_start3A_1132, %dma_start3A_1133] : memref<2x16x50xi32, #tpu.memory_space<vmem>> -> memref<1x16x50xi32, #tpu.memory_space<vmem>>
        %dma_start3A_1135 = tpu.memref_squeeze %dma_start3A_1134 : memref<1x16x50xi32, #tpu.memory_space<vmem>> -> memref<16x50xi32, #tpu.memory_space<vmem>>
        %dma_start3A_1136 = arith.constant 0 : i32
        %dma_start3A_1137 = tpu.memref_slice %arg3[%add3A_288, %dma_start3A_1136] : memref<16384x50xi32, #tpu.memory_space<hbm>> -> memref<16x50xi32, #tpu.memory_space<hbm>>
        %dma_start3A_1138 = arith.constant 0 : i32
        %dma_start3A_1139 = arith.constant 0 : i32
        %dma_start3A_1140 = tpu.memref_slice %arg5[%run_scoped3A_289, %dma_start3A_1138, %dma_start3A_1139] : memref<2x16x50xi32, #tpu.memory_space<vmem>> -> memref<1x16x50xi32, #tpu.memory_space<vmem>>
        %dma_start3A_1141 = tpu.memref_squeeze %dma_start3A_1140 : memref<1x16x50xi32, #tpu.memory_space<vmem>> -> memref<16x50xi32, #tpu.memory_space<vmem>>
        %dma_start3A_1142 = arith.constant 0 : i32
        %dma_start3A_1143 = tpu.memref_slice %arg3[%add3A_288, %dma_start3A_1142] : memref<16384x50xi32, #tpu.memory_space<hbm>> -> memref<16x50xi32, #tpu.memory_space<hbm>>
        tpu.enqueue_dma source(%dma_start3A_1143 : memref<16x50xi32, #tpu.memory_space<hbm>>) target(%dma_start3A_1141 : memref<16x50xi32, #tpu.memory_space<vmem>>) target_semaphore(%run_scoped3A_1131 : memref<!tpu.dma_semaphore, #tpu.memory_space<semaphore_mem>>)
        %dma_wait3A_1144 = arith.constant 0 : i32
        %dma_wait3A_1145 = arith.constant 0 : i32
        %dma_wait3A_1146 = tpu.memref_slice %arg5[%run_scoped3A_289, %dma_wait3A_1144, %dma_wait3A_1145] : memref<2x16x50xi32, #tpu.memory_space<vmem>> -> memref<1x16x50xi32, #tpu.memory_space<vmem>>
        %dma_wait3A_1147 = tpu.memref_squeeze %dma_wait3A_1146 : memref<1x16x50xi32, #tpu.memory_space<vmem>> -> memref<16x50xi32, #tpu.memory_space<vmem>>
        %dma_wait3A_1148 = arith.constant 0 : i32
        %dma_wait3A_1149 = tpu.memref_slice %arg3[%add3A_288, %dma_wait3A_1148] : memref<16384x50xi32, #tpu.memory_space<hbm>> -> memref<16x50xi32, #tpu.memory_space<hbm>>
        %dma_wait3A_1150 = arith.constant 0 : i32
        %dma_wait3A_1151 = arith.constant 0 : i32
        %dma_wait3A_1152 = tpu.memref_slice %arg5[%run_scoped3A_289, %dma_wait3A_1150, %dma_wait3A_1151] : memref<2x16x50xi32, #tpu.memory_space<vmem>> -> memref<1x16x50xi32, #tpu.memory_space<vmem>>
        %dma_wait3A_1153 = tpu.memref_squeeze %dma_wait3A_1152 : memref<1x16x50xi32, #tpu.memory_space<vmem>> -> memref<16x50xi32, #tpu.memory_space<vmem>>
        %dma_wait3A_1154 = arith.constant 0 : i32
        %dma_wait3A_1155 = tpu.memref_slice %arg3[%add3A_288, %dma_wait3A_1154] : memref<16384x50xi32, #tpu.memory_space<hbm>> -> memref<16x50xi32, #tpu.memory_space<hbm>>
        tpu.wait_dma2 semaphore(%run_scoped3A_1131 : memref<!tpu.dma_semaphore, #tpu.memory_space<semaphore_mem>>) src(%dma_wait3A_1155 : memref<16x50xi32, #tpu.memory_space<hbm>>) dst(%dma_wait3A_1153 : memref<16x50xi32, #tpu.memory_space<vmem>>)
        tpu.yield
      }) : () -> ()
      %dma_start3A_290 = arith.constant 1 : i32
      %dma_start3A_291 = arith.constant 0 : i32
      %dma_start3A_292 = arith.constant 1 : i32
      %dma_start3A_293 = arith.constant 0 : i32
      %dma_start3A_294 = arith.constant 1 : i32
      %dma_start3A_295 = arith.constant 0 : i32
      %dma_start3A_296 = arith.constant 0 : i32
      %dma_start3A_297 = tpu.memref_slice %arg6[%dma_start3A_292, %dma_start3A_293, %dma_start3A_295, %dma_start3A_296] : memref<2x16x50x32xf32, #tpu.memory_space<vmem>> -> memref<1x1x50x32xf32, #tpu.memory_space<vmem>>
      %dma_start3A_298 = tpu.memref_squeeze %dma_start3A_297 : memref<1x1x50x32xf32, #tpu.memory_space<vmem>> -> memref<50x32xf32, #tpu.memory_space<vmem>>
      %dma_start3A_299 = arith.constant 0 : i32
      %dma_start3A_300 = tpu.memref_slice %arg5[%dma_start3A_290, %dma_start3A_291, %dma_start3A_299] : memref<2x16x50xi32, #tpu.memory_space<vmem>> -> memref<1x1x50xi32, #tpu.memory_space<vmem>>
      %dma_start3A_301 = tpu.memref_squeeze %dma_start3A_300 : memref<1x1x50xi32, #tpu.memory_space<vmem>> -> memref<50xi32, #tpu.memory_space<vmem>>
      %dma_start3A_302 = arith.constant 0 : i32
      %dma_start3A_303 = arith.constant 0 : i32
      %dma_start3A_304 = tpu.memref_slice %arg2[%dma_start3A_302, %dma_start3A_303] : memref<1000000x32xf32, #tpu.memory_space<hbm>> -> memref<1000000x32xf32, #tpu.memory_space<hbm>>
      %dma_start3A_305 = tpu.memref_slice %arg7[%dma_start3A_294] : memref<2x!tpu.dma_semaphore, #tpu.memory_space<semaphore_mem>> -> memref<1x!tpu.dma_semaphore, #tpu.memory_space<semaphore_mem>>
      %dma_start3A_306 = tpu.memref_squeeze %dma_start3A_305 : memref<1x!tpu.dma_semaphore, #tpu.memory_space<semaphore_mem>> -> memref<!tpu.dma_semaphore, #tpu.memory_space<semaphore_mem>>
      tpu.enqueue_indirect_dma source(%dma_start3A_304 : memref<1000000x32xf32, #tpu.memory_space<hbm>>) target(%dma_start3A_298 : memref<50x32xf32, #tpu.memory_space<vmem>>) offsets(%dma_start3A_301 : memref<50xi32, #tpu.memory_space<vmem>>) semaphore(%dma_start3A_306 : memref<!tpu.dma_semaphore, #tpu.memory_space<semaphore_mem>>)
      %dma_start3A_307 = arith.constant 1 : i32
      %dma_start3A_308 = arith.constant 1 : i32
      %dma_start3A_309 = arith.constant 1 : i32
      %dma_start3A_310 = arith.constant 1 : i32
      %dma_start3A_311 = arith.constant 1 : i32
      %dma_start3A_312 = arith.constant 0 : i32
      %dma_start3A_313 = arith.constant 0 : i32
      %dma_start3A_314 = tpu.memref_slice %arg6[%dma_start3A_309, %dma_start3A_310, %dma_start3A_312, %dma_start3A_313] : memref<2x16x50x32xf32, #tpu.memory_space<vmem>> -> memref<1x1x50x32xf32, #tpu.memory_space<vmem>>
      %dma_start3A_315 = tpu.memref_squeeze %dma_start3A_314 : memref<1x1x50x32xf32, #tpu.memory_space<vmem>> -> memref<50x32xf32, #tpu.memory_space<vmem>>
      %dma_start3A_316 = arith.constant 0 : i32
      %dma_start3A_317 = tpu.memref_slice %arg5[%dma_start3A_307, %dma_start3A_308, %dma_start3A_316] : memref<2x16x50xi32, #tpu.memory_space<vmem>> -> memref<1x1x50xi32, #tpu.memory_space<vmem>>
      %dma_start3A_318 = tpu.memref_squeeze %dma_start3A_317 : memref<1x1x50xi32, #tpu.memory_space<vmem>> -> memref<50xi32, #tpu.memory_space<vmem>>
      %dma_start3A_319 = arith.constant 0 : i32
      %dma_start3A_320 = arith.constant 0 : i32
      %dma_start3A_321 = tpu.memref_slice %arg2[%dma_start3A_319, %dma_start3A_320] : memref<1000000x32xf32, #tpu.memory_space<hbm>> -> memref<1000000x32xf32, #tpu.memory_space<hbm>>
      %dma_start3A_322 = tpu.memref_slice %arg7[%dma_start3A_311] : memref<2x!tpu.dma_semaphore, #tpu.memory_space<semaphore_mem>> -> memref<1x!tpu.dma_semaphore, #tpu.memory_space<semaphore_mem>>
      %dma_start3A_323 = tpu.memref_squeeze %dma_start3A_322 : memref<1x!tpu.dma_semaphore, #tpu.memory_space<semaphore_mem>> -> memref<!tpu.dma_semaphore, #tpu.memory_space<semaphore_mem>>
      tpu.enqueue_indirect_dma source(%dma_start3A_321 : memref<1000000x32xf32, #tpu.memory_space<hbm>>) target(%dma_start3A_315 : memref<50x32xf32, #tpu.memory_space<vmem>>) offsets(%dma_start3A_318 : memref<50xi32, #tpu.memory_space<vmem>>) semaphore(%dma_start3A_323 : memref<!tpu.dma_semaphore, #tpu.memory_space<semaphore_mem>>)
      %dma_start3A_324 = arith.constant 1 : i32
      %dma_start3A_325 = arith.constant 2 : i32
      %dma_start3A_326 = arith.constant 1 : i32
      %dma_start3A_327 = arith.constant 2 : i32
      %dma_start3A_328 = arith.constant 1 : i32
      %dma_start3A_329 = arith.constant 0 : i32
      %dma_start3A_330 = arith.constant 0 : i32
      %dma_start3A_331 = tpu.memref_slice %arg6[%dma_start3A_326, %dma_start3A_327, %dma_start3A_329, %dma_start3A_330] : memref<2x16x50x32xf32, #tpu.memory_space<vmem>> -> memref<1x1x50x32xf32, #tpu.memory_space<vmem>>
      %dma_start3A_332 = tpu.memref_squeeze %dma_start3A_331 : memref<1x1x50x32xf32, #tpu.memory_space<vmem>> -> memref<50x32xf32, #tpu.memory_space<vmem>>
      %dma_start3A_333 = arith.constant 0 : i32
      %dma_start3A_334 = tpu.memref_slice %arg5[%dma_start3A_324, %dma_start3A_325, %dma_start3A_333] : memref<2x16x50xi32, #tpu.memory_space<vmem>> -> memref<1x1x50xi32, #tpu.memory_space<vmem>>
      %dma_start3A_335 = tpu.memref_squeeze %dma_start3A_334 : memref<1x1x50xi32, #tpu.memory_space<vmem>> -> memref<50xi32, #tpu.memory_space<vmem>>
      %dma_start3A_336 = arith.constant 0 : i32
      %dma_start3A_337 = arith.constant 0 : i32
      %dma_start3A_338 = tpu.memref_slice %arg2[%dma_start3A_336, %dma_start3A_337] : memref<1000000x32xf32, #tpu.memory_space<hbm>> -> memref<1000000x32xf32, #tpu.memory_space<hbm>>
      %dma_start3A_339 = tpu.memref_slice %arg7[%dma_start3A_328] : memref<2x!tpu.dma_semaphore, #tpu.memory_space<semaphore_mem>> -> memref<1x!tpu.dma_semaphore, #tpu.memory_space<semaphore_mem>>
      %dma_start3A_340 = tpu.memref_squeeze %dma_start3A_339 : memref<1x!tpu.dma_semaphore, #tpu.memory_space<semaphore_mem>> -> memref<!tpu.dma_semaphore, #tpu.memory_space<semaphore_mem>>
      tpu.enqueue_indirect_dma source(%dma_start3A_338 : memref<1000000x32xf32, #tpu.memory_space<hbm>>) target(%dma_start3A_332 : memref<50x32xf32, #tpu.memory_space<vmem>>) offsets(%dma_start3A_335 : memref<50xi32, #tpu.memory_space<vmem>>) semaphore(%dma_start3A_340 : memref<!tpu.dma_semaphore, #tpu.memory_space<semaphore_mem>>)
      %dma_start3A_341 = arith.constant 1 : i32
      %dma_start3A_342 = arith.constant 3 : i32
      %dma_start3A_343 = arith.constant 1 : i32
      %dma_start3A_344 = arith.constant 3 : i32
      %dma_start3A_345 = arith.constant 1 : i32
      %dma_start3A_346 = arith.constant 0 : i32
      %dma_start3A_347 = arith.constant 0 : i32
      %dma_start3A_348 = tpu.memref_slice %arg6[%dma_start3A_343, %dma_start3A_344, %dma_start3A_346, %dma_start3A_347] : memref<2x16x50x32xf32, #tpu.memory_space<vmem>> -> memref<1x1x50x32xf32, #tpu.memory_space<vmem>>
      %dma_start3A_349 = tpu.memref_squeeze %dma_start3A_348 : memref<1x1x50x32xf32, #tpu.memory_space<vmem>> -> memref<50x32xf32, #tpu.memory_space<vmem>>
      %dma_start3A_350 = arith.constant 0 : i32
      %dma_start3A_351 = tpu.memref_slice %arg5[%dma_start3A_341, %dma_start3A_342, %dma_start3A_350] : memref<2x16x50xi32, #tpu.memory_space<vmem>> -> memref<1x1x50xi32, #tpu.memory_space<vmem>>
      %dma_start3A_352 = tpu.memref_squeeze %dma_start3A_351 : memref<1x1x50xi32, #tpu.memory_space<vmem>> -> memref<50xi32, #tpu.memory_space<vmem>>
      %dma_start3A_353 = arith.constant 0 : i32
      %dma_start3A_354 = arith.constant 0 : i32
      %dma_start3A_355 = tpu.memref_slice %arg2[%dma_start3A_353, %dma_start3A_354] : memref<1000000x32xf32, #tpu.memory_space<hbm>> -> memref<1000000x32xf32, #tpu.memory_space<hbm>>
      %dma_start3A_356 = tpu.memref_slice %arg7[%dma_start3A_345] : memref<2x!tpu.dma_semaphore, #tpu.memory_space<semaphore_mem>> -> memref<1x!tpu.dma_semaphore, #tpu.memory_space<semaphore_mem>>
      %dma_start3A_357 = tpu.memref_squeeze %dma_start3A_356 : memref<1x!tpu.dma_semaphore, #tpu.memory_space<semaphore_mem>> -> memref<!tpu.dma_semaphore, #tpu.memory_space<semaphore_mem>>
      tpu.enqueue_indirect_dma source(%dma_start3A_355 : memref<1000000x32xf32, #tpu.memory_space<hbm>>) target(%dma_start3A_349 : memref<50x32xf32, #tpu.memory_space<vmem>>) offsets(%dma_start3A_352 : memref<50xi32, #tpu.memory_space<vmem>>) semaphore(%dma_start3A_357 : memref<!tpu.dma_semaphore, #tpu.memory_space<semaphore_mem>>)
      %dma_start3A_358 = arith.constant 1 : i32
      %dma_start3A_359 = arith.constant 4 : i32
      %dma_start3A_360 = arith.constant 1 : i32
      %dma_start3A_361 = arith.constant 4 : i32
      %dma_start3A_362 = arith.constant 1 : i32
      %dma_start3A_363 = arith.constant 0 : i32
      %dma_start3A_364 = arith.constant 0 : i32
      %dma_start3A_365 = tpu.memref_slice %arg6[%dma_start3A_360, %dma_start3A_361, %dma_start3A_363, %dma_start3A_364] : memref<2x16x50x32xf32, #tpu.memory_space<vmem>> -> memref<1x1x50x32xf32, #tpu.memory_space<vmem>>
      %dma_start3A_366 = tpu.memref_squeeze %dma_start3A_365 : memref<1x1x50x32xf32, #tpu.memory_space<vmem>> -> memref<50x32xf32, #tpu.memory_space<vmem>>
      %dma_start3A_367 = arith.constant 0 : i32
      %dma_start3A_368 = tpu.memref_slice %arg5[%dma_start3A_358, %dma_start3A_359, %dma_start3A_367] : memref<2x16x50xi32, #tpu.memory_space<vmem>> -> memref<1x1x50xi32, #tpu.memory_space<vmem>>
      %dma_start3A_369 = tpu.memref_squeeze %dma_start3A_368 : memref<1x1x50xi32, #tpu.memory_space<vmem>> -> memref<50xi32, #tpu.memory_space<vmem>>
      %dma_start3A_370 = arith.constant 0 : i32
      %dma_start3A_371 = arith.constant 0 : i32
      %dma_start3A_372 = tpu.memref_slice %arg2[%dma_start3A_370, %dma_start3A_371] : memref<1000000x32xf32, #tpu.memory_space<hbm>> -> memref<1000000x32xf32, #tpu.memory_space<hbm>>
      %dma_start3A_373 = tpu.memref_slice %arg7[%dma_start3A_362] : memref<2x!tpu.dma_semaphore, #tpu.memory_space<semaphore_mem>> -> memref<1x!tpu.dma_semaphore, #tpu.memory_space<semaphore_mem>>
      %dma_start3A_374 = tpu.memref_squeeze %dma_start3A_373 : memref<1x!tpu.dma_semaphore, #tpu.memory_space<semaphore_mem>> -> memref<!tpu.dma_semaphore, #tpu.memory_space<semaphore_mem>>
      tpu.enqueue_indirect_dma source(%dma_start3A_372 : memref<1000000x32xf32, #tpu.memory_space<hbm>>) target(%dma_start3A_366 : memref<50x32xf32, #tpu.memory_space<vmem>>) offsets(%dma_start3A_369 : memref<50xi32, #tpu.memory_space<vmem>>) semaphore(%dma_start3A_374 : memref<!tpu.dma_semaphore, #tpu.memory_space<semaphore_mem>>)
      %dma_start3A_375 = arith.constant 1 : i32
      %dma_start3A_376 = arith.constant 5 : i32
      %dma_start3A_377 = arith.constant 1 : i32
      %dma_start3A_378 = arith.constant 5 : i32
      %dma_start3A_379 = arith.constant 1 : i32
      %dma_start3A_380 = arith.constant 0 : i32
      %dma_start3A_381 = arith.constant 0 : i32
      %dma_start3A_382 = tpu.memref_slice %arg6[%dma_start3A_377, %dma_start3A_378, %dma_start3A_380, %dma_start3A_381] : memref<2x16x50x32xf32, #tpu.memory_space<vmem>> -> memref<1x1x50x32xf32, #tpu.memory_space<vmem>>
      %dma_start3A_383 = tpu.memref_squeeze %dma_start3A_382 : memref<1x1x50x32xf32, #tpu.memory_space<vmem>> -> memref<50x32xf32, #tpu.memory_space<vmem>>
      %dma_start3A_384 = arith.constant 0 : i32
      %dma_start3A_385 = tpu.memref_slice %arg5[%dma_start3A_375, %dma_start3A_376, %dma_start3A_384] : memref<2x16x50xi32, #tpu.memory_space<vmem>> -> memref<1x1x50xi32, #tpu.memory_space<vmem>>
      %dma_start3A_386 = tpu.memref_squeeze %dma_start3A_385 : memref<1x1x50xi32, #tpu.memory_space<vmem>> -> memref<50xi32, #tpu.memory_space<vmem>>
      %dma_start3A_387 = arith.constant 0 : i32
      %dma_start3A_388 = arith.constant 0 : i32
      %dma_start3A_389 = tpu.memref_slice %arg2[%dma_start3A_387, %dma_start3A_388] : memref<1000000x32xf32, #tpu.memory_space<hbm>> -> memref<1000000x32xf32, #tpu.memory_space<hbm>>
      %dma_start3A_390 = tpu.memref_slice %arg7[%dma_start3A_379] : memref<2x!tpu.dma_semaphore, #tpu.memory_space<semaphore_mem>> -> memref<1x!tpu.dma_semaphore, #tpu.memory_space<semaphore_mem>>
      %dma_start3A_391 = tpu.memref_squeeze %dma_start3A_390 : memref<1x!tpu.dma_semaphore, #tpu.memory_space<semaphore_mem>> -> memref<!tpu.dma_semaphore, #tpu.memory_space<semaphore_mem>>
      tpu.enqueue_indirect_dma source(%dma_start3A_389 : memref<1000000x32xf32, #tpu.memory_space<hbm>>) target(%dma_start3A_383 : memref<50x32xf32, #tpu.memory_space<vmem>>) offsets(%dma_start3A_386 : memref<50xi32, #tpu.memory_space<vmem>>) semaphore(%dma_start3A_391 : memref<!tpu.dma_semaphore, #tpu.memory_space<semaphore_mem>>)
      %dma_start3A_392 = arith.constant 1 : i32
      %dma_start3A_393 = arith.constant 6 : i32
      %dma_start3A_394 = arith.constant 1 : i32
      %dma_start3A_395 = arith.constant 6 : i32
      %dma_start3A_396 = arith.constant 1 : i32
      %dma_start3A_397 = arith.constant 0 : i32
      %dma_start3A_398 = arith.constant 0 : i32
      %dma_start3A_399 = tpu.memref_slice %arg6[%dma_start3A_394, %dma_start3A_395, %dma_start3A_397, %dma_start3A_398] : memref<2x16x50x32xf32, #tpu.memory_space<vmem>> -> memref<1x1x50x32xf32, #tpu.memory_space<vmem>>
      %dma_start3A_400 = tpu.memref_squeeze %dma_start3A_399 : memref<1x1x50x32xf32, #tpu.memory_space<vmem>> -> memref<50x32xf32, #tpu.memory_space<vmem>>
      %dma_start3A_401 = arith.constant 0 : i32
      %dma_start3A_402 = tpu.memref_slice %arg5[%dma_start3A_392, %dma_start3A_393, %dma_start3A_401] : memref<2x16x50xi32, #tpu.memory_space<vmem>> -> memref<1x1x50xi32, #tpu.memory_space<vmem>>
      %dma_start3A_403 = tpu.memref_squeeze %dma_start3A_402 : memref<1x1x50xi32, #tpu.memory_space<vmem>> -> memref<50xi32, #tpu.memory_space<vmem>>
      %dma_start3A_404 = arith.constant 0 : i32
      %dma_start3A_405 = arith.constant 0 : i32
      %dma_start3A_406 = tpu.memref_slice %arg2[%dma_start3A_404, %dma_start3A_405] : memref<1000000x32xf32, #tpu.memory_space<hbm>> -> memref<1000000x32xf32, #tpu.memory_space<hbm>>
      %dma_start3A_407 = tpu.memref_slice %arg7[%dma_start3A_396] : memref<2x!tpu.dma_semaphore, #tpu.memory_space<semaphore_mem>> -> memref<1x!tpu.dma_semaphore, #tpu.memory_space<semaphore_mem>>
      %dma_start3A_408 = tpu.memref_squeeze %dma_start3A_407 : memref<1x!tpu.dma_semaphore, #tpu.memory_space<semaphore_mem>> -> memref<!tpu.dma_semaphore, #tpu.memory_space<semaphore_mem>>
      tpu.enqueue_indirect_dma source(%dma_start3A_406 : memref<1000000x32xf32, #tpu.memory_space<hbm>>) target(%dma_start3A_400 : memref<50x32xf32, #tpu.memory_space<vmem>>) offsets(%dma_start3A_403 : memref<50xi32, #tpu.memory_space<vmem>>) semaphore(%dma_start3A_408 : memref<!tpu.dma_semaphore, #tpu.memory_space<semaphore_mem>>)
      %dma_start3A_409 = arith.constant 1 : i32
      %dma_start3A_410 = arith.constant 7 : i32
      %dma_start3A_411 = arith.constant 1 : i32
      %dma_start3A_412 = arith.constant 7 : i32
      %dma_start3A_413 = arith.constant 1 : i32
      %dma_start3A_414 = arith.constant 0 : i32
      %dma_start3A_415 = arith.constant 0 : i32
      %dma_start3A_416 = tpu.memref_slice %arg6[%dma_start3A_411, %dma_start3A_412, %dma_start3A_414, %dma_start3A_415] : memref<2x16x50x32xf32, #tpu.memory_space<vmem>> -> memref<1x1x50x32xf32, #tpu.memory_space<vmem>>
      %dma_start3A_417 = tpu.memref_squeeze %dma_start3A_416 : memref<1x1x50x32xf32, #tpu.memory_space<vmem>> -> memref<50x32xf32, #tpu.memory_space<vmem>>
      %dma_start3A_418 = arith.constant 0 : i32
      %dma_start3A_419 = tpu.memref_slice %arg5[%dma_start3A_409, %dma_start3A_410, %dma_start3A_418] : memref<2x16x50xi32, #tpu.memory_space<vmem>> -> memref<1x1x50xi32, #tpu.memory_space<vmem>>
      %dma_start3A_420 = tpu.memref_squeeze %dma_start3A_419 : memref<1x1x50xi32, #tpu.memory_space<vmem>> -> memref<50xi32, #tpu.memory_space<vmem>>
      %dma_start3A_421 = arith.constant 0 : i32
      %dma_start3A_422 = arith.constant 0 : i32
      %dma_start3A_423 = tpu.memref_slice %arg2[%dma_start3A_421, %dma_start3A_422] : memref<1000000x32xf32, #tpu.memory_space<hbm>> -> memref<1000000x32xf32, #tpu.memory_space<hbm>>
      %dma_start3A_424 = tpu.memref_slice %arg7[%dma_start3A_413] : memref<2x!tpu.dma_semaphore, #tpu.memory_space<semaphore_mem>> -> memref<1x!tpu.dma_semaphore, #tpu.memory_space<semaphore_mem>>
      %dma_start3A_425 = tpu.memref_squeeze %dma_start3A_424 : memref<1x!tpu.dma_semaphore, #tpu.memory_space<semaphore_mem>> -> memref<!tpu.dma_semaphore, #tpu.memory_space<semaphore_mem>>
      tpu.enqueue_indirect_dma source(%dma_start3A_423 : memref<1000000x32xf32, #tpu.memory_space<hbm>>) target(%dma_start3A_417 : memref<50x32xf32, #tpu.memory_space<vmem>>) offsets(%dma_start3A_420 : memref<50xi32, #tpu.memory_space<vmem>>) semaphore(%dma_start3A_425 : memref<!tpu.dma_semaphore, #tpu.memory_space<semaphore_mem>>)
      %dma_start3A_426 = arith.constant 1 : i32
      %dma_start3A_427 = arith.constant 8 : i32
      %dma_start3A_428 = arith.constant 1 : i32
      %dma_start3A_429 = arith.constant 8 : i32
      %dma_start3A_430 = arith.constant 1 : i32
      %dma_start3A_431 = arith.constant 0 : i32
      %dma_start3A_432 = arith.constant 0 : i32
      %dma_start3A_433 = tpu.memref_slice %arg6[%dma_start3A_428, %dma_start3A_429, %dma_start3A_431, %dma_start3A_432] : memref<2x16x50x32xf32, #tpu.memory_space<vmem>> -> memref<1x1x50x32xf32, #tpu.memory_space<vmem>>
      %dma_start3A_434 = tpu.memref_squeeze %dma_start3A_433 : memref<1x1x50x32xf32, #tpu.memory_space<vmem>> -> memref<50x32xf32, #tpu.memory_space<vmem>>
      %dma_start3A_435 = arith.constant 0 : i32
      %dma_start3A_436 = tpu.memref_slice %arg5[%dma_start3A_426, %dma_start3A_427, %dma_start3A_435] : memref<2x16x50xi32, #tpu.memory_space<vmem>> -> memref<1x1x50xi32, #tpu.memory_space<vmem>>
      %dma_start3A_437 = tpu.memref_squeeze %dma_start3A_436 : memref<1x1x50xi32, #tpu.memory_space<vmem>> -> memref<50xi32, #tpu.memory_space<vmem>>
      %dma_start3A_438 = arith.constant 0 : i32
      %dma_start3A_439 = arith.constant 0 : i32
      %dma_start3A_440 = tpu.memref_slice %arg2[%dma_start3A_438, %dma_start3A_439] : memref<1000000x32xf32, #tpu.memory_space<hbm>> -> memref<1000000x32xf32, #tpu.memory_space<hbm>>
      %dma_start3A_441 = tpu.memref_slice %arg7[%dma_start3A_430] : memref<2x!tpu.dma_semaphore, #tpu.memory_space<semaphore_mem>> -> memref<1x!tpu.dma_semaphore, #tpu.memory_space<semaphore_mem>>
      %dma_start3A_442 = tpu.memref_squeeze %dma_start3A_441 : memref<1x!tpu.dma_semaphore, #tpu.memory_space<semaphore_mem>> -> memref<!tpu.dma_semaphore, #tpu.memory_space<semaphore_mem>>
      tpu.enqueue_indirect_dma source(%dma_start3A_440 : memref<1000000x32xf32, #tpu.memory_space<hbm>>) target(%dma_start3A_434 : memref<50x32xf32, #tpu.memory_space<vmem>>) offsets(%dma_start3A_437 : memref<50xi32, #tpu.memory_space<vmem>>) semaphore(%dma_start3A_442 : memref<!tpu.dma_semaphore, #tpu.memory_space<semaphore_mem>>)
      %dma_start3A_443 = arith.constant 1 : i32
      %dma_start3A_444 = arith.constant 9 : i32
      %dma_start3A_445 = arith.constant 1 : i32
      %dma_start3A_446 = arith.constant 9 : i32
      %dma_start3A_447 = arith.constant 1 : i32
      %dma_start3A_448 = arith.constant 0 : i32
      %dma_start3A_449 = arith.constant 0 : i32
      %dma_start3A_450 = tpu.memref_slice %arg6[%dma_start3A_445, %dma_start3A_446, %dma_start3A_448, %dma_start3A_449] : memref<2x16x50x32xf32, #tpu.memory_space<vmem>> -> memref<1x1x50x32xf32, #tpu.memory_space<vmem>>
      %dma_start3A_451 = tpu.memref_squeeze %dma_start3A_450 : memref<1x1x50x32xf32, #tpu.memory_space<vmem>> -> memref<50x32xf32, #tpu.memory_space<vmem>>
      %dma_start3A_452 = arith.constant 0 : i32
      %dma_start3A_453 = tpu.memref_slice %arg5[%dma_start3A_443, %dma_start3A_444, %dma_start3A_452] : memref<2x16x50xi32, #tpu.memory_space<vmem>> -> memref<1x1x50xi32, #tpu.memory_space<vmem>>
      %dma_start3A_454 = tpu.memref_squeeze %dma_start3A_453 : memref<1x1x50xi32, #tpu.memory_space<vmem>> -> memref<50xi32, #tpu.memory_space<vmem>>
      %dma_start3A_455 = arith.constant 0 : i32
      %dma_start3A_456 = arith.constant 0 : i32
      %dma_start3A_457 = tpu.memref_slice %arg2[%dma_start3A_455, %dma_start3A_456] : memref<1000000x32xf32, #tpu.memory_space<hbm>> -> memref<1000000x32xf32, #tpu.memory_space<hbm>>
      %dma_start3A_458 = tpu.memref_slice %arg7[%dma_start3A_447] : memref<2x!tpu.dma_semaphore, #tpu.memory_space<semaphore_mem>> -> memref<1x!tpu.dma_semaphore, #tpu.memory_space<semaphore_mem>>
      %dma_start3A_459 = tpu.memref_squeeze %dma_start3A_458 : memref<1x!tpu.dma_semaphore, #tpu.memory_space<semaphore_mem>> -> memref<!tpu.dma_semaphore, #tpu.memory_space<semaphore_mem>>
      tpu.enqueue_indirect_dma source(%dma_start3A_457 : memref<1000000x32xf32, #tpu.memory_space<hbm>>) target(%dma_start3A_451 : memref<50x32xf32, #tpu.memory_space<vmem>>) offsets(%dma_start3A_454 : memref<50xi32, #tpu.memory_space<vmem>>) semaphore(%dma_start3A_459 : memref<!tpu.dma_semaphore, #tpu.memory_space<semaphore_mem>>)
      %dma_start3A_460 = arith.constant 1 : i32
      %dma_start3A_461 = arith.constant 10 : i32
      %dma_start3A_462 = arith.constant 1 : i32
      %dma_start3A_463 = arith.constant 10 : i32
      %dma_start3A_464 = arith.constant 1 : i32
      %dma_start3A_465 = arith.constant 0 : i32
      %dma_start3A_466 = arith.constant 0 : i32
      %dma_start3A_467 = tpu.memref_slice %arg6[%dma_start3A_462, %dma_start3A_463, %dma_start3A_465, %dma_start3A_466] : memref<2x16x50x32xf32, #tpu.memory_space<vmem>> -> memref<1x1x50x32xf32, #tpu.memory_space<vmem>>
      %dma_start3A_468 = tpu.memref_squeeze %dma_start3A_467 : memref<1x1x50x32xf32, #tpu.memory_space<vmem>> -> memref<50x32xf32, #tpu.memory_space<vmem>>
      %dma_start3A_469 = arith.constant 0 : i32
      %dma_start3A_470 = tpu.memref_slice %arg5[%dma_start3A_460, %dma_start3A_461, %dma_start3A_469] : memref<2x16x50xi32, #tpu.memory_space<vmem>> -> memref<1x1x50xi32, #tpu.memory_space<vmem>>
      %dma_start3A_471 = tpu.memref_squeeze %dma_start3A_470 : memref<1x1x50xi32, #tpu.memory_space<vmem>> -> memref<50xi32, #tpu.memory_space<vmem>>
      %dma_start3A_472 = arith.constant 0 : i32
      %dma_start3A_473 = arith.constant 0 : i32
      %dma_start3A_474 = tpu.memref_slice %arg2[%dma_start3A_472, %dma_start3A_473] : memref<1000000x32xf32, #tpu.memory_space<hbm>> -> memref<1000000x32xf32, #tpu.memory_space<hbm>>
      %dma_start3A_475 = tpu.memref_slice %arg7[%dma_start3A_464] : memref<2x!tpu.dma_semaphore, #tpu.memory_space<semaphore_mem>> -> memref<1x!tpu.dma_semaphore, #tpu.memory_space<semaphore_mem>>
      %dma_start3A_476 = tpu.memref_squeeze %dma_start3A_475 : memref<1x!tpu.dma_semaphore, #tpu.memory_space<semaphore_mem>> -> memref<!tpu.dma_semaphore, #tpu.memory_space<semaphore_mem>>
      tpu.enqueue_indirect_dma source(%dma_start3A_474 : memref<1000000x32xf32, #tpu.memory_space<hbm>>) target(%dma_start3A_468 : memref<50x32xf32, #tpu.memory_space<vmem>>) offsets(%dma_start3A_471 : memref<50xi32, #tpu.memory_space<vmem>>) semaphore(%dma_start3A_476 : memref<!tpu.dma_semaphore, #tpu.memory_space<semaphore_mem>>)
      %dma_start3A_477 = arith.constant 1 : i32
      %dma_start3A_478 = arith.constant 11 : i32
      %dma_start3A_479 = arith.constant 1 : i32
      %dma_start3A_480 = arith.constant 11 : i32
      %dma_start3A_481 = arith.constant 1 : i32
      %dma_start3A_482 = arith.constant 0 : i32
      %dma_start3A_483 = arith.constant 0 : i32
      %dma_start3A_484 = tpu.memref_slice %arg6[%dma_start3A_479, %dma_start3A_480, %dma_start3A_482, %dma_start3A_483] : memref<2x16x50x32xf32, #tpu.memory_space<vmem>> -> memref<1x1x50x32xf32, #tpu.memory_space<vmem>>
      %dma_start3A_485 = tpu.memref_squeeze %dma_start3A_484 : memref<1x1x50x32xf32, #tpu.memory_space<vmem>> -> memref<50x32xf32, #tpu.memory_space<vmem>>
      %dma_start3A_486 = arith.constant 0 : i32
      %dma_start3A_487 = tpu.memref_slice %arg5[%dma_start3A_477, %dma_start3A_478, %dma_start3A_486] : memref<2x16x50xi32, #tpu.memory_space<vmem>> -> memref<1x1x50xi32, #tpu.memory_space<vmem>>
      %dma_start3A_488 = tpu.memref_squeeze %dma_start3A_487 : memref<1x1x50xi32, #tpu.memory_space<vmem>> -> memref<50xi32, #tpu.memory_space<vmem>>
      %dma_start3A_489 = arith.constant 0 : i32
      %dma_start3A_490 = arith.constant 0 : i32
      %dma_start3A_491 = tpu.memref_slice %arg2[%dma_start3A_489, %dma_start3A_490] : memref<1000000x32xf32, #tpu.memory_space<hbm>> -> memref<1000000x32xf32, #tpu.memory_space<hbm>>
      %dma_start3A_492 = tpu.memref_slice %arg7[%dma_start3A_481] : memref<2x!tpu.dma_semaphore, #tpu.memory_space<semaphore_mem>> -> memref<1x!tpu.dma_semaphore, #tpu.memory_space<semaphore_mem>>
      %dma_start3A_493 = tpu.memref_squeeze %dma_start3A_492 : memref<1x!tpu.dma_semaphore, #tpu.memory_space<semaphore_mem>> -> memref<!tpu.dma_semaphore, #tpu.memory_space<semaphore_mem>>
      tpu.enqueue_indirect_dma source(%dma_start3A_491 : memref<1000000x32xf32, #tpu.memory_space<hbm>>) target(%dma_start3A_485 : memref<50x32xf32, #tpu.memory_space<vmem>>) offsets(%dma_start3A_488 : memref<50xi32, #tpu.memory_space<vmem>>) semaphore(%dma_start3A_493 : memref<!tpu.dma_semaphore, #tpu.memory_space<semaphore_mem>>)
      %dma_start3A_494 = arith.constant 1 : i32
      %dma_start3A_495 = arith.constant 12 : i32
      %dma_start3A_496 = arith.constant 1 : i32
      %dma_start3A_497 = arith.constant 12 : i32
      %dma_start3A_498 = arith.constant 1 : i32
      %dma_start3A_499 = arith.constant 0 : i32
      %dma_start3A_500 = arith.constant 0 : i32
      %dma_start3A_501 = tpu.memref_slice %arg6[%dma_start3A_496, %dma_start3A_497, %dma_start3A_499, %dma_start3A_500] : memref<2x16x50x32xf32, #tpu.memory_space<vmem>> -> memref<1x1x50x32xf32, #tpu.memory_space<vmem>>
      %dma_start3A_502 = tpu.memref_squeeze %dma_start3A_501 : memref<1x1x50x32xf32, #tpu.memory_space<vmem>> -> memref<50x32xf32, #tpu.memory_space<vmem>>
      %dma_start3A_503 = arith.constant 0 : i32
      %dma_start3A_504 = tpu.memref_slice %arg5[%dma_start3A_494, %dma_start3A_495, %dma_start3A_503] : memref<2x16x50xi32, #tpu.memory_space<vmem>> -> memref<1x1x50xi32, #tpu.memory_space<vmem>>
      %dma_start3A_505 = tpu.memref_squeeze %dma_start3A_504 : memref<1x1x50xi32, #tpu.memory_space<vmem>> -> memref<50xi32, #tpu.memory_space<vmem>>
      %dma_start3A_506 = arith.constant 0 : i32
      %dma_start3A_507 = arith.constant 0 : i32
      %dma_start3A_508 = tpu.memref_slice %arg2[%dma_start3A_506, %dma_start3A_507] : memref<1000000x32xf32, #tpu.memory_space<hbm>> -> memref<1000000x32xf32, #tpu.memory_space<hbm>>
      %dma_start3A_509 = tpu.memref_slice %arg7[%dma_start3A_498] : memref<2x!tpu.dma_semaphore, #tpu.memory_space<semaphore_mem>> -> memref<1x!tpu.dma_semaphore, #tpu.memory_space<semaphore_mem>>
      %dma_start3A_510 = tpu.memref_squeeze %dma_start3A_509 : memref<1x!tpu.dma_semaphore, #tpu.memory_space<semaphore_mem>> -> memref<!tpu.dma_semaphore, #tpu.memory_space<semaphore_mem>>
      tpu.enqueue_indirect_dma source(%dma_start3A_508 : memref<1000000x32xf32, #tpu.memory_space<hbm>>) target(%dma_start3A_502 : memref<50x32xf32, #tpu.memory_space<vmem>>) offsets(%dma_start3A_505 : memref<50xi32, #tpu.memory_space<vmem>>) semaphore(%dma_start3A_510 : memref<!tpu.dma_semaphore, #tpu.memory_space<semaphore_mem>>)
      %dma_start3A_511 = arith.constant 1 : i32
      %dma_start3A_512 = arith.constant 13 : i32
      %dma_start3A_513 = arith.constant 1 : i32
      %dma_start3A_514 = arith.constant 13 : i32
      %dma_start3A_515 = arith.constant 1 : i32
      %dma_start3A_516 = arith.constant 0 : i32
      %dma_start3A_517 = arith.constant 0 : i32
      %dma_start3A_518 = tpu.memref_slice %arg6[%dma_start3A_513, %dma_start3A_514, %dma_start3A_516, %dma_start3A_517] : memref<2x16x50x32xf32, #tpu.memory_space<vmem>> -> memref<1x1x50x32xf32, #tpu.memory_space<vmem>>
      %dma_start3A_519 = tpu.memref_squeeze %dma_start3A_518 : memref<1x1x50x32xf32, #tpu.memory_space<vmem>> -> memref<50x32xf32, #tpu.memory_space<vmem>>
      %dma_start3A_520 = arith.constant 0 : i32
      %dma_start3A_521 = tpu.memref_slice %arg5[%dma_start3A_511, %dma_start3A_512, %dma_start3A_520] : memref<2x16x50xi32, #tpu.memory_space<vmem>> -> memref<1x1x50xi32, #tpu.memory_space<vmem>>
      %dma_start3A_522 = tpu.memref_squeeze %dma_start3A_521 : memref<1x1x50xi32, #tpu.memory_space<vmem>> -> memref<50xi32, #tpu.memory_space<vmem>>
      %dma_start3A_523 = arith.constant 0 : i32
      %dma_start3A_524 = arith.constant 0 : i32
      %dma_start3A_525 = tpu.memref_slice %arg2[%dma_start3A_523, %dma_start3A_524] : memref<1000000x32xf32, #tpu.memory_space<hbm>> -> memref<1000000x32xf32, #tpu.memory_space<hbm>>
      %dma_start3A_526 = tpu.memref_slice %arg7[%dma_start3A_515] : memref<2x!tpu.dma_semaphore, #tpu.memory_space<semaphore_mem>> -> memref<1x!tpu.dma_semaphore, #tpu.memory_space<semaphore_mem>>
      %dma_start3A_527 = tpu.memref_squeeze %dma_start3A_526 : memref<1x!tpu.dma_semaphore, #tpu.memory_space<semaphore_mem>> -> memref<!tpu.dma_semaphore, #tpu.memory_space<semaphore_mem>>
      tpu.enqueue_indirect_dma source(%dma_start3A_525 : memref<1000000x32xf32, #tpu.memory_space<hbm>>) target(%dma_start3A_519 : memref<50x32xf32, #tpu.memory_space<vmem>>) offsets(%dma_start3A_522 : memref<50xi32, #tpu.memory_space<vmem>>) semaphore(%dma_start3A_527 : memref<!tpu.dma_semaphore, #tpu.memory_space<semaphore_mem>>)
      %dma_start3A_528 = arith.constant 1 : i32
      %dma_start3A_529 = arith.constant 14 : i32
      %dma_start3A_530 = arith.constant 1 : i32
      %dma_start3A_531 = arith.constant 14 : i32
      %dma_start3A_532 = arith.constant 1 : i32
      %dma_start3A_533 = arith.constant 0 : i32
      %dma_start3A_534 = arith.constant 0 : i32
      %dma_start3A_535 = tpu.memref_slice %arg6[%dma_start3A_530, %dma_start3A_531, %dma_start3A_533, %dma_start3A_534] : memref<2x16x50x32xf32, #tpu.memory_space<vmem>> -> memref<1x1x50x32xf32, #tpu.memory_space<vmem>>
      %dma_start3A_536 = tpu.memref_squeeze %dma_start3A_535 : memref<1x1x50x32xf32, #tpu.memory_space<vmem>> -> memref<50x32xf32, #tpu.memory_space<vmem>>
      %dma_start3A_537 = arith.constant 0 : i32
      %dma_start3A_538 = tpu.memref_slice %arg5[%dma_start3A_528, %dma_start3A_529, %dma_start3A_537] : memref<2x16x50xi32, #tpu.memory_space<vmem>> -> memref<1x1x50xi32, #tpu.memory_space<vmem>>
      %dma_start3A_539 = tpu.memref_squeeze %dma_start3A_538 : memref<1x1x50xi32, #tpu.memory_space<vmem>> -> memref<50xi32, #tpu.memory_space<vmem>>
      %dma_start3A_540 = arith.constant 0 : i32
      %dma_start3A_541 = arith.constant 0 : i32
      %dma_start3A_542 = tpu.memref_slice %arg2[%dma_start3A_540, %dma_start3A_541] : memref<1000000x32xf32, #tpu.memory_space<hbm>> -> memref<1000000x32xf32, #tpu.memory_space<hbm>>
      %dma_start3A_543 = tpu.memref_slice %arg7[%dma_start3A_532] : memref<2x!tpu.dma_semaphore, #tpu.memory_space<semaphore_mem>> -> memref<1x!tpu.dma_semaphore, #tpu.memory_space<semaphore_mem>>
      %dma_start3A_544 = tpu.memref_squeeze %dma_start3A_543 : memref<1x!tpu.dma_semaphore, #tpu.memory_space<semaphore_mem>> -> memref<!tpu.dma_semaphore, #tpu.memory_space<semaphore_mem>>
      tpu.enqueue_indirect_dma source(%dma_start3A_542 : memref<1000000x32xf32, #tpu.memory_space<hbm>>) target(%dma_start3A_536 : memref<50x32xf32, #tpu.memory_space<vmem>>) offsets(%dma_start3A_539 : memref<50xi32, #tpu.memory_space<vmem>>) semaphore(%dma_start3A_544 : memref<!tpu.dma_semaphore, #tpu.memory_space<semaphore_mem>>)
      %dma_start3A_545 = arith.constant 1 : i32
      %dma_start3A_546 = arith.constant 15 : i32
      %dma_start3A_547 = arith.constant 1 : i32
      %dma_start3A_548 = arith.constant 15 : i32
      %dma_start3A_549 = arith.constant 1 : i32
      %dma_start3A_550 = arith.constant 0 : i32
      %dma_start3A_551 = arith.constant 0 : i32
      %dma_start3A_552 = tpu.memref_slice %arg6[%dma_start3A_547, %dma_start3A_548, %dma_start3A_550, %dma_start3A_551] : memref<2x16x50x32xf32, #tpu.memory_space<vmem>> -> memref<1x1x50x32xf32, #tpu.memory_space<vmem>>
      %dma_start3A_553 = tpu.memref_squeeze %dma_start3A_552 : memref<1x1x50x32xf32, #tpu.memory_space<vmem>> -> memref<50x32xf32, #tpu.memory_space<vmem>>
      %dma_start3A_554 = arith.constant 0 : i32
      %dma_start3A_555 = tpu.memref_slice %arg5[%dma_start3A_545, %dma_start3A_546, %dma_start3A_554] : memref<2x16x50xi32, #tpu.memory_space<vmem>> -> memref<1x1x50xi32, #tpu.memory_space<vmem>>
      %dma_start3A_556 = tpu.memref_squeeze %dma_start3A_555 : memref<1x1x50xi32, #tpu.memory_space<vmem>> -> memref<50xi32, #tpu.memory_space<vmem>>
      %dma_start3A_557 = arith.constant 0 : i32
      %dma_start3A_558 = arith.constant 0 : i32
      %dma_start3A_559 = tpu.memref_slice %arg2[%dma_start3A_557, %dma_start3A_558] : memref<1000000x32xf32, #tpu.memory_space<hbm>> -> memref<1000000x32xf32, #tpu.memory_space<hbm>>
      %dma_start3A_560 = tpu.memref_slice %arg7[%dma_start3A_549] : memref<2x!tpu.dma_semaphore, #tpu.memory_space<semaphore_mem>> -> memref<1x!tpu.dma_semaphore, #tpu.memory_space<semaphore_mem>>
      %dma_start3A_561 = tpu.memref_squeeze %dma_start3A_560 : memref<1x!tpu.dma_semaphore, #tpu.memory_space<semaphore_mem>> -> memref<!tpu.dma_semaphore, #tpu.memory_space<semaphore_mem>>
      tpu.enqueue_indirect_dma source(%dma_start3A_559 : memref<1000000x32xf32, #tpu.memory_space<hbm>>) target(%dma_start3A_553 : memref<50x32xf32, #tpu.memory_space<vmem>>) offsets(%dma_start3A_556 : memref<50xi32, #tpu.memory_space<vmem>>) semaphore(%dma_start3A_561 : memref<!tpu.dma_semaphore, #tpu.memory_space<semaphore_mem>>)
      %dma_wait3A = arith.constant 0 : i32
      %dma_wait3A_562 = arith.constant 0 : i32
      %dma_wait3A_563 = arith.constant 0 : i32
      %dma_wait3A_564 = arith.constant 0 : i32
      %dma_wait3A_565 = arith.constant 0 : i32
      %dma_wait3A_566 = arith.constant 0 : i32
      %dma_wait3A_567 = arith.constant 0 : i32
      %dma_wait3A_568 = tpu.memref_slice %arg6[%dma_wait3A_563, %dma_wait3A_564, %dma_wait3A_566, %dma_wait3A_567] : memref<2x16x50x32xf32, #tpu.memory_space<vmem>> -> memref<1x1x50x32xf32, #tpu.memory_space<vmem>>
      %dma_wait3A_569 = tpu.memref_squeeze %dma_wait3A_568 : memref<1x1x50x32xf32, #tpu.memory_space<vmem>> -> memref<50x32xf32, #tpu.memory_space<vmem>>
      %dma_wait3A_570 = arith.constant 0 : i32
      %dma_wait3A_571 = tpu.memref_slice %arg5[%dma_wait3A, %dma_wait3A_562, %dma_wait3A_570] : memref<2x16x50xi32, #tpu.memory_space<vmem>> -> memref<1x1x50xi32, #tpu.memory_space<vmem>>
      %dma_wait3A_572 = tpu.memref_squeeze %dma_wait3A_571 : memref<1x1x50xi32, #tpu.memory_space<vmem>> -> memref<50xi32, #tpu.memory_space<vmem>>
      %dma_wait3A_573 = arith.constant 0 : i32
      %dma_wait3A_574 = arith.constant 0 : i32
      %dma_wait3A_575 = tpu.memref_slice %arg2[%dma_wait3A_573, %dma_wait3A_574] : memref<1000000x32xf32, #tpu.memory_space<hbm>> -> memref<1000000x32xf32, #tpu.memory_space<hbm>>
      %dma_wait3A_576 = tpu.memref_slice %arg7[%dma_wait3A_565] : memref<2x!tpu.dma_semaphore, #tpu.memory_space<semaphore_mem>> -> memref<1x!tpu.dma_semaphore, #tpu.memory_space<semaphore_mem>>
      %dma_wait3A_577 = tpu.memref_squeeze %dma_wait3A_576 : memref<1x!tpu.dma_semaphore, #tpu.memory_space<semaphore_mem>> -> memref<!tpu.dma_semaphore, #tpu.memory_space<semaphore_mem>>
      tpu.wait_indirect_dma semaphore(%dma_wait3A_577 : memref<!tpu.dma_semaphore, #tpu.memory_space<semaphore_mem>>) src(%dma_wait3A_575 : memref<1000000x32xf32, #tpu.memory_space<hbm>>) dst(%dma_wait3A_569 : memref<50x32xf32, #tpu.memory_space<vmem>>)
      %dma_wait3A_578 = arith.constant 0 : i32
      %dma_wait3A_579 = arith.constant 1 : i32
      %dma_wait3A_580 = arith.constant 0 : i32
      %dma_wait3A_581 = arith.constant 1 : i32
      %dma_wait3A_582 = arith.constant 0 : i32
      %dma_wait3A_583 = arith.constant 0 : i32
      %dma_wait3A_584 = arith.constant 0 : i32
      %dma_wait3A_585 = tpu.memref_slice %arg6[%dma_wait3A_580, %dma_wait3A_581, %dma_wait3A_583, %dma_wait3A_584] : memref<2x16x50x32xf32, #tpu.memory_space<vmem>> -> memref<1x1x50x32xf32, #tpu.memory_space<vmem>>
      %dma_wait3A_586 = tpu.memref_squeeze %dma_wait3A_585 : memref<1x1x50x32xf32, #tpu.memory_space<vmem>> -> memref<50x32xf32, #tpu.memory_space<vmem>>
      %dma_wait3A_587 = arith.constant 0 : i32
      %dma_wait3A_588 = tpu.memref_slice %arg5[%dma_wait3A_578, %dma_wait3A_579, %dma_wait3A_587] : memref<2x16x50xi32, #tpu.memory_space<vmem>> -> memref<1x1x50xi32, #tpu.memory_space<vmem>>
      %dma_wait3A_589 = tpu.memref_squeeze %dma_wait3A_588 : memref<1x1x50xi32, #tpu.memory_space<vmem>> -> memref<50xi32, #tpu.memory_space<vmem>>
      %dma_wait3A_590 = arith.constant 0 : i32
      %dma_wait3A_591 = arith.constant 0 : i32
      %dma_wait3A_592 = tpu.memref_slice %arg2[%dma_wait3A_590, %dma_wait3A_591] : memref<1000000x32xf32, #tpu.memory_space<hbm>> -> memref<1000000x32xf32, #tpu.memory_space<hbm>>
      %dma_wait3A_593 = tpu.memref_slice %arg7[%dma_wait3A_582] : memref<2x!tpu.dma_semaphore, #tpu.memory_space<semaphore_mem>> -> memref<1x!tpu.dma_semaphore, #tpu.memory_space<semaphore_mem>>
      %dma_wait3A_594 = tpu.memref_squeeze %dma_wait3A_593 : memref<1x!tpu.dma_semaphore, #tpu.memory_space<semaphore_mem>> -> memref<!tpu.dma_semaphore, #tpu.memory_space<semaphore_mem>>
      tpu.wait_indirect_dma semaphore(%dma_wait3A_594 : memref<!tpu.dma_semaphore, #tpu.memory_space<semaphore_mem>>) src(%dma_wait3A_592 : memref<1000000x32xf32, #tpu.memory_space<hbm>>) dst(%dma_wait3A_586 : memref<50x32xf32, #tpu.memory_space<vmem>>)
      %dma_wait3A_595 = arith.constant 0 : i32
      %dma_wait3A_596 = arith.constant 2 : i32
      %dma_wait3A_597 = arith.constant 0 : i32
      %dma_wait3A_598 = arith.constant 2 : i32
      %dma_wait3A_599 = arith.constant 0 : i32
      %dma_wait3A_600 = arith.constant 0 : i32
      %dma_wait3A_601 = arith.constant 0 : i32
      %dma_wait3A_602 = tpu.memref_slice %arg6[%dma_wait3A_597, %dma_wait3A_598, %dma_wait3A_600, %dma_wait3A_601] : memref<2x16x50x32xf32, #tpu.memory_space<vmem>> -> memref<1x1x50x32xf32, #tpu.memory_space<vmem>>
      %dma_wait3A_603 = tpu.memref_squeeze %dma_wait3A_602 : memref<1x1x50x32xf32, #tpu.memory_space<vmem>> -> memref<50x32xf32, #tpu.memory_space<vmem>>
      %dma_wait3A_604 = arith.constant 0 : i32
      %dma_wait3A_605 = tpu.memref_slice %arg5[%dma_wait3A_595, %dma_wait3A_596, %dma_wait3A_604] : memref<2x16x50xi32, #tpu.memory_space<vmem>> -> memref<1x1x50xi32, #tpu.memory_space<vmem>>
      %dma_wait3A_606 = tpu.memref_squeeze %dma_wait3A_605 : memref<1x1x50xi32, #tpu.memory_space<vmem>> -> memref<50xi32, #tpu.memory_space<vmem>>
      %dma_wait3A_607 = arith.constant 0 : i32
      %dma_wait3A_608 = arith.constant 0 : i32
      %dma_wait3A_609 = tpu.memref_slice %arg2[%dma_wait3A_607, %dma_wait3A_608] : memref<1000000x32xf32, #tpu.memory_space<hbm>> -> memref<1000000x32xf32, #tpu.memory_space<hbm>>
      %dma_wait3A_610 = tpu.memref_slice %arg7[%dma_wait3A_599] : memref<2x!tpu.dma_semaphore, #tpu.memory_space<semaphore_mem>> -> memref<1x!tpu.dma_semaphore, #tpu.memory_space<semaphore_mem>>
      %dma_wait3A_611 = tpu.memref_squeeze %dma_wait3A_610 : memref<1x!tpu.dma_semaphore, #tpu.memory_space<semaphore_mem>> -> memref<!tpu.dma_semaphore, #tpu.memory_space<semaphore_mem>>
      tpu.wait_indirect_dma semaphore(%dma_wait3A_611 : memref<!tpu.dma_semaphore, #tpu.memory_space<semaphore_mem>>) src(%dma_wait3A_609 : memref<1000000x32xf32, #tpu.memory_space<hbm>>) dst(%dma_wait3A_603 : memref<50x32xf32, #tpu.memory_space<vmem>>)
      %dma_wait3A_612 = arith.constant 0 : i32
      %dma_wait3A_613 = arith.constant 3 : i32
      %dma_wait3A_614 = arith.constant 0 : i32
      %dma_wait3A_615 = arith.constant 3 : i32
      %dma_wait3A_616 = arith.constant 0 : i32
      %dma_wait3A_617 = arith.constant 0 : i32
      %dma_wait3A_618 = arith.constant 0 : i32
      %dma_wait3A_619 = tpu.memref_slice %arg6[%dma_wait3A_614, %dma_wait3A_615, %dma_wait3A_617, %dma_wait3A_618] : memref<2x16x50x32xf32, #tpu.memory_space<vmem>> -> memref<1x1x50x32xf32, #tpu.memory_space<vmem>>
      %dma_wait3A_620 = tpu.memref_squeeze %dma_wait3A_619 : memref<1x1x50x32xf32, #tpu.memory_space<vmem>> -> memref<50x32xf32, #tpu.memory_space<vmem>>
      %dma_wait3A_621 = arith.constant 0 : i32
      %dma_wait3A_622 = tpu.memref_slice %arg5[%dma_wait3A_612, %dma_wait3A_613, %dma_wait3A_621] : memref<2x16x50xi32, #tpu.memory_space<vmem>> -> memref<1x1x50xi32, #tpu.memory_space<vmem>>
      %dma_wait3A_623 = tpu.memref_squeeze %dma_wait3A_622 : memref<1x1x50xi32, #tpu.memory_space<vmem>> -> memref<50xi32, #tpu.memory_space<vmem>>
      %dma_wait3A_624 = arith.constant 0 : i32
      %dma_wait3A_625 = arith.constant 0 : i32
      %dma_wait3A_626 = tpu.memref_slice %arg2[%dma_wait3A_624, %dma_wait3A_625] : memref<1000000x32xf32, #tpu.memory_space<hbm>> -> memref<1000000x32xf32, #tpu.memory_space<hbm>>
      %dma_wait3A_627 = tpu.memref_slice %arg7[%dma_wait3A_616] : memref<2x!tpu.dma_semaphore, #tpu.memory_space<semaphore_mem>> -> memref<1x!tpu.dma_semaphore, #tpu.memory_space<semaphore_mem>>
      %dma_wait3A_628 = tpu.memref_squeeze %dma_wait3A_627 : memref<1x!tpu.dma_semaphore, #tpu.memory_space<semaphore_mem>> -> memref<!tpu.dma_semaphore, #tpu.memory_space<semaphore_mem>>
      tpu.wait_indirect_dma semaphore(%dma_wait3A_628 : memref<!tpu.dma_semaphore, #tpu.memory_space<semaphore_mem>>) src(%dma_wait3A_626 : memref<1000000x32xf32, #tpu.memory_space<hbm>>) dst(%dma_wait3A_620 : memref<50x32xf32, #tpu.memory_space<vmem>>)
      %dma_wait3A_629 = arith.constant 0 : i32
      %dma_wait3A_630 = arith.constant 4 : i32
      %dma_wait3A_631 = arith.constant 0 : i32
      %dma_wait3A_632 = arith.constant 4 : i32
      %dma_wait3A_633 = arith.constant 0 : i32
      %dma_wait3A_634 = arith.constant 0 : i32
      %dma_wait3A_635 = arith.constant 0 : i32
      %dma_wait3A_636 = tpu.memref_slice %arg6[%dma_wait3A_631, %dma_wait3A_632, %dma_wait3A_634, %dma_wait3A_635] : memref<2x16x50x32xf32, #tpu.memory_space<vmem>> -> memref<1x1x50x32xf32, #tpu.memory_space<vmem>>
      %dma_wait3A_637 = tpu.memref_squeeze %dma_wait3A_636 : memref<1x1x50x32xf32, #tpu.memory_space<vmem>> -> memref<50x32xf32, #tpu.memory_space<vmem>>
      %dma_wait3A_638 = arith.constant 0 : i32
      %dma_wait3A_639 = tpu.memref_slice %arg5[%dma_wait3A_629, %dma_wait3A_630, %dma_wait3A_638] : memref<2x16x50xi32, #tpu.memory_space<vmem>> -> memref<1x1x50xi32, #tpu.memory_space<vmem>>
      %dma_wait3A_640 = tpu.memref_squeeze %dma_wait3A_639 : memref<1x1x50xi32, #tpu.memory_space<vmem>> -> memref<50xi32, #tpu.memory_space<vmem>>
      %dma_wait3A_641 = arith.constant 0 : i32
      %dma_wait3A_642 = arith.constant 0 : i32
      %dma_wait3A_643 = tpu.memref_slice %arg2[%dma_wait3A_641, %dma_wait3A_642] : memref<1000000x32xf32, #tpu.memory_space<hbm>> -> memref<1000000x32xf32, #tpu.memory_space<hbm>>
      %dma_wait3A_644 = tpu.memref_slice %arg7[%dma_wait3A_633] : memref<2x!tpu.dma_semaphore, #tpu.memory_space<semaphore_mem>> -> memref<1x!tpu.dma_semaphore, #tpu.memory_space<semaphore_mem>>
      %dma_wait3A_645 = tpu.memref_squeeze %dma_wait3A_644 : memref<1x!tpu.dma_semaphore, #tpu.memory_space<semaphore_mem>> -> memref<!tpu.dma_semaphore, #tpu.memory_space<semaphore_mem>>
      tpu.wait_indirect_dma semaphore(%dma_wait3A_645 : memref<!tpu.dma_semaphore, #tpu.memory_space<semaphore_mem>>) src(%dma_wait3A_643 : memref<1000000x32xf32, #tpu.memory_space<hbm>>) dst(%dma_wait3A_637 : memref<50x32xf32, #tpu.memory_space<vmem>>)
      %dma_wait3A_646 = arith.constant 0 : i32
      %dma_wait3A_647 = arith.constant 5 : i32
      %dma_wait3A_648 = arith.constant 0 : i32
      %dma_wait3A_649 = arith.constant 5 : i32
      %dma_wait3A_650 = arith.constant 0 : i32
      %dma_wait3A_651 = arith.constant 0 : i32
      %dma_wait3A_652 = arith.constant 0 : i32
      %dma_wait3A_653 = tpu.memref_slice %arg6[%dma_wait3A_648, %dma_wait3A_649, %dma_wait3A_651, %dma_wait3A_652] : memref<2x16x50x32xf32, #tpu.memory_space<vmem>> -> memref<1x1x50x32xf32, #tpu.memory_space<vmem>>
      %dma_wait3A_654 = tpu.memref_squeeze %dma_wait3A_653 : memref<1x1x50x32xf32, #tpu.memory_space<vmem>> -> memref<50x32xf32, #tpu.memory_space<vmem>>
      %dma_wait3A_655 = arith.constant 0 : i32
      %dma_wait3A_656 = tpu.memref_slice %arg5[%dma_wait3A_646, %dma_wait3A_647, %dma_wait3A_655] : memref<2x16x50xi32, #tpu.memory_space<vmem>> -> memref<1x1x50xi32, #tpu.memory_space<vmem>>
      %dma_wait3A_657 = tpu.memref_squeeze %dma_wait3A_656 : memref<1x1x50xi32, #tpu.memory_space<vmem>> -> memref<50xi32, #tpu.memory_space<vmem>>
      %dma_wait3A_658 = arith.constant 0 : i32
      %dma_wait3A_659 = arith.constant 0 : i32
      %dma_wait3A_660 = tpu.memref_slice %arg2[%dma_wait3A_658, %dma_wait3A_659] : memref<1000000x32xf32, #tpu.memory_space<hbm>> -> memref<1000000x32xf32, #tpu.memory_space<hbm>>
      %dma_wait3A_661 = tpu.memref_slice %arg7[%dma_wait3A_650] : memref<2x!tpu.dma_semaphore, #tpu.memory_space<semaphore_mem>> -> memref<1x!tpu.dma_semaphore, #tpu.memory_space<semaphore_mem>>
      %dma_wait3A_662 = tpu.memref_squeeze %dma_wait3A_661 : memref<1x!tpu.dma_semaphore, #tpu.memory_space<semaphore_mem>> -> memref<!tpu.dma_semaphore, #tpu.memory_space<semaphore_mem>>
      tpu.wait_indirect_dma semaphore(%dma_wait3A_662 : memref<!tpu.dma_semaphore, #tpu.memory_space<semaphore_mem>>) src(%dma_wait3A_660 : memref<1000000x32xf32, #tpu.memory_space<hbm>>) dst(%dma_wait3A_654 : memref<50x32xf32, #tpu.memory_space<vmem>>)
      %dma_wait3A_663 = arith.constant 0 : i32
      %dma_wait3A_664 = arith.constant 6 : i32
      %dma_wait3A_665 = arith.constant 0 : i32
      %dma_wait3A_666 = arith.constant 6 : i32
      %dma_wait3A_667 = arith.constant 0 : i32
      %dma_wait3A_668 = arith.constant 0 : i32
      %dma_wait3A_669 = arith.constant 0 : i32
      %dma_wait3A_670 = tpu.memref_slice %arg6[%dma_wait3A_665, %dma_wait3A_666, %dma_wait3A_668, %dma_wait3A_669] : memref<2x16x50x32xf32, #tpu.memory_space<vmem>> -> memref<1x1x50x32xf32, #tpu.memory_space<vmem>>
      %dma_wait3A_671 = tpu.memref_squeeze %dma_wait3A_670 : memref<1x1x50x32xf32, #tpu.memory_space<vmem>> -> memref<50x32xf32, #tpu.memory_space<vmem>>
      %dma_wait3A_672 = arith.constant 0 : i32
      %dma_wait3A_673 = tpu.memref_slice %arg5[%dma_wait3A_663, %dma_wait3A_664, %dma_wait3A_672] : memref<2x16x50xi32, #tpu.memory_space<vmem>> -> memref<1x1x50xi32, #tpu.memory_space<vmem>>
      %dma_wait3A_674 = tpu.memref_squeeze %dma_wait3A_673 : memref<1x1x50xi32, #tpu.memory_space<vmem>> -> memref<50xi32, #tpu.memory_space<vmem>>
      %dma_wait3A_675 = arith.constant 0 : i32
      %dma_wait3A_676 = arith.constant 0 : i32
      %dma_wait3A_677 = tpu.memref_slice %arg2[%dma_wait3A_675, %dma_wait3A_676] : memref<1000000x32xf32, #tpu.memory_space<hbm>> -> memref<1000000x32xf32, #tpu.memory_space<hbm>>
      %dma_wait3A_678 = tpu.memref_slice %arg7[%dma_wait3A_667] : memref<2x!tpu.dma_semaphore, #tpu.memory_space<semaphore_mem>> -> memref<1x!tpu.dma_semaphore, #tpu.memory_space<semaphore_mem>>
      %dma_wait3A_679 = tpu.memref_squeeze %dma_wait3A_678 : memref<1x!tpu.dma_semaphore, #tpu.memory_space<semaphore_mem>> -> memref<!tpu.dma_semaphore, #tpu.memory_space<semaphore_mem>>
      tpu.wait_indirect_dma semaphore(%dma_wait3A_679 : memref<!tpu.dma_semaphore, #tpu.memory_space<semaphore_mem>>) src(%dma_wait3A_677 : memref<1000000x32xf32, #tpu.memory_space<hbm>>) dst(%dma_wait3A_671 : memref<50x32xf32, #tpu.memory_space<vmem>>)
      %dma_wait3A_680 = arith.constant 0 : i32
      %dma_wait3A_681 = arith.constant 7 : i32
      %dma_wait3A_682 = arith.constant 0 : i32
      %dma_wait3A_683 = arith.constant 7 : i32
      %dma_wait3A_684 = arith.constant 0 : i32
      %dma_wait3A_685 = arith.constant 0 : i32
      %dma_wait3A_686 = arith.constant 0 : i32
      %dma_wait3A_687 = tpu.memref_slice %arg6[%dma_wait3A_682, %dma_wait3A_683, %dma_wait3A_685, %dma_wait3A_686] : memref<2x16x50x32xf32, #tpu.memory_space<vmem>> -> memref<1x1x50x32xf32, #tpu.memory_space<vmem>>
      %dma_wait3A_688 = tpu.memref_squeeze %dma_wait3A_687 : memref<1x1x50x32xf32, #tpu.memory_space<vmem>> -> memref<50x32xf32, #tpu.memory_space<vmem>>
      %dma_wait3A_689 = arith.constant 0 : i32
      %dma_wait3A_690 = tpu.memref_slice %arg5[%dma_wait3A_680, %dma_wait3A_681, %dma_wait3A_689] : memref<2x16x50xi32, #tpu.memory_space<vmem>> -> memref<1x1x50xi32, #tpu.memory_space<vmem>>
      %dma_wait3A_691 = tpu.memref_squeeze %dma_wait3A_690 : memref<1x1x50xi32, #tpu.memory_space<vmem>> -> memref<50xi32, #tpu.memory_space<vmem>>
      %dma_wait3A_692 = arith.constant 0 : i32
      %dma_wait3A_693 = arith.constant 0 : i32
      %dma_wait3A_694 = tpu.memref_slice %arg2[%dma_wait3A_692, %dma_wait3A_693] : memref<1000000x32xf32, #tpu.memory_space<hbm>> -> memref<1000000x32xf32, #tpu.memory_space<hbm>>
      %dma_wait3A_695 = tpu.memref_slice %arg7[%dma_wait3A_684] : memref<2x!tpu.dma_semaphore, #tpu.memory_space<semaphore_mem>> -> memref<1x!tpu.dma_semaphore, #tpu.memory_space<semaphore_mem>>
      %dma_wait3A_696 = tpu.memref_squeeze %dma_wait3A_695 : memref<1x!tpu.dma_semaphore, #tpu.memory_space<semaphore_mem>> -> memref<!tpu.dma_semaphore, #tpu.memory_space<semaphore_mem>>
      tpu.wait_indirect_dma semaphore(%dma_wait3A_696 : memref<!tpu.dma_semaphore, #tpu.memory_space<semaphore_mem>>) src(%dma_wait3A_694 : memref<1000000x32xf32, #tpu.memory_space<hbm>>) dst(%dma_wait3A_688 : memref<50x32xf32, #tpu.memory_space<vmem>>)
      %dma_wait3A_697 = arith.constant 0 : i32
      %dma_wait3A_698 = arith.constant 8 : i32
      %dma_wait3A_699 = arith.constant 0 : i32
      %dma_wait3A_700 = arith.constant 8 : i32
      %dma_wait3A_701 = arith.constant 0 : i32
      %dma_wait3A_702 = arith.constant 0 : i32
      %dma_wait3A_703 = arith.constant 0 : i32
      %dma_wait3A_704 = tpu.memref_slice %arg6[%dma_wait3A_699, %dma_wait3A_700, %dma_wait3A_702, %dma_wait3A_703] : memref<2x16x50x32xf32, #tpu.memory_space<vmem>> -> memref<1x1x50x32xf32, #tpu.memory_space<vmem>>
      %dma_wait3A_705 = tpu.memref_squeeze %dma_wait3A_704 : memref<1x1x50x32xf32, #tpu.memory_space<vmem>> -> memref<50x32xf32, #tpu.memory_space<vmem>>
      %dma_wait3A_706 = arith.constant 0 : i32
      %dma_wait3A_707 = tpu.memref_slice %arg5[%dma_wait3A_697, %dma_wait3A_698, %dma_wait3A_706] : memref<2x16x50xi32, #tpu.memory_space<vmem>> -> memref<1x1x50xi32, #tpu.memory_space<vmem>>
      %dma_wait3A_708 = tpu.memref_squeeze %dma_wait3A_707 : memref<1x1x50xi32, #tpu.memory_space<vmem>> -> memref<50xi32, #tpu.memory_space<vmem>>
      %dma_wait3A_709 = arith.constant 0 : i32
      %dma_wait3A_710 = arith.constant 0 : i32
      %dma_wait3A_711 = tpu.memref_slice %arg2[%dma_wait3A_709, %dma_wait3A_710] : memref<1000000x32xf32, #tpu.memory_space<hbm>> -> memref<1000000x32xf32, #tpu.memory_space<hbm>>
      %dma_wait3A_712 = tpu.memref_slice %arg7[%dma_wait3A_701] : memref<2x!tpu.dma_semaphore, #tpu.memory_space<semaphore_mem>> -> memref<1x!tpu.dma_semaphore, #tpu.memory_space<semaphore_mem>>
      %dma_wait3A_713 = tpu.memref_squeeze %dma_wait3A_712 : memref<1x!tpu.dma_semaphore, #tpu.memory_space<semaphore_mem>> -> memref<!tpu.dma_semaphore, #tpu.memory_space<semaphore_mem>>
      tpu.wait_indirect_dma semaphore(%dma_wait3A_713 : memref<!tpu.dma_semaphore, #tpu.memory_space<semaphore_mem>>) src(%dma_wait3A_711 : memref<1000000x32xf32, #tpu.memory_space<hbm>>) dst(%dma_wait3A_705 : memref<50x32xf32, #tpu.memory_space<vmem>>)
      %dma_wait3A_714 = arith.constant 0 : i32
      %dma_wait3A_715 = arith.constant 9 : i32
      %dma_wait3A_716 = arith.constant 0 : i32
      %dma_wait3A_717 = arith.constant 9 : i32
      %dma_wait3A_718 = arith.constant 0 : i32
      %dma_wait3A_719 = arith.constant 0 : i32
      %dma_wait3A_720 = arith.constant 0 : i32
      %dma_wait3A_721 = tpu.memref_slice %arg6[%dma_wait3A_716, %dma_wait3A_717, %dma_wait3A_719, %dma_wait3A_720] : memref<2x16x50x32xf32, #tpu.memory_space<vmem>> -> memref<1x1x50x32xf32, #tpu.memory_space<vmem>>
      %dma_wait3A_722 = tpu.memref_squeeze %dma_wait3A_721 : memref<1x1x50x32xf32, #tpu.memory_space<vmem>> -> memref<50x32xf32, #tpu.memory_space<vmem>>
      %dma_wait3A_723 = arith.constant 0 : i32
      %dma_wait3A_724 = tpu.memref_slice %arg5[%dma_wait3A_714, %dma_wait3A_715, %dma_wait3A_723] : memref<2x16x50xi32, #tpu.memory_space<vmem>> -> memref<1x1x50xi32, #tpu.memory_space<vmem>>
      %dma_wait3A_725 = tpu.memref_squeeze %dma_wait3A_724 : memref<1x1x50xi32, #tpu.memory_space<vmem>> -> memref<50xi32, #tpu.memory_space<vmem>>
      %dma_wait3A_726 = arith.constant 0 : i32
      %dma_wait3A_727 = arith.constant 0 : i32
      %dma_wait3A_728 = tpu.memref_slice %arg2[%dma_wait3A_726, %dma_wait3A_727] : memref<1000000x32xf32, #tpu.memory_space<hbm>> -> memref<1000000x32xf32, #tpu.memory_space<hbm>>
      %dma_wait3A_729 = tpu.memref_slice %arg7[%dma_wait3A_718] : memref<2x!tpu.dma_semaphore, #tpu.memory_space<semaphore_mem>> -> memref<1x!tpu.dma_semaphore, #tpu.memory_space<semaphore_mem>>
      %dma_wait3A_730 = tpu.memref_squeeze %dma_wait3A_729 : memref<1x!tpu.dma_semaphore, #tpu.memory_space<semaphore_mem>> -> memref<!tpu.dma_semaphore, #tpu.memory_space<semaphore_mem>>
      tpu.wait_indirect_dma semaphore(%dma_wait3A_730 : memref<!tpu.dma_semaphore, #tpu.memory_space<semaphore_mem>>) src(%dma_wait3A_728 : memref<1000000x32xf32, #tpu.memory_space<hbm>>) dst(%dma_wait3A_722 : memref<50x32xf32, #tpu.memory_space<vmem>>)
      %dma_wait3A_731 = arith.constant 0 : i32
      %dma_wait3A_732 = arith.constant 10 : i32
      %dma_wait3A_733 = arith.constant 0 : i32
      %dma_wait3A_734 = arith.constant 10 : i32
      %dma_wait3A_735 = arith.constant 0 : i32
      %dma_wait3A_736 = arith.constant 0 : i32
      %dma_wait3A_737 = arith.constant 0 : i32
      %dma_wait3A_738 = tpu.memref_slice %arg6[%dma_wait3A_733, %dma_wait3A_734, %dma_wait3A_736, %dma_wait3A_737] : memref<2x16x50x32xf32, #tpu.memory_space<vmem>> -> memref<1x1x50x32xf32, #tpu.memory_space<vmem>>
      %dma_wait3A_739 = tpu.memref_squeeze %dma_wait3A_738 : memref<1x1x50x32xf32, #tpu.memory_space<vmem>> -> memref<50x32xf32, #tpu.memory_space<vmem>>
      %dma_wait3A_740 = arith.constant 0 : i32
      %dma_wait3A_741 = tpu.memref_slice %arg5[%dma_wait3A_731, %dma_wait3A_732, %dma_wait3A_740] : memref<2x16x50xi32, #tpu.memory_space<vmem>> -> memref<1x1x50xi32, #tpu.memory_space<vmem>>
      %dma_wait3A_742 = tpu.memref_squeeze %dma_wait3A_741 : memref<1x1x50xi32, #tpu.memory_space<vmem>> -> memref<50xi32, #tpu.memory_space<vmem>>
      %dma_wait3A_743 = arith.constant 0 : i32
      %dma_wait3A_744 = arith.constant 0 : i32
      %dma_wait3A_745 = tpu.memref_slice %arg2[%dma_wait3A_743, %dma_wait3A_744] : memref<1000000x32xf32, #tpu.memory_space<hbm>> -> memref<1000000x32xf32, #tpu.memory_space<hbm>>
      %dma_wait3A_746 = tpu.memref_slice %arg7[%dma_wait3A_735] : memref<2x!tpu.dma_semaphore, #tpu.memory_space<semaphore_mem>> -> memref<1x!tpu.dma_semaphore, #tpu.memory_space<semaphore_mem>>
      %dma_wait3A_747 = tpu.memref_squeeze %dma_wait3A_746 : memref<1x!tpu.dma_semaphore, #tpu.memory_space<semaphore_mem>> -> memref<!tpu.dma_semaphore, #tpu.memory_space<semaphore_mem>>
      tpu.wait_indirect_dma semaphore(%dma_wait3A_747 : memref<!tpu.dma_semaphore, #tpu.memory_space<semaphore_mem>>) src(%dma_wait3A_745 : memref<1000000x32xf32, #tpu.memory_space<hbm>>) dst(%dma_wait3A_739 : memref<50x32xf32, #tpu.memory_space<vmem>>)
      %dma_wait3A_748 = arith.constant 0 : i32
      %dma_wait3A_749 = arith.constant 11 : i32
      %dma_wait3A_750 = arith.constant 0 : i32
      %dma_wait3A_751 = arith.constant 11 : i32
      %dma_wait3A_752 = arith.constant 0 : i32
      %dma_wait3A_753 = arith.constant 0 : i32
      %dma_wait3A_754 = arith.constant 0 : i32
      %dma_wait3A_755 = tpu.memref_slice %arg6[%dma_wait3A_750, %dma_wait3A_751, %dma_wait3A_753, %dma_wait3A_754] : memref<2x16x50x32xf32, #tpu.memory_space<vmem>> -> memref<1x1x50x32xf32, #tpu.memory_space<vmem>>
      %dma_wait3A_756 = tpu.memref_squeeze %dma_wait3A_755 : memref<1x1x50x32xf32, #tpu.memory_space<vmem>> -> memref<50x32xf32, #tpu.memory_space<vmem>>
      %dma_wait3A_757 = arith.constant 0 : i32
      %dma_wait3A_758 = tpu.memref_slice %arg5[%dma_wait3A_748, %dma_wait3A_749, %dma_wait3A_757] : memref<2x16x50xi32, #tpu.memory_space<vmem>> -> memref<1x1x50xi32, #tpu.memory_space<vmem>>
      %dma_wait3A_759 = tpu.memref_squeeze %dma_wait3A_758 : memref<1x1x50xi32, #tpu.memory_space<vmem>> -> memref<50xi32, #tpu.memory_space<vmem>>
      %dma_wait3A_760 = arith.constant 0 : i32
      %dma_wait3A_761 = arith.constant 0 : i32
      %dma_wait3A_762 = tpu.memref_slice %arg2[%dma_wait3A_760, %dma_wait3A_761] : memref<1000000x32xf32, #tpu.memory_space<hbm>> -> memref<1000000x32xf32, #tpu.memory_space<hbm>>
      %dma_wait3A_763 = tpu.memref_slice %arg7[%dma_wait3A_752] : memref<2x!tpu.dma_semaphore, #tpu.memory_space<semaphore_mem>> -> memref<1x!tpu.dma_semaphore, #tpu.memory_space<semaphore_mem>>
      %dma_wait3A_764 = tpu.memref_squeeze %dma_wait3A_763 : memref<1x!tpu.dma_semaphore, #tpu.memory_space<semaphore_mem>> -> memref<!tpu.dma_semaphore, #tpu.memory_space<semaphore_mem>>
      tpu.wait_indirect_dma semaphore(%dma_wait3A_764 : memref<!tpu.dma_semaphore, #tpu.memory_space<semaphore_mem>>) src(%dma_wait3A_762 : memref<1000000x32xf32, #tpu.memory_space<hbm>>) dst(%dma_wait3A_756 : memref<50x32xf32, #tpu.memory_space<vmem>>)
      %dma_wait3A_765 = arith.constant 0 : i32
      %dma_wait3A_766 = arith.constant 12 : i32
      %dma_wait3A_767 = arith.constant 0 : i32
      %dma_wait3A_768 = arith.constant 12 : i32
      %dma_wait3A_769 = arith.constant 0 : i32
      %dma_wait3A_770 = arith.constant 0 : i32
      %dma_wait3A_771 = arith.constant 0 : i32
      %dma_wait3A_772 = tpu.memref_slice %arg6[%dma_wait3A_767, %dma_wait3A_768, %dma_wait3A_770, %dma_wait3A_771] : memref<2x16x50x32xf32, #tpu.memory_space<vmem>> -> memref<1x1x50x32xf32, #tpu.memory_space<vmem>>
      %dma_wait3A_773 = tpu.memref_squeeze %dma_wait3A_772 : memref<1x1x50x32xf32, #tpu.memory_space<vmem>> -> memref<50x32xf32, #tpu.memory_space<vmem>>
      %dma_wait3A_774 = arith.constant 0 : i32
      %dma_wait3A_775 = tpu.memref_slice %arg5[%dma_wait3A_765, %dma_wait3A_766, %dma_wait3A_774] : memref<2x16x50xi32, #tpu.memory_space<vmem>> -> memref<1x1x50xi32, #tpu.memory_space<vmem>>
      %dma_wait3A_776 = tpu.memref_squeeze %dma_wait3A_775 : memref<1x1x50xi32, #tpu.memory_space<vmem>> -> memref<50xi32, #tpu.memory_space<vmem>>
      %dma_wait3A_777 = arith.constant 0 : i32
      %dma_wait3A_778 = arith.constant 0 : i32
      %dma_wait3A_779 = tpu.memref_slice %arg2[%dma_wait3A_777, %dma_wait3A_778] : memref<1000000x32xf32, #tpu.memory_space<hbm>> -> memref<1000000x32xf32, #tpu.memory_space<hbm>>
      %dma_wait3A_780 = tpu.memref_slice %arg7[%dma_wait3A_769] : memref<2x!tpu.dma_semaphore, #tpu.memory_space<semaphore_mem>> -> memref<1x!tpu.dma_semaphore, #tpu.memory_space<semaphore_mem>>
      %dma_wait3A_781 = tpu.memref_squeeze %dma_wait3A_780 : memref<1x!tpu.dma_semaphore, #tpu.memory_space<semaphore_mem>> -> memref<!tpu.dma_semaphore, #tpu.memory_space<semaphore_mem>>
      tpu.wait_indirect_dma semaphore(%dma_wait3A_781 : memref<!tpu.dma_semaphore, #tpu.memory_space<semaphore_mem>>) src(%dma_wait3A_779 : memref<1000000x32xf32, #tpu.memory_space<hbm>>) dst(%dma_wait3A_773 : memref<50x32xf32, #tpu.memory_space<vmem>>)
      %dma_wait3A_782 = arith.constant 0 : i32
      %dma_wait3A_783 = arith.constant 13 : i32
      %dma_wait3A_784 = arith.constant 0 : i32
      %dma_wait3A_785 = arith.constant 13 : i32
      %dma_wait3A_786 = arith.constant 0 : i32
      %dma_wait3A_787 = arith.constant 0 : i32
      %dma_wait3A_788 = arith.constant 0 : i32
      %dma_wait3A_789 = tpu.memref_slice %arg6[%dma_wait3A_784, %dma_wait3A_785, %dma_wait3A_787, %dma_wait3A_788] : memref<2x16x50x32xf32, #tpu.memory_space<vmem>> -> memref<1x1x50x32xf32, #tpu.memory_space<vmem>>
      %dma_wait3A_790 = tpu.memref_squeeze %dma_wait3A_789 : memref<1x1x50x32xf32, #tpu.memory_space<vmem>> -> memref<50x32xf32, #tpu.memory_space<vmem>>
      %dma_wait3A_791 = arith.constant 0 : i32
      %dma_wait3A_792 = tpu.memref_slice %arg5[%dma_wait3A_782, %dma_wait3A_783, %dma_wait3A_791] : memref<2x16x50xi32, #tpu.memory_space<vmem>> -> memref<1x1x50xi32, #tpu.memory_space<vmem>>
      %dma_wait3A_793 = tpu.memref_squeeze %dma_wait3A_792 : memref<1x1x50xi32, #tpu.memory_space<vmem>> -> memref<50xi32, #tpu.memory_space<vmem>>
      %dma_wait3A_794 = arith.constant 0 : i32
      %dma_wait3A_795 = arith.constant 0 : i32
      %dma_wait3A_796 = tpu.memref_slice %arg2[%dma_wait3A_794, %dma_wait3A_795] : memref<1000000x32xf32, #tpu.memory_space<hbm>> -> memref<1000000x32xf32, #tpu.memory_space<hbm>>
      %dma_wait3A_797 = tpu.memref_slice %arg7[%dma_wait3A_786] : memref<2x!tpu.dma_semaphore, #tpu.memory_space<semaphore_mem>> -> memref<1x!tpu.dma_semaphore, #tpu.memory_space<semaphore_mem>>
      %dma_wait3A_798 = tpu.memref_squeeze %dma_wait3A_797 : memref<1x!tpu.dma_semaphore, #tpu.memory_space<semaphore_mem>> -> memref<!tpu.dma_semaphore, #tpu.memory_space<semaphore_mem>>
      tpu.wait_indirect_dma semaphore(%dma_wait3A_798 : memref<!tpu.dma_semaphore, #tpu.memory_space<semaphore_mem>>) src(%dma_wait3A_796 : memref<1000000x32xf32, #tpu.memory_space<hbm>>) dst(%dma_wait3A_790 : memref<50x32xf32, #tpu.memory_space<vmem>>)
      %dma_wait3A_799 = arith.constant 0 : i32
      %dma_wait3A_800 = arith.constant 14 : i32
      %dma_wait3A_801 = arith.constant 0 : i32
      %dma_wait3A_802 = arith.constant 14 : i32
      %dma_wait3A_803 = arith.constant 0 : i32
      %dma_wait3A_804 = arith.constant 0 : i32
      %dma_wait3A_805 = arith.constant 0 : i32
      %dma_wait3A_806 = tpu.memref_slice %arg6[%dma_wait3A_801, %dma_wait3A_802, %dma_wait3A_804, %dma_wait3A_805] : memref<2x16x50x32xf32, #tpu.memory_space<vmem>> -> memref<1x1x50x32xf32, #tpu.memory_space<vmem>>
      %dma_wait3A_807 = tpu.memref_squeeze %dma_wait3A_806 : memref<1x1x50x32xf32, #tpu.memory_space<vmem>> -> memref<50x32xf32, #tpu.memory_space<vmem>>
      %dma_wait3A_808 = arith.constant 0 : i32
      %dma_wait3A_809 = tpu.memref_slice %arg5[%dma_wait3A_799, %dma_wait3A_800, %dma_wait3A_808] : memref<2x16x50xi32, #tpu.memory_space<vmem>> -> memref<1x1x50xi32, #tpu.memory_space<vmem>>
      %dma_wait3A_810 = tpu.memref_squeeze %dma_wait3A_809 : memref<1x1x50xi32, #tpu.memory_space<vmem>> -> memref<50xi32, #tpu.memory_space<vmem>>
      %dma_wait3A_811 = arith.constant 0 : i32
      %dma_wait3A_812 = arith.constant 0 : i32
      %dma_wait3A_813 = tpu.memref_slice %arg2[%dma_wait3A_811, %dma_wait3A_812] : memref<1000000x32xf32, #tpu.memory_space<hbm>> -> memref<1000000x32xf32, #tpu.memory_space<hbm>>
      %dma_wait3A_814 = tpu.memref_slice %arg7[%dma_wait3A_803] : memref<2x!tpu.dma_semaphore, #tpu.memory_space<semaphore_mem>> -> memref<1x!tpu.dma_semaphore, #tpu.memory_space<semaphore_mem>>
      %dma_wait3A_815 = tpu.memref_squeeze %dma_wait3A_814 : memref<1x!tpu.dma_semaphore, #tpu.memory_space<semaphore_mem>> -> memref<!tpu.dma_semaphore, #tpu.memory_space<semaphore_mem>>
      tpu.wait_indirect_dma semaphore(%dma_wait3A_815 : memref<!tpu.dma_semaphore, #tpu.memory_space<semaphore_mem>>) src(%dma_wait3A_813 : memref<1000000x32xf32, #tpu.memory_space<hbm>>) dst(%dma_wait3A_807 : memref<50x32xf32, #tpu.memory_space<vmem>>)
      %dma_wait3A_816 = arith.constant 0 : i32
      %dma_wait3A_817 = arith.constant 15 : i32
      %dma_wait3A_818 = arith.constant 0 : i32
      %dma_wait3A_819 = arith.constant 15 : i32
      %dma_wait3A_820 = arith.constant 0 : i32
      %dma_wait3A_821 = arith.constant 0 : i32
      %dma_wait3A_822 = arith.constant 0 : i32
      %dma_wait3A_823 = tpu.memref_slice %arg6[%dma_wait3A_818, %dma_wait3A_819, %dma_wait3A_821, %dma_wait3A_822] : memref<2x16x50x32xf32, #tpu.memory_space<vmem>> -> memref<1x1x50x32xf32, #tpu.memory_space<vmem>>
      %dma_wait3A_824 = tpu.memref_squeeze %dma_wait3A_823 : memref<1x1x50x32xf32, #tpu.memory_space<vmem>> -> memref<50x32xf32, #tpu.memory_space<vmem>>
      %dma_wait3A_825 = arith.constant 0 : i32
      %dma_wait3A_826 = tpu.memref_slice %arg5[%dma_wait3A_816, %dma_wait3A_817, %dma_wait3A_825] : memref<2x16x50xi32, #tpu.memory_space<vmem>> -> memref<1x1x50xi32, #tpu.memory_space<vmem>>
      %dma_wait3A_827 = tpu.memref_squeeze %dma_wait3A_826 : memref<1x1x50xi32, #tpu.memory_space<vmem>> -> memref<50xi32, #tpu.memory_space<vmem>>
      %dma_wait3A_828 = arith.constant 0 : i32
      %dma_wait3A_829 = arith.constant 0 : i32
      %dma_wait3A_830 = tpu.memref_slice %arg2[%dma_wait3A_828, %dma_wait3A_829] : memref<1000000x32xf32, #tpu.memory_space<hbm>> -> memref<1000000x32xf32, #tpu.memory_space<hbm>>
      %dma_wait3A_831 = tpu.memref_slice %arg7[%dma_wait3A_820] : memref<2x!tpu.dma_semaphore, #tpu.memory_space<semaphore_mem>> -> memref<1x!tpu.dma_semaphore, #tpu.memory_space<semaphore_mem>>
      %dma_wait3A_832 = tpu.memref_squeeze %dma_wait3A_831 : memref<1x!tpu.dma_semaphore, #tpu.memory_space<semaphore_mem>> -> memref<!tpu.dma_semaphore, #tpu.memory_space<semaphore_mem>>
      tpu.wait_indirect_dma semaphore(%dma_wait3A_832 : memref<!tpu.dma_semaphore, #tpu.memory_space<semaphore_mem>>) src(%dma_wait3A_830 : memref<1000000x32xf32, #tpu.memory_space<hbm>>) dst(%dma_wait3A_824 : memref<50x32xf32, #tpu.memory_space<vmem>>)
      %mul3A_833 = arith.constant 16 : i32
      %mul3A_834 = arith.muli %mul3A_283, %mul3A_833 : i32
      %add3A_835 = arith.addi %mul3A_2, %mul3A_834 : i32
      %scan3A_836 = arith.constant 0 : i32
      %scan3A_837 = arith.constant 0 : i32
      %scan3A_838 = arith.constant 16 : i32
      %scan3A_839 = arith.addi %scan3A_837, %scan3A_838 : i32
      %scan3A_840 = arith.constant 1 : i32
      scf.for %scan3A_1131 = %scan3A_837 to %scan3A_839 step %scan3A_840  : i32 {
        %scan3A_1132 = arith.constant 0 : i32
        %scan3A_1133 = arith.constant 100 : i32
        %scan3A_1134 = arith.addi %scan3A_1132, %scan3A_1133 : i32
        %scan3A_1135 = arith.constant 4 : i32
        scf.for %scan3A_1137 = %scan3A_1132 to %scan3A_1134 step %scan3A_1135  : i32 {
          %shift_right_arithmetic3A = arith.constant 1 : i32
          %shift_right_arithmetic3A_1138 = arith.shrsi %scan3A_1137, %shift_right_arithmetic3A : i32
          %and3A = arith.constant 1 : i32
          %and3A_1139 = arith.andi %scan3A_1137, %and3A : i32
          %mul3A_1140 = arith.constant 16 : i32
          %mul3A_1141 = arith.muli %and3A_1139, %mul3A_1140 : i32
          %get3A = arith.constant 0 : i32
          %get3A_1142 = arith.index_cast %get3A : i32 to index
          %get3A_1143 = arith.index_cast %scan3A_1131 : i32 to index
          %get3A_1144 = arith.index_cast %shift_right_arithmetic3A_1138 : i32 to index
          %get3A_1145 = arith.index_cast %mul3A_1141 : i32 to index
          %get3A_1146 = tpu.vector_load %arg6[%get3A_1142, %get3A_1143, %get3A_1144, %get3A_1145] {strides = array<i32>} : memref<2x16x50x32xf32, #tpu.memory_space<vmem>>, vector<1x1x1x16xf32>,
          %get3A_1147 = vector.shape_cast %get3A_1146 : vector<1x1x1x16xf32> to vector<16xf32>
          %mul3A_1148 = arith.constant 5.65685415 : f32
          %mul3A_1149 = vector.broadcast %mul3A_1148 : f32 to vector<16xf32>
          %mul3A_1150 = arith.mulf %get3A_1147, %mul3A_1149 : vector<16xf32>
          %shift_right_arithmetic3A_1151 = arith.constant 1 : i32
          %shift_right_arithmetic3A_1152 = arith.shrsi %scan3A_1137, %shift_right_arithmetic3A_1151 : i32
          %and3A_1153 = arith.constant 1 : i32
          %and3A_1154 = arith.andi %scan3A_1137, %and3A_1153 : i32
          %mul3A_1155 = arith.constant 16 : i32
          %mul3A_1156 = arith.muli %and3A_1154, %mul3A_1155 : i32
          %swap3A = arith.constant 0 : i32
          %swap3A_1157 = arith.index_cast %swap3A : i32 to index
          %swap3A_1158 = arith.index_cast %scan3A_1131 : i32 to index
          %swap3A_1159 = arith.index_cast %shift_right_arithmetic3A_1152 : i32 to index
          %swap3A_1160 = arith.index_cast %mul3A_1156 : i32 to index
          %swap3A_1161 = tpu.vector_load %arg6[%swap3A_1157, %swap3A_1158, %swap3A_1159, %swap3A_1160] {strides = array<i32>} : memref<2x16x50x32xf32, #tpu.memory_space<vmem>>, vector<1x1x1x16xf32>,
          %swap3A_1162 = vector.shape_cast %swap3A_1161 : vector<1x1x1x16xf32> to vector<16xf32>
          %swap3A_1163 = vector.shape_cast %mul3A_1150 : vector<16xf32> to vector<1x1x1x16xf32>
          tpu.vector_store %arg6[%swap3A_1157, %swap3A_1158, %swap3A_1159, %swap3A_1160], %swap3A_1163 {strides = array<i32>} : memref<2x16x50x32xf32, #tpu.memory_space<vmem>>, vector<1x1x1x16xf32>,
          %scan3A_1164 = arith.constant 1 : i32
          %scan3A_1165 = arith.addi %scan3A_1137, %scan3A_1164 : i32
          %shift_right_arithmetic3A_1166 = arith.constant 1 : i32
          %shift_right_arithmetic3A_1167 = arith.shrsi %scan3A_1165, %shift_right_arithmetic3A_1166 : i32
          %and3A_1168 = arith.constant 1 : i32
          %and3A_1169 = arith.andi %scan3A_1165, %and3A_1168 : i32
          %mul3A_1170 = arith.constant 16 : i32
          %mul3A_1171 = arith.muli %and3A_1169, %mul3A_1170 : i32
          %get3A_1172 = arith.constant 0 : i32
          %get3A_1173 = arith.index_cast %get3A_1172 : i32 to index
          %get3A_1174 = arith.index_cast %scan3A_1131 : i32 to index
          %get3A_1175 = arith.index_cast %shift_right_arithmetic3A_1167 : i32 to index
          %get3A_1176 = arith.index_cast %mul3A_1171 : i32 to index
          %get3A_1177 = tpu.vector_load %arg6[%get3A_1173, %get3A_1174, %get3A_1175, %get3A_1176] {strides = array<i32>} : memref<2x16x50x32xf32, #tpu.memory_space<vmem>>, vector<1x1x1x16xf32>,
          %get3A_1178 = vector.shape_cast %get3A_1177 : vector<1x1x1x16xf32> to vector<16xf32>
          %mul3A_1179 = arith.constant 5.65685415 : f32
          %mul3A_1180 = vector.broadcast %mul3A_1179 : f32 to vector<16xf32>
          %mul3A_1181 = arith.mulf %get3A_1178, %mul3A_1180 : vector<16xf32>
          %shift_right_arithmetic3A_1182 = arith.constant 1 : i32
          %shift_right_arithmetic3A_1183 = arith.shrsi %scan3A_1165, %shift_right_arithmetic3A_1182 : i32
          %and3A_1184 = arith.constant 1 : i32
          %and3A_1185 = arith.andi %scan3A_1165, %and3A_1184 : i32
          %mul3A_1186 = arith.constant 16 : i32
          %mul3A_1187 = arith.muli %and3A_1185, %mul3A_1186 : i32
          %swap3A_1188 = arith.constant 0 : i32
          %swap3A_1189 = arith.index_cast %swap3A_1188 : i32 to index
          %swap3A_1190 = arith.index_cast %scan3A_1131 : i32 to index
          %swap3A_1191 = arith.index_cast %shift_right_arithmetic3A_1183 : i32 to index
          %swap3A_1192 = arith.index_cast %mul3A_1187 : i32 to index
          %swap3A_1193 = tpu.vector_load %arg6[%swap3A_1189, %swap3A_1190, %swap3A_1191, %swap3A_1192] {strides = array<i32>} : memref<2x16x50x32xf32, #tpu.memory_space<vmem>>, vector<1x1x1x16xf32>,
          %swap3A_1194 = vector.shape_cast %swap3A_1193 : vector<1x1x1x16xf32> to vector<16xf32>
          %swap3A_1195 = vector.shape_cast %mul3A_1181 : vector<16xf32> to vector<1x1x1x16xf32>
          tpu.vector_store %arg6[%swap3A_1189, %swap3A_1190, %swap3A_1191, %swap3A_1192], %swap3A_1195 {strides = array<i32>} : memref<2x16x50x32xf32, #tpu.memory_space<vmem>>, vector<1x1x1x16xf32>,
          %scan3A_1196 = arith.constant 2 : i32
          %scan3A_1197 = arith.addi %scan3A_1137, %scan3A_1196 : i32
          %shift_right_arithmetic3A_1198 = arith.constant 1 : i32
          %shift_right_arithmetic3A_1199 = arith.shrsi %scan3A_1197, %shift_right_arithmetic3A_1198 : i32
          %and3A_1200 = arith.constant 1 : i32
          %and3A_1201 = arith.andi %scan3A_1197, %and3A_1200 : i32
          %mul3A_1202 = arith.constant 16 : i32
          %mul3A_1203 = arith.muli %and3A_1201, %mul3A_1202 : i32
          %get3A_1204 = arith.constant 0 : i32
          %get3A_1205 = arith.index_cast %get3A_1204 : i32 to index
          %get3A_1206 = arith.index_cast %scan3A_1131 : i32 to index
          %get3A_1207 = arith.index_cast %shift_right_arithmetic3A_1199 : i32 to index
          %get3A_1208 = arith.index_cast %mul3A_1203 : i32 to index
          %get3A_1209 = tpu.vector_load %arg6[%get3A_1205, %get3A_1206, %get3A_1207, %get3A_1208] {strides = array<i32>} : memref<2x16x50x32xf32, #tpu.memory_space<vmem>>, vector<1x1x1x16xf32>,
          %get3A_1210 = vector.shape_cast %get3A_1209 : vector<1x1x1x16xf32> to vector<16xf32>
          %mul3A_1211 = arith.constant 5.65685415 : f32
          %mul3A_1212 = vector.broadcast %mul3A_1211 : f32 to vector<16xf32>
          %mul3A_1213 = arith.mulf %get3A_1210, %mul3A_1212 : vector<16xf32>
          %shift_right_arithmetic3A_1214 = arith.constant 1 : i32
          %shift_right_arithmetic3A_1215 = arith.shrsi %scan3A_1197, %shift_right_arithmetic3A_1214 : i32
          %and3A_1216 = arith.constant 1 : i32
          %and3A_1217 = arith.andi %scan3A_1197, %and3A_1216 : i32
          %mul3A_1218 = arith.constant 16 : i32
          %mul3A_1219 = arith.muli %and3A_1217, %mul3A_1218 : i32
          %swap3A_1220 = arith.constant 0 : i32
          %swap3A_1221 = arith.index_cast %swap3A_1220 : i32 to index
          %swap3A_1222 = arith.index_cast %scan3A_1131 : i32 to index
          %swap3A_1223 = arith.index_cast %shift_right_arithmetic3A_1215 : i32 to index
          %swap3A_1224 = arith.index_cast %mul3A_1219 : i32 to index
          %swap3A_1225 = tpu.vector_load %arg6[%swap3A_1221, %swap3A_1222, %swap3A_1223, %swap3A_1224] {strides = array<i32>} : memref<2x16x50x32xf32, #tpu.memory_space<vmem>>, vector<1x1x1x16xf32>,
          %swap3A_1226 = vector.shape_cast %swap3A_1225 : vector<1x1x1x16xf32> to vector<16xf32>
          %swap3A_1227 = vector.shape_cast %mul3A_1213 : vector<16xf32> to vector<1x1x1x16xf32>
          tpu.vector_store %arg6[%swap3A_1221, %swap3A_1222, %swap3A_1223, %swap3A_1224], %swap3A_1227 {strides = array<i32>} : memref<2x16x50x32xf32, #tpu.memory_space<vmem>>, vector<1x1x1x16xf32>,
          %scan3A_1228 = arith.constant 3 : i32
          %scan3A_1229 = arith.addi %scan3A_1137, %scan3A_1228 : i32
          %shift_right_arithmetic3A_1230 = arith.constant 1 : i32
          %shift_right_arithmetic3A_1231 = arith.shrsi %scan3A_1229, %shift_right_arithmetic3A_1230 : i32
          %and3A_1232 = arith.constant 1 : i32
          %and3A_1233 = arith.andi %scan3A_1229, %and3A_1232 : i32
          %mul3A_1234 = arith.constant 16 : i32
          %mul3A_1235 = arith.muli %and3A_1233, %mul3A_1234 : i32
          %get3A_1236 = arith.constant 0 : i32
          %get3A_1237 = arith.index_cast %get3A_1236 : i32 to index
          %get3A_1238 = arith.index_cast %scan3A_1131 : i32 to index
          %get3A_1239 = arith.index_cast %shift_right_arithmetic3A_1231 : i32 to index
          %get3A_1240 = arith.index_cast %mul3A_1235 : i32 to index
          %get3A_1241 = tpu.vector_load %arg6[%get3A_1237, %get3A_1238, %get3A_1239, %get3A_1240] {strides = array<i32>} : memref<2x16x50x32xf32, #tpu.memory_space<vmem>>, vector<1x1x1x16xf32>,
          %get3A_1242 = vector.shape_cast %get3A_1241 : vector<1x1x1x16xf32> to vector<16xf32>
          %mul3A_1243 = arith.constant 5.65685415 : f32
          %mul3A_1244 = vector.broadcast %mul3A_1243 : f32 to vector<16xf32>
          %mul3A_1245 = arith.mulf %get3A_1242, %mul3A_1244 : vector<16xf32>
          %shift_right_arithmetic3A_1246 = arith.constant 1 : i32
          %shift_right_arithmetic3A_1247 = arith.shrsi %scan3A_1229, %shift_right_arithmetic3A_1246 : i32
          %and3A_1248 = arith.constant 1 : i32
          %and3A_1249 = arith.andi %scan3A_1229, %and3A_1248 : i32
          %mul3A_1250 = arith.constant 16 : i32
          %mul3A_1251 = arith.muli %and3A_1249, %mul3A_1250 : i32
          %swap3A_1252 = arith.constant 0 : i32
          %swap3A_1253 = arith.index_cast %swap3A_1252 : i32 to index
          %swap3A_1254 = arith.index_cast %scan3A_1131 : i32 to index
          %swap3A_1255 = arith.index_cast %shift_right_arithmetic3A_1247 : i32 to index
          %swap3A_1256 = arith.index_cast %mul3A_1251 : i32 to index
          %swap3A_1257 = tpu.vector_load %arg6[%swap3A_1253, %swap3A_1254, %swap3A_1255, %swap3A_1256] {strides = array<i32>} : memref<2x16x50x32xf32, #tpu.memory_space<vmem>>, vector<1x1x1x16xf32>,
          %swap3A_1258 = vector.shape_cast %swap3A_1257 : vector<1x1x1x16xf32> to vector<16xf32>
          %swap3A_1259 = vector.shape_cast %mul3A_1245 : vector<16xf32> to vector<1x1x1x16xf32>
          tpu.vector_store %arg6[%swap3A_1253, %swap3A_1254, %swap3A_1255, %swap3A_1256], %swap3A_1259 {strides = array<i32>} : memref<2x16x50x32xf32, #tpu.memory_space<vmem>>, vector<1x1x1x16xf32>,
        }
        %scan3A_1136 = arith.constant 100 : i32
      }
      %scan3A_841 = arith.constant 16 : i32
      %run_scoped3A_842 = arith.constant 0 : i32
      "tpu.region"() ({
        %run_scoped3A_1131 = tpu.sem_alloc : memref<!tpu.dma_semaphore, #tpu.memory_space<semaphore_mem>>
        %dma_start3A_1132 = arith.constant 0 : i32
        %dma_start3A_1133 = arith.constant 0 : i32
        %dma_start3A_1134 = arith.constant 0 : i32
        %dma_start3A_1135 = tpu.memref_slice %arg6[%run_scoped3A_842, %dma_start3A_1132, %dma_start3A_1133, %dma_start3A_1134] : memref<2x16x50x32xf32, #tpu.memory_space<vmem>> -> memref<1x16x50x32xf32, #tpu.memory_space<vmem>>
        %dma_start3A_1136 = tpu.memref_squeeze %dma_start3A_1135 : memref<1x16x50x32xf32, #tpu.memory_space<vmem>> -> memref<16x50x32xf32, #tpu.memory_space<vmem>>
        %dma_start3A_1137 = arith.constant 0 : i32
        %dma_start3A_1138 = arith.constant 0 : i32
        %dma_start3A_1139 = tpu.memref_slice %arg4[%add3A_835, %dma_start3A_1137, %dma_start3A_1138] : memref<16384x50x32xf32, #tpu.memory_space<hbm>> -> memref<16x50x32xf32, #tpu.memory_space<hbm>>
        %dma_start3A_1140 = arith.constant 0 : i32
        %dma_start3A_1141 = arith.constant 0 : i32
        %dma_start3A_1142 = tpu.memref_slice %arg4[%add3A_835, %dma_start3A_1140, %dma_start3A_1141] : memref<16384x50x32xf32, #tpu.memory_space<hbm>> -> memref<16x50x32xf32, #tpu.memory_space<hbm>>
        %dma_start3A_1143 = arith.constant 0 : i32
        %dma_start3A_1144 = arith.constant 0 : i32
        %dma_start3A_1145 = arith.constant 0 : i32
        %dma_start3A_1146 = tpu.memref_slice %arg6[%run_scoped3A_842, %dma_start3A_1143, %dma_start3A_1144, %dma_start3A_1145] : memref<2x16x50x32xf32, #tpu.memory_space<vmem>> -> memref<1x16x50x32xf32, #tpu.memory_space<vmem>>
        %dma_start3A_1147 = tpu.memref_squeeze %dma_start3A_1146 : memref<1x16x50x32xf32, #tpu.memory_space<vmem>> -> memref<16x50x32xf32, #tpu.memory_space<vmem>>
        tpu.enqueue_dma source(%dma_start3A_1147 : memref<16x50x32xf32, #tpu.memory_space<vmem>>) target(%dma_start3A_1142 : memref<16x50x32xf32, #tpu.memory_space<hbm>>) target_semaphore(%run_scoped3A_1131 : memref<!tpu.dma_semaphore, #tpu.memory_space<semaphore_mem>>)
        %dma_wait3A_1148 = arith.constant 0 : i32
        %dma_wait3A_1149 = arith.constant 0 : i32
        %dma_wait3A_1150 = arith.constant 0 : i32
        %dma_wait3A_1151 = tpu.memref_slice %arg6[%run_scoped3A_842, %dma_wait3A_1148, %dma_wait3A_1149, %dma_wait3A_1150] : memref<2x16x50x32xf32, #tpu.memory_space<vmem>> -> memref<1x16x50x32xf32, #tpu.memory_space<vmem>>
        %dma_wait3A_1152 = tpu.memref_squeeze %dma_wait3A_1151 : memref<1x16x50x32xf32, #tpu.memory_space<vmem>> -> memref<16x50x32xf32, #tpu.memory_space<vmem>>
        %dma_wait3A_1153 = arith.constant 0 : i32
        %dma_wait3A_1154 = arith.constant 0 : i32
        %dma_wait3A_1155 = tpu.memref_slice %arg4[%add3A_835, %dma_wait3A_1153, %dma_wait3A_1154] : memref<16384x50x32xf32, #tpu.memory_space<hbm>> -> memref<16x50x32xf32, #tpu.memory_space<hbm>>
        %dma_wait3A_1156 = arith.constant 0 : i32
        %dma_wait3A_1157 = arith.constant 0 : i32
        %dma_wait3A_1158 = tpu.memref_slice %arg4[%add3A_835, %dma_wait3A_1156, %dma_wait3A_1157] : memref<16384x50x32xf32, #tpu.memory_space<hbm>> -> memref<16x50x32xf32, #tpu.memory_space<hbm>>
        %dma_wait3A_1159 = arith.constant 0 : i32
        %dma_wait3A_1160 = arith.constant 0 : i32
        %dma_wait3A_1161 = arith.constant 0 : i32
        %dma_wait3A_1162 = tpu.memref_slice %arg6[%run_scoped3A_842, %dma_wait3A_1159, %dma_wait3A_1160, %dma_wait3A_1161] : memref<2x16x50x32xf32, #tpu.memory_space<vmem>> -> memref<1x16x50x32xf32, #tpu.memory_space<vmem>>
        %dma_wait3A_1163 = tpu.memref_squeeze %dma_wait3A_1162 : memref<1x16x50x32xf32, #tpu.memory_space<vmem>> -> memref<16x50x32xf32, #tpu.memory_space<vmem>>
        tpu.wait_dma2 semaphore(%run_scoped3A_1131 : memref<!tpu.dma_semaphore, #tpu.memory_space<semaphore_mem>>) src(%dma_wait3A_1163 : memref<16x50x32xf32, #tpu.memory_space<vmem>>) dst(%dma_wait3A_1158 : memref<16x50x32xf32, #tpu.memory_space<hbm>>)
        tpu.yield
      }) : () -> ()
      %add3A_843 = arith.constant 2 : i32
      %add3A_844 = arith.addi %mul3A_283, %add3A_843 : i32
      %lt3A = arith.constant 32 : i32
      %lt3A_845 = arith.cmpi slt, %add3A_844, %lt3A : i32
      %convert_element_type3A = arith.extui %lt3A_845 : i1 to i32
      %cond3A = arith.constant 0 : i32
      %cond3A_846 = arith.cmpi ne, %convert_element_type3A, %cond3A : i32
      scf.if %cond3A_846 {
        %add3A_1131 = arith.constant 2 : i32
        %add3A_1132 = arith.addi %mul3A_283, %add3A_1131 : i32
        %mul3A_1133 = arith.constant 16 : i32
        %mul3A_1134 = arith.muli %add3A_1132, %mul3A_1133 : i32
        %add3A_1135 = arith.addi %mul3A_2, %mul3A_1134 : i32
        %run_scoped3A_1136 = arith.constant 0 : i32
        "tpu.region"() ({
          %run_scoped3A_1409 = tpu.sem_alloc : memref<!tpu.dma_semaphore, #tpu.memory_space<semaphore_mem>>
          %dma_start3A_1410 = arith.constant 0 : i32
          %dma_start3A_1411 = arith.constant 0 : i32
          %dma_start3A_1412 = tpu.memref_slice %arg5[%run_scoped3A_1136, %dma_start3A_1410, %dma_start3A_1411] : memref<2x16x50xi32, #tpu.memory_space<vmem>> -> memref<1x16x50xi32, #tpu.memory_space<vmem>>
          %dma_start3A_1413 = tpu.memref_squeeze %dma_start3A_1412 : memref<1x16x50xi32, #tpu.memory_space<vmem>> -> memref<16x50xi32, #tpu.memory_space<vmem>>
          %dma_start3A_1414 = arith.constant 0 : i32
          %dma_start3A_1415 = tpu.memref_slice %arg3[%add3A_1135, %dma_start3A_1414] : memref<16384x50xi32, #tpu.memory_space<hbm>> -> memref<16x50xi32, #tpu.memory_space<hbm>>
          %dma_start3A_1416 = arith.constant 0 : i32
          %dma_start3A_1417 = arith.constant 0 : i32
          %dma_start3A_1418 = tpu.memref_slice %arg5[%run_scoped3A_1136, %dma_start3A_1416, %dma_start3A_1417] : memref<2x16x50xi32, #tpu.memory_space<vmem>> -> memref<1x16x50xi32, #tpu.memory_space<vmem>>
          %dma_start3A_1419 = tpu.memref_squeeze %dma_start3A_1418 : memref<1x16x50xi32, #tpu.memory_space<vmem>> -> memref<16x50xi32, #tpu.memory_space<vmem>>
          %dma_start3A_1420 = arith.constant 0 : i32
          %dma_start3A_1421 = tpu.memref_slice %arg3[%add3A_1135, %dma_start3A_1420] : memref<16384x50xi32, #tpu.memory_space<hbm>> -> memref<16x50xi32, #tpu.memory_space<hbm>>
          tpu.enqueue_dma source(%dma_start3A_1421 : memref<16x50xi32, #tpu.memory_space<hbm>>) target(%dma_start3A_1419 : memref<16x50xi32, #tpu.memory_space<vmem>>) target_semaphore(%run_scoped3A_1409 : memref<!tpu.dma_semaphore, #tpu.memory_space<semaphore_mem>>)
          %dma_wait3A_1422 = arith.constant 0 : i32
          %dma_wait3A_1423 = arith.constant 0 : i32
          %dma_wait3A_1424 = tpu.memref_slice %arg5[%run_scoped3A_1136, %dma_wait3A_1422, %dma_wait3A_1423] : memref<2x16x50xi32, #tpu.memory_space<vmem>> -> memref<1x16x50xi32, #tpu.memory_space<vmem>>
          %dma_wait3A_1425 = tpu.memref_squeeze %dma_wait3A_1424 : memref<1x16x50xi32, #tpu.memory_space<vmem>> -> memref<16x50xi32, #tpu.memory_space<vmem>>
          %dma_wait3A_1426 = arith.constant 0 : i32
          %dma_wait3A_1427 = tpu.memref_slice %arg3[%add3A_1135, %dma_wait3A_1426] : memref<16384x50xi32, #tpu.memory_space<hbm>> -> memref<16x50xi32, #tpu.memory_space<hbm>>
          %dma_wait3A_1428 = arith.constant 0 : i32
          %dma_wait3A_1429 = arith.constant 0 : i32
          %dma_wait3A_1430 = tpu.memref_slice %arg5[%run_scoped3A_1136, %dma_wait3A_1428, %dma_wait3A_1429] : memref<2x16x50xi32, #tpu.memory_space<vmem>> -> memref<1x16x50xi32, #tpu.memory_space<vmem>>
          %dma_wait3A_1431 = tpu.memref_squeeze %dma_wait3A_1430 : memref<1x16x50xi32, #tpu.memory_space<vmem>> -> memref<16x50xi32, #tpu.memory_space<vmem>>
          %dma_wait3A_1432 = arith.constant 0 : i32
          %dma_wait3A_1433 = tpu.memref_slice %arg3[%add3A_1135, %dma_wait3A_1432] : memref<16384x50xi32, #tpu.memory_space<hbm>> -> memref<16x50xi32, #tpu.memory_space<hbm>>
          tpu.wait_dma2 semaphore(%run_scoped3A_1409 : memref<!tpu.dma_semaphore, #tpu.memory_space<semaphore_mem>>) src(%dma_wait3A_1433 : memref<16x50xi32, #tpu.memory_space<hbm>>) dst(%dma_wait3A_1431 : memref<16x50xi32, #tpu.memory_space<vmem>>)
          tpu.yield
        }) : () -> ()
        %dma_start3A_1137 = arith.constant 0 : i32
        %dma_start3A_1138 = arith.constant 0 : i32
        %dma_start3A_1139 = arith.constant 0 : i32
        %dma_start3A_1140 = arith.constant 0 : i32
        %dma_start3A_1141 = arith.constant 0 : i32
        %dma_start3A_1142 = arith.constant 0 : i32
        %dma_start3A_1143 = arith.constant 0 : i32
        %dma_start3A_1144 = tpu.memref_slice %arg6[%dma_start3A_1139, %dma_start3A_1140, %dma_start3A_1142, %dma_start3A_1143] : memref<2x16x50x32xf32, #tpu.memory_space<vmem>> -> memref<1x1x50x32xf32, #tpu.memory_space<vmem>>
        %dma_start3A_1145 = tpu.memref_squeeze %dma_start3A_1144 : memref<1x1x50x32xf32, #tpu.memory_space<vmem>> -> memref<50x32xf32, #tpu.memory_space<vmem>>
        %dma_start3A_1146 = arith.constant 0 : i32
        %dma_start3A_1147 = tpu.memref_slice %arg5[%dma_start3A_1137, %dma_start3A_1138, %dma_start3A_1146] : memref<2x16x50xi32, #tpu.memory_space<vmem>> -> memref<1x1x50xi32, #tpu.memory_space<vmem>>
        %dma_start3A_1148 = tpu.memref_squeeze %dma_start3A_1147 : memref<1x1x50xi32, #tpu.memory_space<vmem>> -> memref<50xi32, #tpu.memory_space<vmem>>
        %dma_start3A_1149 = arith.constant 0 : i32
        %dma_start3A_1150 = arith.constant 0 : i32
        %dma_start3A_1151 = tpu.memref_slice %arg2[%dma_start3A_1149, %dma_start3A_1150] : memref<1000000x32xf32, #tpu.memory_space<hbm>> -> memref<1000000x32xf32, #tpu.memory_space<hbm>>
        %dma_start3A_1152 = tpu.memref_slice %arg7[%dma_start3A_1141] : memref<2x!tpu.dma_semaphore, #tpu.memory_space<semaphore_mem>> -> memref<1x!tpu.dma_semaphore, #tpu.memory_space<semaphore_mem>>
        %dma_start3A_1153 = tpu.memref_squeeze %dma_start3A_1152 : memref<1x!tpu.dma_semaphore, #tpu.memory_space<semaphore_mem>> -> memref<!tpu.dma_semaphore, #tpu.memory_space<semaphore_mem>>
        tpu.enqueue_indirect_dma source(%dma_start3A_1151 : memref<1000000x32xf32, #tpu.memory_space<hbm>>) target(%dma_start3A_1145 : memref<50x32xf32, #tpu.memory_space<vmem>>) offsets(%dma_start3A_1148 : memref<50xi32, #tpu.memory_space<vmem>>) semaphore(%dma_start3A_1153 : memref<!tpu.dma_semaphore, #tpu.memory_space<semaphore_mem>>)
        %dma_start3A_1154 = arith.constant 0 : i32
        %dma_start3A_1155 = arith.constant 1 : i32
        %dma_start3A_1156 = arith.constant 0 : i32
        %dma_start3A_1157 = arith.constant 1 : i32
        %dma_start3A_1158 = arith.constant 0 : i32
        %dma_start3A_1159 = arith.constant 0 : i32
        %dma_start3A_1160 = arith.constant 0 : i32
        %dma_start3A_1161 = tpu.memref_slice %arg6[%dma_start3A_1156, %dma_start3A_1157, %dma_start3A_1159, %dma_start3A_1160] : memref<2x16x50x32xf32, #tpu.memory_space<vmem>> -> memref<1x1x50x32xf32, #tpu.memory_space<vmem>>
        %dma_start3A_1162 = tpu.memref_squeeze %dma_start3A_1161 : memref<1x1x50x32xf32, #tpu.memory_space<vmem>> -> memref<50x32xf32, #tpu.memory_space<vmem>>
        %dma_start3A_1163 = arith.constant 0 : i32
        %dma_start3A_1164 = tpu.memref_slice %arg5[%dma_start3A_1154, %dma_start3A_1155, %dma_start3A_1163] : memref<2x16x50xi32, #tpu.memory_space<vmem>> -> memref<1x1x50xi32, #tpu.memory_space<vmem>>
        %dma_start3A_1165 = tpu.memref_squeeze %dma_start3A_1164 : memref<1x1x50xi32, #tpu.memory_space<vmem>> -> memref<50xi32, #tpu.memory_space<vmem>>
        %dma_start3A_1166 = arith.constant 0 : i32
        %dma_start3A_1167 = arith.constant 0 : i32
        %dma_start3A_1168 = tpu.memref_slice %arg2[%dma_start3A_1166, %dma_start3A_1167] : memref<1000000x32xf32, #tpu.memory_space<hbm>> -> memref<1000000x32xf32, #tpu.memory_space<hbm>>
        %dma_start3A_1169 = tpu.memref_slice %arg7[%dma_start3A_1158] : memref<2x!tpu.dma_semaphore, #tpu.memory_space<semaphore_mem>> -> memref<1x!tpu.dma_semaphore, #tpu.memory_space<semaphore_mem>>
        %dma_start3A_1170 = tpu.memref_squeeze %dma_start3A_1169 : memref<1x!tpu.dma_semaphore, #tpu.memory_space<semaphore_mem>> -> memref<!tpu.dma_semaphore, #tpu.memory_space<semaphore_mem>>
        tpu.enqueue_indirect_dma source(%dma_start3A_1168 : memref<1000000x32xf32, #tpu.memory_space<hbm>>) target(%dma_start3A_1162 : memref<50x32xf32, #tpu.memory_space<vmem>>) offsets(%dma_start3A_1165 : memref<50xi32, #tpu.memory_space<vmem>>) semaphore(%dma_start3A_1170 : memref<!tpu.dma_semaphore, #tpu.memory_space<semaphore_mem>>)
        %dma_start3A_1171 = arith.constant 0 : i32
        %dma_start3A_1172 = arith.constant 2 : i32
        %dma_start3A_1173 = arith.constant 0 : i32
        %dma_start3A_1174 = arith.constant 2 : i32
        %dma_start3A_1175 = arith.constant 0 : i32
        %dma_start3A_1176 = arith.constant 0 : i32
        %dma_start3A_1177 = arith.constant 0 : i32
        %dma_start3A_1178 = tpu.memref_slice %arg6[%dma_start3A_1173, %dma_start3A_1174, %dma_start3A_1176, %dma_start3A_1177] : memref<2x16x50x32xf32, #tpu.memory_space<vmem>> -> memref<1x1x50x32xf32, #tpu.memory_space<vmem>>
        %dma_start3A_1179 = tpu.memref_squeeze %dma_start3A_1178 : memref<1x1x50x32xf32, #tpu.memory_space<vmem>> -> memref<50x32xf32, #tpu.memory_space<vmem>>
        %dma_start3A_1180 = arith.constant 0 : i32
        %dma_start3A_1181 = tpu.memref_slice %arg5[%dma_start3A_1171, %dma_start3A_1172, %dma_start3A_1180] : memref<2x16x50xi32, #tpu.memory_space<vmem>> -> memref<1x1x50xi32, #tpu.memory_space<vmem>>
        %dma_start3A_1182 = tpu.memref_squeeze %dma_start3A_1181 : memref<1x1x50xi32, #tpu.memory_space<vmem>> -> memref<50xi32, #tpu.memory_space<vmem>>
        %dma_start3A_1183 = arith.constant 0 : i32
        %dma_start3A_1184 = arith.constant 0 : i32
        %dma_start3A_1185 = tpu.memref_slice %arg2[%dma_start3A_1183, %dma_start3A_1184] : memref<1000000x32xf32, #tpu.memory_space<hbm>> -> memref<1000000x32xf32, #tpu.memory_space<hbm>>
        %dma_start3A_1186 = tpu.memref_slice %arg7[%dma_start3A_1175] : memref<2x!tpu.dma_semaphore, #tpu.memory_space<semaphore_mem>> -> memref<1x!tpu.dma_semaphore, #tpu.memory_space<semaphore_mem>>
        %dma_start3A_1187 = tpu.memref_squeeze %dma_start3A_1186 : memref<1x!tpu.dma_semaphore, #tpu.memory_space<semaphore_mem>> -> memref<!tpu.dma_semaphore, #tpu.memory_space<semaphore_mem>>
        tpu.enqueue_indirect_dma source(%dma_start3A_1185 : memref<1000000x32xf32, #tpu.memory_space<hbm>>) target(%dma_start3A_1179 : memref<50x32xf32, #tpu.memory_space<vmem>>) offsets(%dma_start3A_1182 : memref<50xi32, #tpu.memory_space<vmem>>) semaphore(%dma_start3A_1187 : memref<!tpu.dma_semaphore, #tpu.memory_space<semaphore_mem>>)
        %dma_start3A_1188 = arith.constant 0 : i32
        %dma_start3A_1189 = arith.constant 3 : i32
        %dma_start3A_1190 = arith.constant 0 : i32
        %dma_start3A_1191 = arith.constant 3 : i32
        %dma_start3A_1192 = arith.constant 0 : i32
        %dma_start3A_1193 = arith.constant 0 : i32
        %dma_start3A_1194 = arith.constant 0 : i32
        %dma_start3A_1195 = tpu.memref_slice %arg6[%dma_start3A_1190, %dma_start3A_1191, %dma_start3A_1193, %dma_start3A_1194] : memref<2x16x50x32xf32, #tpu.memory_space<vmem>> -> memref<1x1x50x32xf32, #tpu.memory_space<vmem>>
        %dma_start3A_1196 = tpu.memref_squeeze %dma_start3A_1195 : memref<1x1x50x32xf32, #tpu.memory_space<vmem>> -> memref<50x32xf32, #tpu.memory_space<vmem>>
        %dma_start3A_1197 = arith.constant 0 : i32
        %dma_start3A_1198 = tpu.memref_slice %arg5[%dma_start3A_1188, %dma_start3A_1189, %dma_start3A_1197] : memref<2x16x50xi32, #tpu.memory_space<vmem>> -> memref<1x1x50xi32, #tpu.memory_space<vmem>>
        %dma_start3A_1199 = tpu.memref_squeeze %dma_start3A_1198 : memref<1x1x50xi32, #tpu.memory_space<vmem>> -> memref<50xi32, #tpu.memory_space<vmem>>
        %dma_start3A_1200 = arith.constant 0 : i32
        %dma_start3A_1201 = arith.constant 0 : i32
        %dma_start3A_1202 = tpu.memref_slice %arg2[%dma_start3A_1200, %dma_start3A_1201] : memref<1000000x32xf32, #tpu.memory_space<hbm>> -> memref<1000000x32xf32, #tpu.memory_space<hbm>>
        %dma_start3A_1203 = tpu.memref_slice %arg7[%dma_start3A_1192] : memref<2x!tpu.dma_semaphore, #tpu.memory_space<semaphore_mem>> -> memref<1x!tpu.dma_semaphore, #tpu.memory_space<semaphore_mem>>
        %dma_start3A_1204 = tpu.memref_squeeze %dma_start3A_1203 : memref<1x!tpu.dma_semaphore, #tpu.memory_space<semaphore_mem>> -> memref<!tpu.dma_semaphore, #tpu.memory_space<semaphore_mem>>
        tpu.enqueue_indirect_dma source(%dma_start3A_1202 : memref<1000000x32xf32, #tpu.memory_space<hbm>>) target(%dma_start3A_1196 : memref<50x32xf32, #tpu.memory_space<vmem>>) offsets(%dma_start3A_1199 : memref<50xi32, #tpu.memory_space<vmem>>) semaphore(%dma_start3A_1204 : memref<!tpu.dma_semaphore, #tpu.memory_space<semaphore_mem>>)
        %dma_start3A_1205 = arith.constant 0 : i32
        %dma_start3A_1206 = arith.constant 4 : i32
        %dma_start3A_1207 = arith.constant 0 : i32
        %dma_start3A_1208 = arith.constant 4 : i32
        %dma_start3A_1209 = arith.constant 0 : i32
        %dma_start3A_1210 = arith.constant 0 : i32
        %dma_start3A_1211 = arith.constant 0 : i32
        %dma_start3A_1212 = tpu.memref_slice %arg6[%dma_start3A_1207, %dma_start3A_1208, %dma_start3A_1210, %dma_start3A_1211] : memref<2x16x50x32xf32, #tpu.memory_space<vmem>> -> memref<1x1x50x32xf32, #tpu.memory_space<vmem>>
        %dma_start3A_1213 = tpu.memref_squeeze %dma_start3A_1212 : memref<1x1x50x32xf32, #tpu.memory_space<vmem>> -> memref<50x32xf32, #tpu.memory_space<vmem>>
        %dma_start3A_1214 = arith.constant 0 : i32
        %dma_start3A_1215 = tpu.memref_slice %arg5[%dma_start3A_1205, %dma_start3A_1206, %dma_start3A_1214] : memref<2x16x50xi32, #tpu.memory_space<vmem>> -> memref<1x1x50xi32, #tpu.memory_space<vmem>>
        %dma_start3A_1216 = tpu.memref_squeeze %dma_start3A_1215 : memref<1x1x50xi32, #tpu.memory_space<vmem>> -> memref<50xi32, #tpu.memory_space<vmem>>
        %dma_start3A_1217 = arith.constant 0 : i32
        %dma_start3A_1218 = arith.constant 0 : i32
        %dma_start3A_1219 = tpu.memref_slice %arg2[%dma_start3A_1217, %dma_start3A_1218] : memref<1000000x32xf32, #tpu.memory_space<hbm>> -> memref<1000000x32xf32, #tpu.memory_space<hbm>>
        %dma_start3A_1220 = tpu.memref_slice %arg7[%dma_start3A_1209] : memref<2x!tpu.dma_semaphore, #tpu.memory_space<semaphore_mem>> -> memref<1x!tpu.dma_semaphore, #tpu.memory_space<semaphore_mem>>
        %dma_start3A_1221 = tpu.memref_squeeze %dma_start3A_1220 : memref<1x!tpu.dma_semaphore, #tpu.memory_space<semaphore_mem>> -> memref<!tpu.dma_semaphore, #tpu.memory_space<semaphore_mem>>
        tpu.enqueue_indirect_dma source(%dma_start3A_1219 : memref<1000000x32xf32, #tpu.memory_space<hbm>>) target(%dma_start3A_1213 : memref<50x32xf32, #tpu.memory_space<vmem>>) offsets(%dma_start3A_1216 : memref<50xi32, #tpu.memory_space<vmem>>) semaphore(%dma_start3A_1221 : memref<!tpu.dma_semaphore, #tpu.memory_space<semaphore_mem>>)
        %dma_start3A_1222 = arith.constant 0 : i32
        %dma_start3A_1223 = arith.constant 5 : i32
        %dma_start3A_1224 = arith.constant 0 : i32
        %dma_start3A_1225 = arith.constant 5 : i32
        %dma_start3A_1226 = arith.constant 0 : i32
        %dma_start3A_1227 = arith.constant 0 : i32
        %dma_start3A_1228 = arith.constant 0 : i32
        %dma_start3A_1229 = tpu.memref_slice %arg6[%dma_start3A_1224, %dma_start3A_1225, %dma_start3A_1227, %dma_start3A_1228] : memref<2x16x50x32xf32, #tpu.memory_space<vmem>> -> memref<1x1x50x32xf32, #tpu.memory_space<vmem>>
        %dma_start3A_1230 = tpu.memref_squeeze %dma_start3A_1229 : memref<1x1x50x32xf32, #tpu.memory_space<vmem>> -> memref<50x32xf32, #tpu.memory_space<vmem>>
        %dma_start3A_1231 = arith.constant 0 : i32
        %dma_start3A_1232 = tpu.memref_slice %arg5[%dma_start3A_1222, %dma_start3A_1223, %dma_start3A_1231] : memref<2x16x50xi32, #tpu.memory_space<vmem>> -> memref<1x1x50xi32, #tpu.memory_space<vmem>>
        %dma_start3A_1233 = tpu.memref_squeeze %dma_start3A_1232 : memref<1x1x50xi32, #tpu.memory_space<vmem>> -> memref<50xi32, #tpu.memory_space<vmem>>
        %dma_start3A_1234 = arith.constant 0 : i32
        %dma_start3A_1235 = arith.constant 0 : i32
        %dma_start3A_1236 = tpu.memref_slice %arg2[%dma_start3A_1234, %dma_start3A_1235] : memref<1000000x32xf32, #tpu.memory_space<hbm>> -> memref<1000000x32xf32, #tpu.memory_space<hbm>>
        %dma_start3A_1237 = tpu.memref_slice %arg7[%dma_start3A_1226] : memref<2x!tpu.dma_semaphore, #tpu.memory_space<semaphore_mem>> -> memref<1x!tpu.dma_semaphore, #tpu.memory_space<semaphore_mem>>
        %dma_start3A_1238 = tpu.memref_squeeze %dma_start3A_1237 : memref<1x!tpu.dma_semaphore, #tpu.memory_space<semaphore_mem>> -> memref<!tpu.dma_semaphore, #tpu.memory_space<semaphore_mem>>
        tpu.enqueue_indirect_dma source(%dma_start3A_1236 : memref<1000000x32xf32, #tpu.memory_space<hbm>>) target(%dma_start3A_1230 : memref<50x32xf32, #tpu.memory_space<vmem>>) offsets(%dma_start3A_1233 : memref<50xi32, #tpu.memory_space<vmem>>) semaphore(%dma_start3A_1238 : memref<!tpu.dma_semaphore, #tpu.memory_space<semaphore_mem>>)
        %dma_start3A_1239 = arith.constant 0 : i32
        %dma_start3A_1240 = arith.constant 6 : i32
        %dma_start3A_1241 = arith.constant 0 : i32
        %dma_start3A_1242 = arith.constant 6 : i32
        %dma_start3A_1243 = arith.constant 0 : i32
        %dma_start3A_1244 = arith.constant 0 : i32
        %dma_start3A_1245 = arith.constant 0 : i32
        %dma_start3A_1246 = tpu.memref_slice %arg6[%dma_start3A_1241, %dma_start3A_1242, %dma_start3A_1244, %dma_start3A_1245] : memref<2x16x50x32xf32, #tpu.memory_space<vmem>> -> memref<1x1x50x32xf32, #tpu.memory_space<vmem>>
        %dma_start3A_1247 = tpu.memref_squeeze %dma_start3A_1246 : memref<1x1x50x32xf32, #tpu.memory_space<vmem>> -> memref<50x32xf32, #tpu.memory_space<vmem>>
        %dma_start3A_1248 = arith.constant 0 : i32
        %dma_start3A_1249 = tpu.memref_slice %arg5[%dma_start3A_1239, %dma_start3A_1240, %dma_start3A_1248] : memref<2x16x50xi32, #tpu.memory_space<vmem>> -> memref<1x1x50xi32, #tpu.memory_space<vmem>>
        %dma_start3A_1250 = tpu.memref_squeeze %dma_start3A_1249 : memref<1x1x50xi32, #tpu.memory_space<vmem>> -> memref<50xi32, #tpu.memory_space<vmem>>
        %dma_start3A_1251 = arith.constant 0 : i32
        %dma_start3A_1252 = arith.constant 0 : i32
        %dma_start3A_1253 = tpu.memref_slice %arg2[%dma_start3A_1251, %dma_start3A_1252] : memref<1000000x32xf32, #tpu.memory_space<hbm>> -> memref<1000000x32xf32, #tpu.memory_space<hbm>>
        %dma_start3A_1254 = tpu.memref_slice %arg7[%dma_start3A_1243] : memref<2x!tpu.dma_semaphore, #tpu.memory_space<semaphore_mem>> -> memref<1x!tpu.dma_semaphore, #tpu.memory_space<semaphore_mem>>
        %dma_start3A_1255 = tpu.memref_squeeze %dma_start3A_1254 : memref<1x!tpu.dma_semaphore, #tpu.memory_space<semaphore_mem>> -> memref<!tpu.dma_semaphore, #tpu.memory_space<semaphore_mem>>
        tpu.enqueue_indirect_dma source(%dma_start3A_1253 : memref<1000000x32xf32, #tpu.memory_space<hbm>>) target(%dma_start3A_1247 : memref<50x32xf32, #tpu.memory_space<vmem>>) offsets(%dma_start3A_1250 : memref<50xi32, #tpu.memory_space<vmem>>) semaphore(%dma_start3A_1255 : memref<!tpu.dma_semaphore, #tpu.memory_space<semaphore_mem>>)
        %dma_start3A_1256 = arith.constant 0 : i32
        %dma_start3A_1257 = arith.constant 7 : i32
        %dma_start3A_1258 = arith.constant 0 : i32
        %dma_start3A_1259 = arith.constant 7 : i32
        %dma_start3A_1260 = arith.constant 0 : i32
        %dma_start3A_1261 = arith.constant 0 : i32
        %dma_start3A_1262 = arith.constant 0 : i32
        %dma_start3A_1263 = tpu.memref_slice %arg6[%dma_start3A_1258, %dma_start3A_1259, %dma_start3A_1261, %dma_start3A_1262] : memref<2x16x50x32xf32, #tpu.memory_space<vmem>> -> memref<1x1x50x32xf32, #tpu.memory_space<vmem>>
        %dma_start3A_1264 = tpu.memref_squeeze %dma_start3A_1263 : memref<1x1x50x32xf32, #tpu.memory_space<vmem>> -> memref<50x32xf32, #tpu.memory_space<vmem>>
        %dma_start3A_1265 = arith.constant 0 : i32
        %dma_start3A_1266 = tpu.memref_slice %arg5[%dma_start3A_1256, %dma_start3A_1257, %dma_start3A_1265] : memref<2x16x50xi32, #tpu.memory_space<vmem>> -> memref<1x1x50xi32, #tpu.memory_space<vmem>>
        %dma_start3A_1267 = tpu.memref_squeeze %dma_start3A_1266 : memref<1x1x50xi32, #tpu.memory_space<vmem>> -> memref<50xi32, #tpu.memory_space<vmem>>
        %dma_start3A_1268 = arith.constant 0 : i32
        %dma_start3A_1269 = arith.constant 0 : i32
        %dma_start3A_1270 = tpu.memref_slice %arg2[%dma_start3A_1268, %dma_start3A_1269] : memref<1000000x32xf32, #tpu.memory_space<hbm>> -> memref<1000000x32xf32, #tpu.memory_space<hbm>>
        %dma_start3A_1271 = tpu.memref_slice %arg7[%dma_start3A_1260] : memref<2x!tpu.dma_semaphore, #tpu.memory_space<semaphore_mem>> -> memref<1x!tpu.dma_semaphore, #tpu.memory_space<semaphore_mem>>
        %dma_start3A_1272 = tpu.memref_squeeze %dma_start3A_1271 : memref<1x!tpu.dma_semaphore, #tpu.memory_space<semaphore_mem>> -> memref<!tpu.dma_semaphore, #tpu.memory_space<semaphore_mem>>
        tpu.enqueue_indirect_dma source(%dma_start3A_1270 : memref<1000000x32xf32, #tpu.memory_space<hbm>>) target(%dma_start3A_1264 : memref<50x32xf32, #tpu.memory_space<vmem>>) offsets(%dma_start3A_1267 : memref<50xi32, #tpu.memory_space<vmem>>) semaphore(%dma_start3A_1272 : memref<!tpu.dma_semaphore, #tpu.memory_space<semaphore_mem>>)
        %dma_start3A_1273 = arith.constant 0 : i32
        %dma_start3A_1274 = arith.constant 8 : i32
        %dma_start3A_1275 = arith.constant 0 : i32
        %dma_start3A_1276 = arith.constant 8 : i32
        %dma_start3A_1277 = arith.constant 0 : i32
        %dma_start3A_1278 = arith.constant 0 : i32
        %dma_start3A_1279 = arith.constant 0 : i32
        %dma_start3A_1280 = tpu.memref_slice %arg6[%dma_start3A_1275, %dma_start3A_1276, %dma_start3A_1278, %dma_start3A_1279] : memref<2x16x50x32xf32, #tpu.memory_space<vmem>> -> memref<1x1x50x32xf32, #tpu.memory_space<vmem>>
        %dma_start3A_1281 = tpu.memref_squeeze %dma_start3A_1280 : memref<1x1x50x32xf32, #tpu.memory_space<vmem>> -> memref<50x32xf32, #tpu.memory_space<vmem>>
        %dma_start3A_1282 = arith.constant 0 : i32
        %dma_start3A_1283 = tpu.memref_slice %arg5[%dma_start3A_1273, %dma_start3A_1274, %dma_start3A_1282] : memref<2x16x50xi32, #tpu.memory_space<vmem>> -> memref<1x1x50xi32, #tpu.memory_space<vmem>>
        %dma_start3A_1284 = tpu.memref_squeeze %dma_start3A_1283 : memref<1x1x50xi32, #tpu.memory_space<vmem>> -> memref<50xi32, #tpu.memory_space<vmem>>
        %dma_start3A_1285 = arith.constant 0 : i32
        %dma_start3A_1286 = arith.constant 0 : i32
        %dma_start3A_1287 = tpu.memref_slice %arg2[%dma_start3A_1285, %dma_start3A_1286] : memref<1000000x32xf32, #tpu.memory_space<hbm>> -> memref<1000000x32xf32, #tpu.memory_space<hbm>>
        %dma_start3A_1288 = tpu.memref_slice %arg7[%dma_start3A_1277] : memref<2x!tpu.dma_semaphore, #tpu.memory_space<semaphore_mem>> -> memref<1x!tpu.dma_semaphore, #tpu.memory_space<semaphore_mem>>
        %dma_start3A_1289 = tpu.memref_squeeze %dma_start3A_1288 : memref<1x!tpu.dma_semaphore, #tpu.memory_space<semaphore_mem>> -> memref<!tpu.dma_semaphore, #tpu.memory_space<semaphore_mem>>
        tpu.enqueue_indirect_dma source(%dma_start3A_1287 : memref<1000000x32xf32, #tpu.memory_space<hbm>>) target(%dma_start3A_1281 : memref<50x32xf32, #tpu.memory_space<vmem>>) offsets(%dma_start3A_1284 : memref<50xi32, #tpu.memory_space<vmem>>) semaphore(%dma_start3A_1289 : memref<!tpu.dma_semaphore, #tpu.memory_space<semaphore_mem>>)
        %dma_start3A_1290 = arith.constant 0 : i32
        %dma_start3A_1291 = arith.constant 9 : i32
        %dma_start3A_1292 = arith.constant 0 : i32
        %dma_start3A_1293 = arith.constant 9 : i32
        %dma_start3A_1294 = arith.constant 0 : i32
        %dma_start3A_1295 = arith.constant 0 : i32
        %dma_start3A_1296 = arith.constant 0 : i32
        %dma_start3A_1297 = tpu.memref_slice %arg6[%dma_start3A_1292, %dma_start3A_1293, %dma_start3A_1295, %dma_start3A_1296] : memref<2x16x50x32xf32, #tpu.memory_space<vmem>> -> memref<1x1x50x32xf32, #tpu.memory_space<vmem>>
        %dma_start3A_1298 = tpu.memref_squeeze %dma_start3A_1297 : memref<1x1x50x32xf32, #tpu.memory_space<vmem>> -> memref<50x32xf32, #tpu.memory_space<vmem>>
        %dma_start3A_1299 = arith.constant 0 : i32
        %dma_start3A_1300 = tpu.memref_slice %arg5[%dma_start3A_1290, %dma_start3A_1291, %dma_start3A_1299] : memref<2x16x50xi32, #tpu.memory_space<vmem>> -> memref<1x1x50xi32, #tpu.memory_space<vmem>>
        %dma_start3A_1301 = tpu.memref_squeeze %dma_start3A_1300 : memref<1x1x50xi32, #tpu.memory_space<vmem>> -> memref<50xi32, #tpu.memory_space<vmem>>
        %dma_start3A_1302 = arith.constant 0 : i32
        %dma_start3A_1303 = arith.constant 0 : i32
        %dma_start3A_1304 = tpu.memref_slice %arg2[%dma_start3A_1302, %dma_start3A_1303] : memref<1000000x32xf32, #tpu.memory_space<hbm>> -> memref<1000000x32xf32, #tpu.memory_space<hbm>>
        %dma_start3A_1305 = tpu.memref_slice %arg7[%dma_start3A_1294] : memref<2x!tpu.dma_semaphore, #tpu.memory_space<semaphore_mem>> -> memref<1x!tpu.dma_semaphore, #tpu.memory_space<semaphore_mem>>
        %dma_start3A_1306 = tpu.memref_squeeze %dma_start3A_1305 : memref<1x!tpu.dma_semaphore, #tpu.memory_space<semaphore_mem>> -> memref<!tpu.dma_semaphore, #tpu.memory_space<semaphore_mem>>
        tpu.enqueue_indirect_dma source(%dma_start3A_1304 : memref<1000000x32xf32, #tpu.memory_space<hbm>>) target(%dma_start3A_1298 : memref<50x32xf32, #tpu.memory_space<vmem>>) offsets(%dma_start3A_1301 : memref<50xi32, #tpu.memory_space<vmem>>) semaphore(%dma_start3A_1306 : memref<!tpu.dma_semaphore, #tpu.memory_space<semaphore_mem>>)
        %dma_start3A_1307 = arith.constant 0 : i32
        %dma_start3A_1308 = arith.constant 10 : i32
        %dma_start3A_1309 = arith.constant 0 : i32
        %dma_start3A_1310 = arith.constant 10 : i32
        %dma_start3A_1311 = arith.constant 0 : i32
        %dma_start3A_1312 = arith.constant 0 : i32
        %dma_start3A_1313 = arith.constant 0 : i32
        %dma_start3A_1314 = tpu.memref_slice %arg6[%dma_start3A_1309, %dma_start3A_1310, %dma_start3A_1312, %dma_start3A_1313] : memref<2x16x50x32xf32, #tpu.memory_space<vmem>> -> memref<1x1x50x32xf32, #tpu.memory_space<vmem>>
        %dma_start3A_1315 = tpu.memref_squeeze %dma_start3A_1314 : memref<1x1x50x32xf32, #tpu.memory_space<vmem>> -> memref<50x32xf32, #tpu.memory_space<vmem>>
        %dma_start3A_1316 = arith.constant 0 : i32
        %dma_start3A_1317 = tpu.memref_slice %arg5[%dma_start3A_1307, %dma_start3A_1308, %dma_start3A_1316] : memref<2x16x50xi32, #tpu.memory_space<vmem>> -> memref<1x1x50xi32, #tpu.memory_space<vmem>>
        %dma_start3A_1318 = tpu.memref_squeeze %dma_start3A_1317 : memref<1x1x50xi32, #tpu.memory_space<vmem>> -> memref<50xi32, #tpu.memory_space<vmem>>
        %dma_start3A_1319 = arith.constant 0 : i32
        %dma_start3A_1320 = arith.constant 0 : i32
        %dma_start3A_1321 = tpu.memref_slice %arg2[%dma_start3A_1319, %dma_start3A_1320] : memref<1000000x32xf32, #tpu.memory_space<hbm>> -> memref<1000000x32xf32, #tpu.memory_space<hbm>>
        %dma_start3A_1322 = tpu.memref_slice %arg7[%dma_start3A_1311] : memref<2x!tpu.dma_semaphore, #tpu.memory_space<semaphore_mem>> -> memref<1x!tpu.dma_semaphore, #tpu.memory_space<semaphore_mem>>
        %dma_start3A_1323 = tpu.memref_squeeze %dma_start3A_1322 : memref<1x!tpu.dma_semaphore, #tpu.memory_space<semaphore_mem>> -> memref<!tpu.dma_semaphore, #tpu.memory_space<semaphore_mem>>
        tpu.enqueue_indirect_dma source(%dma_start3A_1321 : memref<1000000x32xf32, #tpu.memory_space<hbm>>) target(%dma_start3A_1315 : memref<50x32xf32, #tpu.memory_space<vmem>>) offsets(%dma_start3A_1318 : memref<50xi32, #tpu.memory_space<vmem>>) semaphore(%dma_start3A_1323 : memref<!tpu.dma_semaphore, #tpu.memory_space<semaphore_mem>>)
        %dma_start3A_1324 = arith.constant 0 : i32
        %dma_start3A_1325 = arith.constant 11 : i32
        %dma_start3A_1326 = arith.constant 0 : i32
        %dma_start3A_1327 = arith.constant 11 : i32
        %dma_start3A_1328 = arith.constant 0 : i32
        %dma_start3A_1329 = arith.constant 0 : i32
        %dma_start3A_1330 = arith.constant 0 : i32
        %dma_start3A_1331 = tpu.memref_slice %arg6[%dma_start3A_1326, %dma_start3A_1327, %dma_start3A_1329, %dma_start3A_1330] : memref<2x16x50x32xf32, #tpu.memory_space<vmem>> -> memref<1x1x50x32xf32, #tpu.memory_space<vmem>>
        %dma_start3A_1332 = tpu.memref_squeeze %dma_start3A_1331 : memref<1x1x50x32xf32, #tpu.memory_space<vmem>> -> memref<50x32xf32, #tpu.memory_space<vmem>>
        %dma_start3A_1333 = arith.constant 0 : i32
        %dma_start3A_1334 = tpu.memref_slice %arg5[%dma_start3A_1324, %dma_start3A_1325, %dma_start3A_1333] : memref<2x16x50xi32, #tpu.memory_space<vmem>> -> memref<1x1x50xi32, #tpu.memory_space<vmem>>
        %dma_start3A_1335 = tpu.memref_squeeze %dma_start3A_1334 : memref<1x1x50xi32, #tpu.memory_space<vmem>> -> memref<50xi32, #tpu.memory_space<vmem>>
        %dma_start3A_1336 = arith.constant 0 : i32
        %dma_start3A_1337 = arith.constant 0 : i32
        %dma_start3A_1338 = tpu.memref_slice %arg2[%dma_start3A_1336, %dma_start3A_1337] : memref<1000000x32xf32, #tpu.memory_space<hbm>> -> memref<1000000x32xf32, #tpu.memory_space<hbm>>
        %dma_start3A_1339 = tpu.memref_slice %arg7[%dma_start3A_1328] : memref<2x!tpu.dma_semaphore, #tpu.memory_space<semaphore_mem>> -> memref<1x!tpu.dma_semaphore, #tpu.memory_space<semaphore_mem>>
        %dma_start3A_1340 = tpu.memref_squeeze %dma_start3A_1339 : memref<1x!tpu.dma_semaphore, #tpu.memory_space<semaphore_mem>> -> memref<!tpu.dma_semaphore, #tpu.memory_space<semaphore_mem>>
        tpu.enqueue_indirect_dma source(%dma_start3A_1338 : memref<1000000x32xf32, #tpu.memory_space<hbm>>) target(%dma_start3A_1332 : memref<50x32xf32, #tpu.memory_space<vmem>>) offsets(%dma_start3A_1335 : memref<50xi32, #tpu.memory_space<vmem>>) semaphore(%dma_start3A_1340 : memref<!tpu.dma_semaphore, #tpu.memory_space<semaphore_mem>>)
        %dma_start3A_1341 = arith.constant 0 : i32
        %dma_start3A_1342 = arith.constant 12 : i32
        %dma_start3A_1343 = arith.constant 0 : i32
        %dma_start3A_1344 = arith.constant 12 : i32
        %dma_start3A_1345 = arith.constant 0 : i32
        %dma_start3A_1346 = arith.constant 0 : i32
        %dma_start3A_1347 = arith.constant 0 : i32
        %dma_start3A_1348 = tpu.memref_slice %arg6[%dma_start3A_1343, %dma_start3A_1344, %dma_start3A_1346, %dma_start3A_1347] : memref<2x16x50x32xf32, #tpu.memory_space<vmem>> -> memref<1x1x50x32xf32, #tpu.memory_space<vmem>>
        %dma_start3A_1349 = tpu.memref_squeeze %dma_start3A_1348 : memref<1x1x50x32xf32, #tpu.memory_space<vmem>> -> memref<50x32xf32, #tpu.memory_space<vmem>>
        %dma_start3A_1350 = arith.constant 0 : i32
        %dma_start3A_1351 = tpu.memref_slice %arg5[%dma_start3A_1341, %dma_start3A_1342, %dma_start3A_1350] : memref<2x16x50xi32, #tpu.memory_space<vmem>> -> memref<1x1x50xi32, #tpu.memory_space<vmem>>
        %dma_start3A_1352 = tpu.memref_squeeze %dma_start3A_1351 : memref<1x1x50xi32, #tpu.memory_space<vmem>> -> memref<50xi32, #tpu.memory_space<vmem>>
        %dma_start3A_1353 = arith.constant 0 : i32
        %dma_start3A_1354 = arith.constant 0 : i32
        %dma_start3A_1355 = tpu.memref_slice %arg2[%dma_start3A_1353, %dma_start3A_1354] : memref<1000000x32xf32, #tpu.memory_space<hbm>> -> memref<1000000x32xf32, #tpu.memory_space<hbm>>
        %dma_start3A_1356 = tpu.memref_slice %arg7[%dma_start3A_1345] : memref<2x!tpu.dma_semaphore, #tpu.memory_space<semaphore_mem>> -> memref<1x!tpu.dma_semaphore, #tpu.memory_space<semaphore_mem>>
        %dma_start3A_1357 = tpu.memref_squeeze %dma_start3A_1356 : memref<1x!tpu.dma_semaphore, #tpu.memory_space<semaphore_mem>> -> memref<!tpu.dma_semaphore, #tpu.memory_space<semaphore_mem>>
        tpu.enqueue_indirect_dma source(%dma_start3A_1355 : memref<1000000x32xf32, #tpu.memory_space<hbm>>) target(%dma_start3A_1349 : memref<50x32xf32, #tpu.memory_space<vmem>>) offsets(%dma_start3A_1352 : memref<50xi32, #tpu.memory_space<vmem>>) semaphore(%dma_start3A_1357 : memref<!tpu.dma_semaphore, #tpu.memory_space<semaphore_mem>>)
        %dma_start3A_1358 = arith.constant 0 : i32
        %dma_start3A_1359 = arith.constant 13 : i32
        %dma_start3A_1360 = arith.constant 0 : i32
        %dma_start3A_1361 = arith.constant 13 : i32
        %dma_start3A_1362 = arith.constant 0 : i32
        %dma_start3A_1363 = arith.constant 0 : i32
        %dma_start3A_1364 = arith.constant 0 : i32
        %dma_start3A_1365 = tpu.memref_slice %arg6[%dma_start3A_1360, %dma_start3A_1361, %dma_start3A_1363, %dma_start3A_1364] : memref<2x16x50x32xf32, #tpu.memory_space<vmem>> -> memref<1x1x50x32xf32, #tpu.memory_space<vmem>>
        %dma_start3A_1366 = tpu.memref_squeeze %dma_start3A_1365 : memref<1x1x50x32xf32, #tpu.memory_space<vmem>> -> memref<50x32xf32, #tpu.memory_space<vmem>>
        %dma_start3A_1367 = arith.constant 0 : i32
        %dma_start3A_1368 = tpu.memref_slice %arg5[%dma_start3A_1358, %dma_start3A_1359, %dma_start3A_1367] : memref<2x16x50xi32, #tpu.memory_space<vmem>> -> memref<1x1x50xi32, #tpu.memory_space<vmem>>
        %dma_start3A_1369 = tpu.memref_squeeze %dma_start3A_1368 : memref<1x1x50xi32, #tpu.memory_space<vmem>> -> memref<50xi32, #tpu.memory_space<vmem>>
        %dma_start3A_1370 = arith.constant 0 : i32
        %dma_start3A_1371 = arith.constant 0 : i32
        %dma_start3A_1372 = tpu.memref_slice %arg2[%dma_start3A_1370, %dma_start3A_1371] : memref<1000000x32xf32, #tpu.memory_space<hbm>> -> memref<1000000x32xf32, #tpu.memory_space<hbm>>
        %dma_start3A_1373 = tpu.memref_slice %arg7[%dma_start3A_1362] : memref<2x!tpu.dma_semaphore, #tpu.memory_space<semaphore_mem>> -> memref<1x!tpu.dma_semaphore, #tpu.memory_space<semaphore_mem>>
        %dma_start3A_1374 = tpu.memref_squeeze %dma_start3A_1373 : memref<1x!tpu.dma_semaphore, #tpu.memory_space<semaphore_mem>> -> memref<!tpu.dma_semaphore, #tpu.memory_space<semaphore_mem>>
        tpu.enqueue_indirect_dma source(%dma_start3A_1372 : memref<1000000x32xf32, #tpu.memory_space<hbm>>) target(%dma_start3A_1366 : memref<50x32xf32, #tpu.memory_space<vmem>>) offsets(%dma_start3A_1369 : memref<50xi32, #tpu.memory_space<vmem>>) semaphore(%dma_start3A_1374 : memref<!tpu.dma_semaphore, #tpu.memory_space<semaphore_mem>>)
        %dma_start3A_1375 = arith.constant 0 : i32
        %dma_start3A_1376 = arith.constant 14 : i32
        %dma_start3A_1377 = arith.constant 0 : i32
        %dma_start3A_1378 = arith.constant 14 : i32
        %dma_start3A_1379 = arith.constant 0 : i32
        %dma_start3A_1380 = arith.constant 0 : i32
        %dma_start3A_1381 = arith.constant 0 : i32
        %dma_start3A_1382 = tpu.memref_slice %arg6[%dma_start3A_1377, %dma_start3A_1378, %dma_start3A_1380, %dma_start3A_1381] : memref<2x16x50x32xf32, #tpu.memory_space<vmem>> -> memref<1x1x50x32xf32, #tpu.memory_space<vmem>>
        %dma_start3A_1383 = tpu.memref_squeeze %dma_start3A_1382 : memref<1x1x50x32xf32, #tpu.memory_space<vmem>> -> memref<50x32xf32, #tpu.memory_space<vmem>>
        %dma_start3A_1384 = arith.constant 0 : i32
        %dma_start3A_1385 = tpu.memref_slice %arg5[%dma_start3A_1375, %dma_start3A_1376, %dma_start3A_1384] : memref<2x16x50xi32, #tpu.memory_space<vmem>> -> memref<1x1x50xi32, #tpu.memory_space<vmem>>
        %dma_start3A_1386 = tpu.memref_squeeze %dma_start3A_1385 : memref<1x1x50xi32, #tpu.memory_space<vmem>> -> memref<50xi32, #tpu.memory_space<vmem>>
        %dma_start3A_1387 = arith.constant 0 : i32
        %dma_start3A_1388 = arith.constant 0 : i32
        %dma_start3A_1389 = tpu.memref_slice %arg2[%dma_start3A_1387, %dma_start3A_1388] : memref<1000000x32xf32, #tpu.memory_space<hbm>> -> memref<1000000x32xf32, #tpu.memory_space<hbm>>
        %dma_start3A_1390 = tpu.memref_slice %arg7[%dma_start3A_1379] : memref<2x!tpu.dma_semaphore, #tpu.memory_space<semaphore_mem>> -> memref<1x!tpu.dma_semaphore, #tpu.memory_space<semaphore_mem>>
        %dma_start3A_1391 = tpu.memref_squeeze %dma_start3A_1390 : memref<1x!tpu.dma_semaphore, #tpu.memory_space<semaphore_mem>> -> memref<!tpu.dma_semaphore, #tpu.memory_space<semaphore_mem>>
        tpu.enqueue_indirect_dma source(%dma_start3A_1389 : memref<1000000x32xf32, #tpu.memory_space<hbm>>) target(%dma_start3A_1383 : memref<50x32xf32, #tpu.memory_space<vmem>>) offsets(%dma_start3A_1386 : memref<50xi32, #tpu.memory_space<vmem>>) semaphore(%dma_start3A_1391 : memref<!tpu.dma_semaphore, #tpu.memory_space<semaphore_mem>>)
        %dma_start3A_1392 = arith.constant 0 : i32
        %dma_start3A_1393 = arith.constant 15 : i32
        %dma_start3A_1394 = arith.constant 0 : i32
        %dma_start3A_1395 = arith.constant 15 : i32
        %dma_start3A_1396 = arith.constant 0 : i32
        %dma_start3A_1397 = arith.constant 0 : i32
        %dma_start3A_1398 = arith.constant 0 : i32
        %dma_start3A_1399 = tpu.memref_slice %arg6[%dma_start3A_1394, %dma_start3A_1395, %dma_start3A_1397, %dma_start3A_1398] : memref<2x16x50x32xf32, #tpu.memory_space<vmem>> -> memref<1x1x50x32xf32, #tpu.memory_space<vmem>>
        %dma_start3A_1400 = tpu.memref_squeeze %dma_start3A_1399 : memref<1x1x50x32xf32, #tpu.memory_space<vmem>> -> memref<50x32xf32, #tpu.memory_space<vmem>>
        %dma_start3A_1401 = arith.constant 0 : i32
        %dma_start3A_1402 = tpu.memref_slice %arg5[%dma_start3A_1392, %dma_start3A_1393, %dma_start3A_1401] : memref<2x16x50xi32, #tpu.memory_space<vmem>> -> memref<1x1x50xi32, #tpu.memory_space<vmem>>
        %dma_start3A_1403 = tpu.memref_squeeze %dma_start3A_1402 : memref<1x1x50xi32, #tpu.memory_space<vmem>> -> memref<50xi32, #tpu.memory_space<vmem>>
        %dma_start3A_1404 = arith.constant 0 : i32
        %dma_start3A_1405 = arith.constant 0 : i32
        %dma_start3A_1406 = tpu.memref_slice %arg2[%dma_start3A_1404, %dma_start3A_1405] : memref<1000000x32xf32, #tpu.memory_space<hbm>> -> memref<1000000x32xf32, #tpu.memory_space<hbm>>
        %dma_start3A_1407 = tpu.memref_slice %arg7[%dma_start3A_1396] : memref<2x!tpu.dma_semaphore, #tpu.memory_space<semaphore_mem>> -> memref<1x!tpu.dma_semaphore, #tpu.memory_space<semaphore_mem>>
        %dma_start3A_1408 = tpu.memref_squeeze %dma_start3A_1407 : memref<1x!tpu.dma_semaphore, #tpu.memory_space<semaphore_mem>> -> memref<!tpu.dma_semaphore, #tpu.memory_space<semaphore_mem>>
        tpu.enqueue_indirect_dma source(%dma_start3A_1406 : memref<1000000x32xf32, #tpu.memory_space<hbm>>) target(%dma_start3A_1400 : memref<50x32xf32, #tpu.memory_space<vmem>>) offsets(%dma_start3A_1403 : memref<50xi32, #tpu.memory_space<vmem>>) semaphore(%dma_start3A_1408 : memref<!tpu.dma_semaphore, #tpu.memory_space<semaphore_mem>>)
      } else {
      }
      %dma_wait3A_847 = arith.constant 1 : i32
      %dma_wait3A_848 = arith.constant 0 : i32
      %dma_wait3A_849 = arith.constant 1 : i32
      %dma_wait3A_850 = arith.constant 0 : i32
      %dma_wait3A_851 = arith.constant 1 : i32
      %dma_wait3A_852 = arith.constant 0 : i32
      %dma_wait3A_853 = arith.constant 0 : i32
      %dma_wait3A_854 = tpu.memref_slice %arg6[%dma_wait3A_849, %dma_wait3A_850, %dma_wait3A_852, %dma_wait3A_853] : memref<2x16x50x32xf32, #tpu.memory_space<vmem>> -> memref<1x1x50x32xf32, #tpu.memory_space<vmem>>
      %dma_wait3A_855 = tpu.memref_squeeze %dma_wait3A_854 : memref<1x1x50x32xf32, #tpu.memory_space<vmem>> -> memref<50x32xf32, #tpu.memory_space<vmem>>
      %dma_wait3A_856 = arith.constant 0 : i32
      %dma_wait3A_857 = tpu.memref_slice %arg5[%dma_wait3A_847, %dma_wait3A_848, %dma_wait3A_856] : memref<2x16x50xi32, #tpu.memory_space<vmem>> -> memref<1x1x50xi32, #tpu.memory_space<vmem>>
      %dma_wait3A_858 = tpu.memref_squeeze %dma_wait3A_857 : memref<1x1x50xi32, #tpu.memory_space<vmem>> -> memref<50xi32, #tpu.memory_space<vmem>>
      %dma_wait3A_859 = arith.constant 0 : i32
      %dma_wait3A_860 = arith.constant 0 : i32
      %dma_wait3A_861 = tpu.memref_slice %arg2[%dma_wait3A_859, %dma_wait3A_860] : memref<1000000x32xf32, #tpu.memory_space<hbm>> -> memref<1000000x32xf32, #tpu.memory_space<hbm>>
      %dma_wait3A_862 = tpu.memref_slice %arg7[%dma_wait3A_851] : memref<2x!tpu.dma_semaphore, #tpu.memory_space<semaphore_mem>> -> memref<1x!tpu.dma_semaphore, #tpu.memory_space<semaphore_mem>>
      %dma_wait3A_863 = tpu.memref_squeeze %dma_wait3A_862 : memref<1x!tpu.dma_semaphore, #tpu.memory_space<semaphore_mem>> -> memref<!tpu.dma_semaphore, #tpu.memory_space<semaphore_mem>>
      tpu.wait_indirect_dma semaphore(%dma_wait3A_863 : memref<!tpu.dma_semaphore, #tpu.memory_space<semaphore_mem>>) src(%dma_wait3A_861 : memref<1000000x32xf32, #tpu.memory_space<hbm>>) dst(%dma_wait3A_855 : memref<50x32xf32, #tpu.memory_space<vmem>>)
      %dma_wait3A_864 = arith.constant 1 : i32
      %dma_wait3A_865 = arith.constant 1 : i32
      %dma_wait3A_866 = arith.constant 1 : i32
      %dma_wait3A_867 = arith.constant 1 : i32
      %dma_wait3A_868 = arith.constant 1 : i32
      %dma_wait3A_869 = arith.constant 0 : i32
      %dma_wait3A_870 = arith.constant 0 : i32
      %dma_wait3A_871 = tpu.memref_slice %arg6[%dma_wait3A_866, %dma_wait3A_867, %dma_wait3A_869, %dma_wait3A_870] : memref<2x16x50x32xf32, #tpu.memory_space<vmem>> -> memref<1x1x50x32xf32, #tpu.memory_space<vmem>>
      %dma_wait3A_872 = tpu.memref_squeeze %dma_wait3A_871 : memref<1x1x50x32xf32, #tpu.memory_space<vmem>> -> memref<50x32xf32, #tpu.memory_space<vmem>>
      %dma_wait3A_873 = arith.constant 0 : i32
      %dma_wait3A_874 = tpu.memref_slice %arg5[%dma_wait3A_864, %dma_wait3A_865, %dma_wait3A_873] : memref<2x16x50xi32, #tpu.memory_space<vmem>> -> memref<1x1x50xi32, #tpu.memory_space<vmem>>
      %dma_wait3A_875 = tpu.memref_squeeze %dma_wait3A_874 : memref<1x1x50xi32, #tpu.memory_space<vmem>> -> memref<50xi32, #tpu.memory_space<vmem>>
      %dma_wait3A_876 = arith.constant 0 : i32
      %dma_wait3A_877 = arith.constant 0 : i32
      %dma_wait3A_878 = tpu.memref_slice %arg2[%dma_wait3A_876, %dma_wait3A_877] : memref<1000000x32xf32, #tpu.memory_space<hbm>> -> memref<1000000x32xf32, #tpu.memory_space<hbm>>
      %dma_wait3A_879 = tpu.memref_slice %arg7[%dma_wait3A_868] : memref<2x!tpu.dma_semaphore, #tpu.memory_space<semaphore_mem>> -> memref<1x!tpu.dma_semaphore, #tpu.memory_space<semaphore_mem>>
      %dma_wait3A_880 = tpu.memref_squeeze %dma_wait3A_879 : memref<1x!tpu.dma_semaphore, #tpu.memory_space<semaphore_mem>> -> memref<!tpu.dma_semaphore, #tpu.memory_space<semaphore_mem>>
      tpu.wait_indirect_dma semaphore(%dma_wait3A_880 : memref<!tpu.dma_semaphore, #tpu.memory_space<semaphore_mem>>) src(%dma_wait3A_878 : memref<1000000x32xf32, #tpu.memory_space<hbm>>) dst(%dma_wait3A_872 : memref<50x32xf32, #tpu.memory_space<vmem>>)
      %dma_wait3A_881 = arith.constant 1 : i32
      %dma_wait3A_882 = arith.constant 2 : i32
      %dma_wait3A_883 = arith.constant 1 : i32
      %dma_wait3A_884 = arith.constant 2 : i32
      %dma_wait3A_885 = arith.constant 1 : i32
      %dma_wait3A_886 = arith.constant 0 : i32
      %dma_wait3A_887 = arith.constant 0 : i32
      %dma_wait3A_888 = tpu.memref_slice %arg6[%dma_wait3A_883, %dma_wait3A_884, %dma_wait3A_886, %dma_wait3A_887] : memref<2x16x50x32xf32, #tpu.memory_space<vmem>> -> memref<1x1x50x32xf32, #tpu.memory_space<vmem>>
      %dma_wait3A_889 = tpu.memref_squeeze %dma_wait3A_888 : memref<1x1x50x32xf32, #tpu.memory_space<vmem>> -> memref<50x32xf32, #tpu.memory_space<vmem>>
      %dma_wait3A_890 = arith.constant 0 : i32
      %dma_wait3A_891 = tpu.memref_slice %arg5[%dma_wait3A_881, %dma_wait3A_882, %dma_wait3A_890] : memref<2x16x50xi32, #tpu.memory_space<vmem>> -> memref<1x1x50xi32, #tpu.memory_space<vmem>>
      %dma_wait3A_892 = tpu.memref_squeeze %dma_wait3A_891 : memref<1x1x50xi32, #tpu.memory_space<vmem>> -> memref<50xi32, #tpu.memory_space<vmem>>
      %dma_wait3A_893 = arith.constant 0 : i32
      %dma_wait3A_894 = arith.constant 0 : i32
      %dma_wait3A_895 = tpu.memref_slice %arg2[%dma_wait3A_893, %dma_wait3A_894] : memref<1000000x32xf32, #tpu.memory_space<hbm>> -> memref<1000000x32xf32, #tpu.memory_space<hbm>>
      %dma_wait3A_896 = tpu.memref_slice %arg7[%dma_wait3A_885] : memref<2x!tpu.dma_semaphore, #tpu.memory_space<semaphore_mem>> -> memref<1x!tpu.dma_semaphore, #tpu.memory_space<semaphore_mem>>
      %dma_wait3A_897 = tpu.memref_squeeze %dma_wait3A_896 : memref<1x!tpu.dma_semaphore, #tpu.memory_space<semaphore_mem>> -> memref<!tpu.dma_semaphore, #tpu.memory_space<semaphore_mem>>
      tpu.wait_indirect_dma semaphore(%dma_wait3A_897 : memref<!tpu.dma_semaphore, #tpu.memory_space<semaphore_mem>>) src(%dma_wait3A_895 : memref<1000000x32xf32, #tpu.memory_space<hbm>>) dst(%dma_wait3A_889 : memref<50x32xf32, #tpu.memory_space<vmem>>)
      %dma_wait3A_898 = arith.constant 1 : i32
      %dma_wait3A_899 = arith.constant 3 : i32
      %dma_wait3A_900 = arith.constant 1 : i32
      %dma_wait3A_901 = arith.constant 3 : i32
      %dma_wait3A_902 = arith.constant 1 : i32
      %dma_wait3A_903 = arith.constant 0 : i32
      %dma_wait3A_904 = arith.constant 0 : i32
      %dma_wait3A_905 = tpu.memref_slice %arg6[%dma_wait3A_900, %dma_wait3A_901, %dma_wait3A_903, %dma_wait3A_904] : memref<2x16x50x32xf32, #tpu.memory_space<vmem>> -> memref<1x1x50x32xf32, #tpu.memory_space<vmem>>
      %dma_wait3A_906 = tpu.memref_squeeze %dma_wait3A_905 : memref<1x1x50x32xf32, #tpu.memory_space<vmem>> -> memref<50x32xf32, #tpu.memory_space<vmem>>
      %dma_wait3A_907 = arith.constant 0 : i32
      %dma_wait3A_908 = tpu.memref_slice %arg5[%dma_wait3A_898, %dma_wait3A_899, %dma_wait3A_907] : memref<2x16x50xi32, #tpu.memory_space<vmem>> -> memref<1x1x50xi32, #tpu.memory_space<vmem>>
      %dma_wait3A_909 = tpu.memref_squeeze %dma_wait3A_908 : memref<1x1x50xi32, #tpu.memory_space<vmem>> -> memref<50xi32, #tpu.memory_space<vmem>>
      %dma_wait3A_910 = arith.constant 0 : i32
      %dma_wait3A_911 = arith.constant 0 : i32
      %dma_wait3A_912 = tpu.memref_slice %arg2[%dma_wait3A_910, %dma_wait3A_911] : memref<1000000x32xf32, #tpu.memory_space<hbm>> -> memref<1000000x32xf32, #tpu.memory_space<hbm>>
      %dma_wait3A_913 = tpu.memref_slice %arg7[%dma_wait3A_902] : memref<2x!tpu.dma_semaphore, #tpu.memory_space<semaphore_mem>> -> memref<1x!tpu.dma_semaphore, #tpu.memory_space<semaphore_mem>>
      %dma_wait3A_914 = tpu.memref_squeeze %dma_wait3A_913 : memref<1x!tpu.dma_semaphore, #tpu.memory_space<semaphore_mem>> -> memref<!tpu.dma_semaphore, #tpu.memory_space<semaphore_mem>>
      tpu.wait_indirect_dma semaphore(%dma_wait3A_914 : memref<!tpu.dma_semaphore, #tpu.memory_space<semaphore_mem>>) src(%dma_wait3A_912 : memref<1000000x32xf32, #tpu.memory_space<hbm>>) dst(%dma_wait3A_906 : memref<50x32xf32, #tpu.memory_space<vmem>>)
      %dma_wait3A_915 = arith.constant 1 : i32
      %dma_wait3A_916 = arith.constant 4 : i32
      %dma_wait3A_917 = arith.constant 1 : i32
      %dma_wait3A_918 = arith.constant 4 : i32
      %dma_wait3A_919 = arith.constant 1 : i32
      %dma_wait3A_920 = arith.constant 0 : i32
      %dma_wait3A_921 = arith.constant 0 : i32
      %dma_wait3A_922 = tpu.memref_slice %arg6[%dma_wait3A_917, %dma_wait3A_918, %dma_wait3A_920, %dma_wait3A_921] : memref<2x16x50x32xf32, #tpu.memory_space<vmem>> -> memref<1x1x50x32xf32, #tpu.memory_space<vmem>>
      %dma_wait3A_923 = tpu.memref_squeeze %dma_wait3A_922 : memref<1x1x50x32xf32, #tpu.memory_space<vmem>> -> memref<50x32xf32, #tpu.memory_space<vmem>>
      %dma_wait3A_924 = arith.constant 0 : i32
      %dma_wait3A_925 = tpu.memref_slice %arg5[%dma_wait3A_915, %dma_wait3A_916, %dma_wait3A_924] : memref<2x16x50xi32, #tpu.memory_space<vmem>> -> memref<1x1x50xi32, #tpu.memory_space<vmem>>
      %dma_wait3A_926 = tpu.memref_squeeze %dma_wait3A_925 : memref<1x1x50xi32, #tpu.memory_space<vmem>> -> memref<50xi32, #tpu.memory_space<vmem>>
      %dma_wait3A_927 = arith.constant 0 : i32
      %dma_wait3A_928 = arith.constant 0 : i32
      %dma_wait3A_929 = tpu.memref_slice %arg2[%dma_wait3A_927, %dma_wait3A_928] : memref<1000000x32xf32, #tpu.memory_space<hbm>> -> memref<1000000x32xf32, #tpu.memory_space<hbm>>
      %dma_wait3A_930 = tpu.memref_slice %arg7[%dma_wait3A_919] : memref<2x!tpu.dma_semaphore, #tpu.memory_space<semaphore_mem>> -> memref<1x!tpu.dma_semaphore, #tpu.memory_space<semaphore_mem>>
      %dma_wait3A_931 = tpu.memref_squeeze %dma_wait3A_930 : memref<1x!tpu.dma_semaphore, #tpu.memory_space<semaphore_mem>> -> memref<!tpu.dma_semaphore, #tpu.memory_space<semaphore_mem>>
      tpu.wait_indirect_dma semaphore(%dma_wait3A_931 : memref<!tpu.dma_semaphore, #tpu.memory_space<semaphore_mem>>) src(%dma_wait3A_929 : memref<1000000x32xf32, #tpu.memory_space<hbm>>) dst(%dma_wait3A_923 : memref<50x32xf32, #tpu.memory_space<vmem>>)
      %dma_wait3A_932 = arith.constant 1 : i32
      %dma_wait3A_933 = arith.constant 5 : i32
      %dma_wait3A_934 = arith.constant 1 : i32
      %dma_wait3A_935 = arith.constant 5 : i32
      %dma_wait3A_936 = arith.constant 1 : i32
      %dma_wait3A_937 = arith.constant 0 : i32
      %dma_wait3A_938 = arith.constant 0 : i32
      %dma_wait3A_939 = tpu.memref_slice %arg6[%dma_wait3A_934, %dma_wait3A_935, %dma_wait3A_937, %dma_wait3A_938] : memref<2x16x50x32xf32, #tpu.memory_space<vmem>> -> memref<1x1x50x32xf32, #tpu.memory_space<vmem>>
      %dma_wait3A_940 = tpu.memref_squeeze %dma_wait3A_939 : memref<1x1x50x32xf32, #tpu.memory_space<vmem>> -> memref<50x32xf32, #tpu.memory_space<vmem>>
      %dma_wait3A_941 = arith.constant 0 : i32
      %dma_wait3A_942 = tpu.memref_slice %arg5[%dma_wait3A_932, %dma_wait3A_933, %dma_wait3A_941] : memref<2x16x50xi32, #tpu.memory_space<vmem>> -> memref<1x1x50xi32, #tpu.memory_space<vmem>>
      %dma_wait3A_943 = tpu.memref_squeeze %dma_wait3A_942 : memref<1x1x50xi32, #tpu.memory_space<vmem>> -> memref<50xi32, #tpu.memory_space<vmem>>
      %dma_wait3A_944 = arith.constant 0 : i32
      %dma_wait3A_945 = arith.constant 0 : i32
      %dma_wait3A_946 = tpu.memref_slice %arg2[%dma_wait3A_944, %dma_wait3A_945] : memref<1000000x32xf32, #tpu.memory_space<hbm>> -> memref<1000000x32xf32, #tpu.memory_space<hbm>>
      %dma_wait3A_947 = tpu.memref_slice %arg7[%dma_wait3A_936] : memref<2x!tpu.dma_semaphore, #tpu.memory_space<semaphore_mem>> -> memref<1x!tpu.dma_semaphore, #tpu.memory_space<semaphore_mem>>
      %dma_wait3A_948 = tpu.memref_squeeze %dma_wait3A_947 : memref<1x!tpu.dma_semaphore, #tpu.memory_space<semaphore_mem>> -> memref<!tpu.dma_semaphore, #tpu.memory_space<semaphore_mem>>
      tpu.wait_indirect_dma semaphore(%dma_wait3A_948 : memref<!tpu.dma_semaphore, #tpu.memory_space<semaphore_mem>>) src(%dma_wait3A_946 : memref<1000000x32xf32, #tpu.memory_space<hbm>>) dst(%dma_wait3A_940 : memref<50x32xf32, #tpu.memory_space<vmem>>)
      %dma_wait3A_949 = arith.constant 1 : i32
      %dma_wait3A_950 = arith.constant 6 : i32
      %dma_wait3A_951 = arith.constant 1 : i32
      %dma_wait3A_952 = arith.constant 6 : i32
      %dma_wait3A_953 = arith.constant 1 : i32
      %dma_wait3A_954 = arith.constant 0 : i32
      %dma_wait3A_955 = arith.constant 0 : i32
      %dma_wait3A_956 = tpu.memref_slice %arg6[%dma_wait3A_951, %dma_wait3A_952, %dma_wait3A_954, %dma_wait3A_955] : memref<2x16x50x32xf32, #tpu.memory_space<vmem>> -> memref<1x1x50x32xf32, #tpu.memory_space<vmem>>
      %dma_wait3A_957 = tpu.memref_squeeze %dma_wait3A_956 : memref<1x1x50x32xf32, #tpu.memory_space<vmem>> -> memref<50x32xf32, #tpu.memory_space<vmem>>
      %dma_wait3A_958 = arith.constant 0 : i32
      %dma_wait3A_959 = tpu.memref_slice %arg5[%dma_wait3A_949, %dma_wait3A_950, %dma_wait3A_958] : memref<2x16x50xi32, #tpu.memory_space<vmem>> -> memref<1x1x50xi32, #tpu.memory_space<vmem>>
      %dma_wait3A_960 = tpu.memref_squeeze %dma_wait3A_959 : memref<1x1x50xi32, #tpu.memory_space<vmem>> -> memref<50xi32, #tpu.memory_space<vmem>>
      %dma_wait3A_961 = arith.constant 0 : i32
      %dma_wait3A_962 = arith.constant 0 : i32
      %dma_wait3A_963 = tpu.memref_slice %arg2[%dma_wait3A_961, %dma_wait3A_962] : memref<1000000x32xf32, #tpu.memory_space<hbm>> -> memref<1000000x32xf32, #tpu.memory_space<hbm>>
      %dma_wait3A_964 = tpu.memref_slice %arg7[%dma_wait3A_953] : memref<2x!tpu.dma_semaphore, #tpu.memory_space<semaphore_mem>> -> memref<1x!tpu.dma_semaphore, #tpu.memory_space<semaphore_mem>>
      %dma_wait3A_965 = tpu.memref_squeeze %dma_wait3A_964 : memref<1x!tpu.dma_semaphore, #tpu.memory_space<semaphore_mem>> -> memref<!tpu.dma_semaphore, #tpu.memory_space<semaphore_mem>>
      tpu.wait_indirect_dma semaphore(%dma_wait3A_965 : memref<!tpu.dma_semaphore, #tpu.memory_space<semaphore_mem>>) src(%dma_wait3A_963 : memref<1000000x32xf32, #tpu.memory_space<hbm>>) dst(%dma_wait3A_957 : memref<50x32xf32, #tpu.memory_space<vmem>>)
      %dma_wait3A_966 = arith.constant 1 : i32
      %dma_wait3A_967 = arith.constant 7 : i32
      %dma_wait3A_968 = arith.constant 1 : i32
      %dma_wait3A_969 = arith.constant 7 : i32
      %dma_wait3A_970 = arith.constant 1 : i32
      %dma_wait3A_971 = arith.constant 0 : i32
      %dma_wait3A_972 = arith.constant 0 : i32
      %dma_wait3A_973 = tpu.memref_slice %arg6[%dma_wait3A_968, %dma_wait3A_969, %dma_wait3A_971, %dma_wait3A_972] : memref<2x16x50x32xf32, #tpu.memory_space<vmem>> -> memref<1x1x50x32xf32, #tpu.memory_space<vmem>>
      %dma_wait3A_974 = tpu.memref_squeeze %dma_wait3A_973 : memref<1x1x50x32xf32, #tpu.memory_space<vmem>> -> memref<50x32xf32, #tpu.memory_space<vmem>>
      %dma_wait3A_975 = arith.constant 0 : i32
      %dma_wait3A_976 = tpu.memref_slice %arg5[%dma_wait3A_966, %dma_wait3A_967, %dma_wait3A_975] : memref<2x16x50xi32, #tpu.memory_space<vmem>> -> memref<1x1x50xi32, #tpu.memory_space<vmem>>
      %dma_wait3A_977 = tpu.memref_squeeze %dma_wait3A_976 : memref<1x1x50xi32, #tpu.memory_space<vmem>> -> memref<50xi32, #tpu.memory_space<vmem>>
      %dma_wait3A_978 = arith.constant 0 : i32
      %dma_wait3A_979 = arith.constant 0 : i32
      %dma_wait3A_980 = tpu.memref_slice %arg2[%dma_wait3A_978, %dma_wait3A_979] : memref<1000000x32xf32, #tpu.memory_space<hbm>> -> memref<1000000x32xf32, #tpu.memory_space<hbm>>
      %dma_wait3A_981 = tpu.memref_slice %arg7[%dma_wait3A_970] : memref<2x!tpu.dma_semaphore, #tpu.memory_space<semaphore_mem>> -> memref<1x!tpu.dma_semaphore, #tpu.memory_space<semaphore_mem>>
      %dma_wait3A_982 = tpu.memref_squeeze %dma_wait3A_981 : memref<1x!tpu.dma_semaphore, #tpu.memory_space<semaphore_mem>> -> memref<!tpu.dma_semaphore, #tpu.memory_space<semaphore_mem>>
      tpu.wait_indirect_dma semaphore(%dma_wait3A_982 : memref<!tpu.dma_semaphore, #tpu.memory_space<semaphore_mem>>) src(%dma_wait3A_980 : memref<1000000x32xf32, #tpu.memory_space<hbm>>) dst(%dma_wait3A_974 : memref<50x32xf32, #tpu.memory_space<vmem>>)
      %dma_wait3A_983 = arith.constant 1 : i32
      %dma_wait3A_984 = arith.constant 8 : i32
      %dma_wait3A_985 = arith.constant 1 : i32
      %dma_wait3A_986 = arith.constant 8 : i32
      %dma_wait3A_987 = arith.constant 1 : i32
      %dma_wait3A_988 = arith.constant 0 : i32
      %dma_wait3A_989 = arith.constant 0 : i32
      %dma_wait3A_990 = tpu.memref_slice %arg6[%dma_wait3A_985, %dma_wait3A_986, %dma_wait3A_988, %dma_wait3A_989] : memref<2x16x50x32xf32, #tpu.memory_space<vmem>> -> memref<1x1x50x32xf32, #tpu.memory_space<vmem>>
      %dma_wait3A_991 = tpu.memref_squeeze %dma_wait3A_990 : memref<1x1x50x32xf32, #tpu.memory_space<vmem>> -> memref<50x32xf32, #tpu.memory_space<vmem>>
      %dma_wait3A_992 = arith.constant 0 : i32
      %dma_wait3A_993 = tpu.memref_slice %arg5[%dma_wait3A_983, %dma_wait3A_984, %dma_wait3A_992] : memref<2x16x50xi32, #tpu.memory_space<vmem>> -> memref<1x1x50xi32, #tpu.memory_space<vmem>>
      %dma_wait3A_994 = tpu.memref_squeeze %dma_wait3A_993 : memref<1x1x50xi32, #tpu.memory_space<vmem>> -> memref<50xi32, #tpu.memory_space<vmem>>
      %dma_wait3A_995 = arith.constant 0 : i32
      %dma_wait3A_996 = arith.constant 0 : i32
      %dma_wait3A_997 = tpu.memref_slice %arg2[%dma_wait3A_995, %dma_wait3A_996] : memref<1000000x32xf32, #tpu.memory_space<hbm>> -> memref<1000000x32xf32, #tpu.memory_space<hbm>>
      %dma_wait3A_998 = tpu.memref_slice %arg7[%dma_wait3A_987] : memref<2x!tpu.dma_semaphore, #tpu.memory_space<semaphore_mem>> -> memref<1x!tpu.dma_semaphore, #tpu.memory_space<semaphore_mem>>
      %dma_wait3A_999 = tpu.memref_squeeze %dma_wait3A_998 : memref<1x!tpu.dma_semaphore, #tpu.memory_space<semaphore_mem>> -> memref<!tpu.dma_semaphore, #tpu.memory_space<semaphore_mem>>
      tpu.wait_indirect_dma semaphore(%dma_wait3A_999 : memref<!tpu.dma_semaphore, #tpu.memory_space<semaphore_mem>>) src(%dma_wait3A_997 : memref<1000000x32xf32, #tpu.memory_space<hbm>>) dst(%dma_wait3A_991 : memref<50x32xf32, #tpu.memory_space<vmem>>)
      %dma_wait3A_1000 = arith.constant 1 : i32
      %dma_wait3A_1001 = arith.constant 9 : i32
      %dma_wait3A_1002 = arith.constant 1 : i32
      %dma_wait3A_1003 = arith.constant 9 : i32
      %dma_wait3A_1004 = arith.constant 1 : i32
      %dma_wait3A_1005 = arith.constant 0 : i32
      %dma_wait3A_1006 = arith.constant 0 : i32
      %dma_wait3A_1007 = tpu.memref_slice %arg6[%dma_wait3A_1002, %dma_wait3A_1003, %dma_wait3A_1005, %dma_wait3A_1006] : memref<2x16x50x32xf32, #tpu.memory_space<vmem>> -> memref<1x1x50x32xf32, #tpu.memory_space<vmem>>
      %dma_wait3A_1008 = tpu.memref_squeeze %dma_wait3A_1007 : memref<1x1x50x32xf32, #tpu.memory_space<vmem>> -> memref<50x32xf32, #tpu.memory_space<vmem>>
      %dma_wait3A_1009 = arith.constant 0 : i32
      %dma_wait3A_1010 = tpu.memref_slice %arg5[%dma_wait3A_1000, %dma_wait3A_1001, %dma_wait3A_1009] : memref<2x16x50xi32, #tpu.memory_space<vmem>> -> memref<1x1x50xi32, #tpu.memory_space<vmem>>
      %dma_wait3A_1011 = tpu.memref_squeeze %dma_wait3A_1010 : memref<1x1x50xi32, #tpu.memory_space<vmem>> -> memref<50xi32, #tpu.memory_space<vmem>>
      %dma_wait3A_1012 = arith.constant 0 : i32
      %dma_wait3A_1013 = arith.constant 0 : i32
      %dma_wait3A_1014 = tpu.memref_slice %arg2[%dma_wait3A_1012, %dma_wait3A_1013] : memref<1000000x32xf32, #tpu.memory_space<hbm>> -> memref<1000000x32xf32, #tpu.memory_space<hbm>>
      %dma_wait3A_1015 = tpu.memref_slice %arg7[%dma_wait3A_1004] : memref<2x!tpu.dma_semaphore, #tpu.memory_space<semaphore_mem>> -> memref<1x!tpu.dma_semaphore, #tpu.memory_space<semaphore_mem>>
      %dma_wait3A_1016 = tpu.memref_squeeze %dma_wait3A_1015 : memref<1x!tpu.dma_semaphore, #tpu.memory_space<semaphore_mem>> -> memref<!tpu.dma_semaphore, #tpu.memory_space<semaphore_mem>>
      tpu.wait_indirect_dma semaphore(%dma_wait3A_1016 : memref<!tpu.dma_semaphore, #tpu.memory_space<semaphore_mem>>) src(%dma_wait3A_1014 : memref<1000000x32xf32, #tpu.memory_space<hbm>>) dst(%dma_wait3A_1008 : memref<50x32xf32, #tpu.memory_space<vmem>>)
      %dma_wait3A_1017 = arith.constant 1 : i32
      %dma_wait3A_1018 = arith.constant 10 : i32
      %dma_wait3A_1019 = arith.constant 1 : i32
      %dma_wait3A_1020 = arith.constant 10 : i32
      %dma_wait3A_1021 = arith.constant 1 : i32
      %dma_wait3A_1022 = arith.constant 0 : i32
      %dma_wait3A_1023 = arith.constant 0 : i32
      %dma_wait3A_1024 = tpu.memref_slice %arg6[%dma_wait3A_1019, %dma_wait3A_1020, %dma_wait3A_1022, %dma_wait3A_1023] : memref<2x16x50x32xf32, #tpu.memory_space<vmem>> -> memref<1x1x50x32xf32, #tpu.memory_space<vmem>>
      %dma_wait3A_1025 = tpu.memref_squeeze %dma_wait3A_1024 : memref<1x1x50x32xf32, #tpu.memory_space<vmem>> -> memref<50x32xf32, #tpu.memory_space<vmem>>
      %dma_wait3A_1026 = arith.constant 0 : i32
      %dma_wait3A_1027 = tpu.memref_slice %arg5[%dma_wait3A_1017, %dma_wait3A_1018, %dma_wait3A_1026] : memref<2x16x50xi32, #tpu.memory_space<vmem>> -> memref<1x1x50xi32, #tpu.memory_space<vmem>>
      %dma_wait3A_1028 = tpu.memref_squeeze %dma_wait3A_1027 : memref<1x1x50xi32, #tpu.memory_space<vmem>> -> memref<50xi32, #tpu.memory_space<vmem>>
      %dma_wait3A_1029 = arith.constant 0 : i32
      %dma_wait3A_1030 = arith.constant 0 : i32
      %dma_wait3A_1031 = tpu.memref_slice %arg2[%dma_wait3A_1029, %dma_wait3A_1030] : memref<1000000x32xf32, #tpu.memory_space<hbm>> -> memref<1000000x32xf32, #tpu.memory_space<hbm>>
      %dma_wait3A_1032 = tpu.memref_slice %arg7[%dma_wait3A_1021] : memref<2x!tpu.dma_semaphore, #tpu.memory_space<semaphore_mem>> -> memref<1x!tpu.dma_semaphore, #tpu.memory_space<semaphore_mem>>
      %dma_wait3A_1033 = tpu.memref_squeeze %dma_wait3A_1032 : memref<1x!tpu.dma_semaphore, #tpu.memory_space<semaphore_mem>> -> memref<!tpu.dma_semaphore, #tpu.memory_space<semaphore_mem>>
      tpu.wait_indirect_dma semaphore(%dma_wait3A_1033 : memref<!tpu.dma_semaphore, #tpu.memory_space<semaphore_mem>>) src(%dma_wait3A_1031 : memref<1000000x32xf32, #tpu.memory_space<hbm>>) dst(%dma_wait3A_1025 : memref<50x32xf32, #tpu.memory_space<vmem>>)
      %dma_wait3A_1034 = arith.constant 1 : i32
      %dma_wait3A_1035 = arith.constant 11 : i32
      %dma_wait3A_1036 = arith.constant 1 : i32
      %dma_wait3A_1037 = arith.constant 11 : i32
      %dma_wait3A_1038 = arith.constant 1 : i32
      %dma_wait3A_1039 = arith.constant 0 : i32
      %dma_wait3A_1040 = arith.constant 0 : i32
      %dma_wait3A_1041 = tpu.memref_slice %arg6[%dma_wait3A_1036, %dma_wait3A_1037, %dma_wait3A_1039, %dma_wait3A_1040] : memref<2x16x50x32xf32, #tpu.memory_space<vmem>> -> memref<1x1x50x32xf32, #tpu.memory_space<vmem>>
      %dma_wait3A_1042 = tpu.memref_squeeze %dma_wait3A_1041 : memref<1x1x50x32xf32, #tpu.memory_space<vmem>> -> memref<50x32xf32, #tpu.memory_space<vmem>>
      %dma_wait3A_1043 = arith.constant 0 : i32
      %dma_wait3A_1044 = tpu.memref_slice %arg5[%dma_wait3A_1034, %dma_wait3A_1035, %dma_wait3A_1043] : memref<2x16x50xi32, #tpu.memory_space<vmem>> -> memref<1x1x50xi32, #tpu.memory_space<vmem>>
      %dma_wait3A_1045 = tpu.memref_squeeze %dma_wait3A_1044 : memref<1x1x50xi32, #tpu.memory_space<vmem>> -> memref<50xi32, #tpu.memory_space<vmem>>
      %dma_wait3A_1046 = arith.constant 0 : i32
      %dma_wait3A_1047 = arith.constant 0 : i32
      %dma_wait3A_1048 = tpu.memref_slice %arg2[%dma_wait3A_1046, %dma_wait3A_1047] : memref<1000000x32xf32, #tpu.memory_space<hbm>> -> memref<1000000x32xf32, #tpu.memory_space<hbm>>
      %dma_wait3A_1049 = tpu.memref_slice %arg7[%dma_wait3A_1038] : memref<2x!tpu.dma_semaphore, #tpu.memory_space<semaphore_mem>> -> memref<1x!tpu.dma_semaphore, #tpu.memory_space<semaphore_mem>>
      %dma_wait3A_1050 = tpu.memref_squeeze %dma_wait3A_1049 : memref<1x!tpu.dma_semaphore, #tpu.memory_space<semaphore_mem>> -> memref<!tpu.dma_semaphore, #tpu.memory_space<semaphore_mem>>
      tpu.wait_indirect_dma semaphore(%dma_wait3A_1050 : memref<!tpu.dma_semaphore, #tpu.memory_space<semaphore_mem>>) src(%dma_wait3A_1048 : memref<1000000x32xf32, #tpu.memory_space<hbm>>) dst(%dma_wait3A_1042 : memref<50x32xf32, #tpu.memory_space<vmem>>)
      %dma_wait3A_1051 = arith.constant 1 : i32
      %dma_wait3A_1052 = arith.constant 12 : i32
      %dma_wait3A_1053 = arith.constant 1 : i32
      %dma_wait3A_1054 = arith.constant 12 : i32
      %dma_wait3A_1055 = arith.constant 1 : i32
      %dma_wait3A_1056 = arith.constant 0 : i32
      %dma_wait3A_1057 = arith.constant 0 : i32
      %dma_wait3A_1058 = tpu.memref_slice %arg6[%dma_wait3A_1053, %dma_wait3A_1054, %dma_wait3A_1056, %dma_wait3A_1057] : memref<2x16x50x32xf32, #tpu.memory_space<vmem>> -> memref<1x1x50x32xf32, #tpu.memory_space<vmem>>
      %dma_wait3A_1059 = tpu.memref_squeeze %dma_wait3A_1058 : memref<1x1x50x32xf32, #tpu.memory_space<vmem>> -> memref<50x32xf32, #tpu.memory_space<vmem>>
      %dma_wait3A_1060 = arith.constant 0 : i32
      %dma_wait3A_1061 = tpu.memref_slice %arg5[%dma_wait3A_1051, %dma_wait3A_1052, %dma_wait3A_1060] : memref<2x16x50xi32, #tpu.memory_space<vmem>> -> memref<1x1x50xi32, #tpu.memory_space<vmem>>
      %dma_wait3A_1062 = tpu.memref_squeeze %dma_wait3A_1061 : memref<1x1x50xi32, #tpu.memory_space<vmem>> -> memref<50xi32, #tpu.memory_space<vmem>>
      %dma_wait3A_1063 = arith.constant 0 : i32
      %dma_wait3A_1064 = arith.constant 0 : i32
      %dma_wait3A_1065 = tpu.memref_slice %arg2[%dma_wait3A_1063, %dma_wait3A_1064] : memref<1000000x32xf32, #tpu.memory_space<hbm>> -> memref<1000000x32xf32, #tpu.memory_space<hbm>>
      %dma_wait3A_1066 = tpu.memref_slice %arg7[%dma_wait3A_1055] : memref<2x!tpu.dma_semaphore, #tpu.memory_space<semaphore_mem>> -> memref<1x!tpu.dma_semaphore, #tpu.memory_space<semaphore_mem>>
      %dma_wait3A_1067 = tpu.memref_squeeze %dma_wait3A_1066 : memref<1x!tpu.dma_semaphore, #tpu.memory_space<semaphore_mem>> -> memref<!tpu.dma_semaphore, #tpu.memory_space<semaphore_mem>>
      tpu.wait_indirect_dma semaphore(%dma_wait3A_1067 : memref<!tpu.dma_semaphore, #tpu.memory_space<semaphore_mem>>) src(%dma_wait3A_1065 : memref<1000000x32xf32, #tpu.memory_space<hbm>>) dst(%dma_wait3A_1059 : memref<50x32xf32, #tpu.memory_space<vmem>>)
      %dma_wait3A_1068 = arith.constant 1 : i32
      %dma_wait3A_1069 = arith.constant 13 : i32
      %dma_wait3A_1070 = arith.constant 1 : i32
      %dma_wait3A_1071 = arith.constant 13 : i32
      %dma_wait3A_1072 = arith.constant 1 : i32
      %dma_wait3A_1073 = arith.constant 0 : i32
      %dma_wait3A_1074 = arith.constant 0 : i32
      %dma_wait3A_1075 = tpu.memref_slice %arg6[%dma_wait3A_1070, %dma_wait3A_1071, %dma_wait3A_1073, %dma_wait3A_1074] : memref<2x16x50x32xf32, #tpu.memory_space<vmem>> -> memref<1x1x50x32xf32, #tpu.memory_space<vmem>>
      %dma_wait3A_1076 = tpu.memref_squeeze %dma_wait3A_1075 : memref<1x1x50x32xf32, #tpu.memory_space<vmem>> -> memref<50x32xf32, #tpu.memory_space<vmem>>
      %dma_wait3A_1077 = arith.constant 0 : i32
      %dma_wait3A_1078 = tpu.memref_slice %arg5[%dma_wait3A_1068, %dma_wait3A_1069, %dma_wait3A_1077] : memref<2x16x50xi32, #tpu.memory_space<vmem>> -> memref<1x1x50xi32, #tpu.memory_space<vmem>>
      %dma_wait3A_1079 = tpu.memref_squeeze %dma_wait3A_1078 : memref<1x1x50xi32, #tpu.memory_space<vmem>> -> memref<50xi32, #tpu.memory_space<vmem>>
      %dma_wait3A_1080 = arith.constant 0 : i32
      %dma_wait3A_1081 = arith.constant 0 : i32
      %dma_wait3A_1082 = tpu.memref_slice %arg2[%dma_wait3A_1080, %dma_wait3A_1081] : memref<1000000x32xf32, #tpu.memory_space<hbm>> -> memref<1000000x32xf32, #tpu.memory_space<hbm>>
      %dma_wait3A_1083 = tpu.memref_slice %arg7[%dma_wait3A_1072] : memref<2x!tpu.dma_semaphore, #tpu.memory_space<semaphore_mem>> -> memref<1x!tpu.dma_semaphore, #tpu.memory_space<semaphore_mem>>
      %dma_wait3A_1084 = tpu.memref_squeeze %dma_wait3A_1083 : memref<1x!tpu.dma_semaphore, #tpu.memory_space<semaphore_mem>> -> memref<!tpu.dma_semaphore, #tpu.memory_space<semaphore_mem>>
      tpu.wait_indirect_dma semaphore(%dma_wait3A_1084 : memref<!tpu.dma_semaphore, #tpu.memory_space<semaphore_mem>>) src(%dma_wait3A_1082 : memref<1000000x32xf32, #tpu.memory_space<hbm>>) dst(%dma_wait3A_1076 : memref<50x32xf32, #tpu.memory_space<vmem>>)
      %dma_wait3A_1085 = arith.constant 1 : i32
      %dma_wait3A_1086 = arith.constant 14 : i32
      %dma_wait3A_1087 = arith.constant 1 : i32
      %dma_wait3A_1088 = arith.constant 14 : i32
      %dma_wait3A_1089 = arith.constant 1 : i32
      %dma_wait3A_1090 = arith.constant 0 : i32
      %dma_wait3A_1091 = arith.constant 0 : i32
      %dma_wait3A_1092 = tpu.memref_slice %arg6[%dma_wait3A_1087, %dma_wait3A_1088, %dma_wait3A_1090, %dma_wait3A_1091] : memref<2x16x50x32xf32, #tpu.memory_space<vmem>> -> memref<1x1x50x32xf32, #tpu.memory_space<vmem>>
      %dma_wait3A_1093 = tpu.memref_squeeze %dma_wait3A_1092 : memref<1x1x50x32xf32, #tpu.memory_space<vmem>> -> memref<50x32xf32, #tpu.memory_space<vmem>>
      %dma_wait3A_1094 = arith.constant 0 : i32
      %dma_wait3A_1095 = tpu.memref_slice %arg5[%dma_wait3A_1085, %dma_wait3A_1086, %dma_wait3A_1094] : memref<2x16x50xi32, #tpu.memory_space<vmem>> -> memref<1x1x50xi32, #tpu.memory_space<vmem>>
      %dma_wait3A_1096 = tpu.memref_squeeze %dma_wait3A_1095 : memref<1x1x50xi32, #tpu.memory_space<vmem>> -> memref<50xi32, #tpu.memory_space<vmem>>
      %dma_wait3A_1097 = arith.constant 0 : i32
      %dma_wait3A_1098 = arith.constant 0 : i32
      %dma_wait3A_1099 = tpu.memref_slice %arg2[%dma_wait3A_1097, %dma_wait3A_1098] : memref<1000000x32xf32, #tpu.memory_space<hbm>> -> memref<1000000x32xf32, #tpu.memory_space<hbm>>
      %dma_wait3A_1100 = tpu.memref_slice %arg7[%dma_wait3A_1089] : memref<2x!tpu.dma_semaphore, #tpu.memory_space<semaphore_mem>> -> memref<1x!tpu.dma_semaphore, #tpu.memory_space<semaphore_mem>>
      %dma_wait3A_1101 = tpu.memref_squeeze %dma_wait3A_1100 : memref<1x!tpu.dma_semaphore, #tpu.memory_space<semaphore_mem>> -> memref<!tpu.dma_semaphore, #tpu.memory_space<semaphore_mem>>
      tpu.wait_indirect_dma semaphore(%dma_wait3A_1101 : memref<!tpu.dma_semaphore, #tpu.memory_space<semaphore_mem>>) src(%dma_wait3A_1099 : memref<1000000x32xf32, #tpu.memory_space<hbm>>) dst(%dma_wait3A_1093 : memref<50x32xf32, #tpu.memory_space<vmem>>)
      %dma_wait3A_1102 = arith.constant 1 : i32
      %dma_wait3A_1103 = arith.constant 15 : i32
      %dma_wait3A_1104 = arith.constant 1 : i32
      %dma_wait3A_1105 = arith.constant 15 : i32
      %dma_wait3A_1106 = arith.constant 1 : i32
      %dma_wait3A_1107 = arith.constant 0 : i32
      %dma_wait3A_1108 = arith.constant 0 : i32
      %dma_wait3A_1109 = tpu.memref_slice %arg6[%dma_wait3A_1104, %dma_wait3A_1105, %dma_wait3A_1107, %dma_wait3A_1108] : memref<2x16x50x32xf32, #tpu.memory_space<vmem>> -> memref<1x1x50x32xf32, #tpu.memory_space<vmem>>
      %dma_wait3A_1110 = tpu.memref_squeeze %dma_wait3A_1109 : memref<1x1x50x32xf32, #tpu.memory_space<vmem>> -> memref<50x32xf32, #tpu.memory_space<vmem>>
      %dma_wait3A_1111 = arith.constant 0 : i32
      %dma_wait3A_1112 = tpu.memref_slice %arg5[%dma_wait3A_1102, %dma_wait3A_1103, %dma_wait3A_1111] : memref<2x16x50xi32, #tpu.memory_space<vmem>> -> memref<1x1x50xi32, #tpu.memory_space<vmem>>
      %dma_wait3A_1113 = tpu.memref_squeeze %dma_wait3A_1112 : memref<1x1x50xi32, #tpu.memory_space<vmem>> -> memref<50xi32, #tpu.memory_space<vmem>>
      %dma_wait3A_1114 = arith.constant 0 : i32
      %dma_wait3A_1115 = arith.constant 0 : i32
      %dma_wait3A_1116 = tpu.memref_slice %arg2[%dma_wait3A_1114, %dma_wait3A_1115] : memref<1000000x32xf32, #tpu.memory_space<hbm>> -> memref<1000000x32xf32, #tpu.memory_space<hbm>>
      %dma_wait3A_1117 = tpu.memref_slice %arg7[%dma_wait3A_1106] : memref<2x!tpu.dma_semaphore, #tpu.memory_space<semaphore_mem>> -> memref<1x!tpu.dma_semaphore, #tpu.memory_space<semaphore_mem>>
      %dma_wait3A_1118 = tpu.memref_squeeze %dma_wait3A_1117 : memref<1x!tpu.dma_semaphore, #tpu.memory_space<semaphore_mem>> -> memref<!tpu.dma_semaphore, #tpu.memory_space<semaphore_mem>>
      tpu.wait_indirect_dma semaphore(%dma_wait3A_1118 : memref<!tpu.dma_semaphore, #tpu.memory_space<semaphore_mem>>) src(%dma_wait3A_1116 : memref<1000000x32xf32, #tpu.memory_space<hbm>>) dst(%dma_wait3A_1110 : memref<50x32xf32, #tpu.memory_space<vmem>>)
      %add3A_1119 = arith.constant 1 : i32
      %add3A_1120 = arith.addi %mul3A_283, %add3A_1119 : i32
      %mul3A_1121 = arith.constant 16 : i32
      %mul3A_1122 = arith.muli %add3A_1120, %mul3A_1121 : i32
      %add3A_1123 = arith.addi %mul3A_2, %mul3A_1122 : i32
      %scan3A_1124 = arith.constant 0 : i32
      %scan3A_1125 = arith.constant 0 : i32
      %scan3A_1126 = arith.constant 16 : i32
      %scan3A_1127 = arith.addi %scan3A_1125, %scan3A_1126 : i32
      %scan3A_1128 = arith.constant 1 : i32
      scf.for %scan3A_1131 = %scan3A_1125 to %scan3A_1127 step %scan3A_1128  : i32 {
        %scan3A_1132 = arith.constant 0 : i32
        %scan3A_1133 = arith.constant 100 : i32
        %scan3A_1134 = arith.addi %scan3A_1132, %scan3A_1133 : i32
        %scan3A_1135 = arith.constant 4 : i32
        scf.for %scan3A_1137 = %scan3A_1132 to %scan3A_1134 step %scan3A_1135  : i32 {
          %shift_right_arithmetic3A = arith.constant 1 : i32
          %shift_right_arithmetic3A_1138 = arith.shrsi %scan3A_1137, %shift_right_arithmetic3A : i32
          %and3A = arith.constant 1 : i32
          %and3A_1139 = arith.andi %scan3A_1137, %and3A : i32
          %mul3A_1140 = arith.constant 16 : i32
          %mul3A_1141 = arith.muli %and3A_1139, %mul3A_1140 : i32
          %get3A = arith.constant 1 : i32
          %get3A_1142 = arith.index_cast %get3A : i32 to index
          %get3A_1143 = arith.index_cast %scan3A_1131 : i32 to index
          %get3A_1144 = arith.index_cast %shift_right_arithmetic3A_1138 : i32 to index
          %get3A_1145 = arith.index_cast %mul3A_1141 : i32 to index
          %get3A_1146 = tpu.vector_load %arg6[%get3A_1142, %get3A_1143, %get3A_1144, %get3A_1145] {strides = array<i32>} : memref<2x16x50x32xf32, #tpu.memory_space<vmem>>, vector<1x1x1x16xf32>,
          %get3A_1147 = vector.shape_cast %get3A_1146 : vector<1x1x1x16xf32> to vector<16xf32>
          %mul3A_1148 = arith.constant 5.65685415 : f32
          %mul3A_1149 = vector.broadcast %mul3A_1148 : f32 to vector<16xf32>
          %mul3A_1150 = arith.mulf %get3A_1147, %mul3A_1149 : vector<16xf32>
          %shift_right_arithmetic3A_1151 = arith.constant 1 : i32
          %shift_right_arithmetic3A_1152 = arith.shrsi %scan3A_1137, %shift_right_arithmetic3A_1151 : i32
          %and3A_1153 = arith.constant 1 : i32
          %and3A_1154 = arith.andi %scan3A_1137, %and3A_1153 : i32
          %mul3A_1155 = arith.constant 16 : i32
          %mul3A_1156 = arith.muli %and3A_1154, %mul3A_1155 : i32
          %swap3A = arith.constant 1 : i32
          %swap3A_1157 = arith.index_cast %swap3A : i32 to index
          %swap3A_1158 = arith.index_cast %scan3A_1131 : i32 to index
          %swap3A_1159 = arith.index_cast %shift_right_arithmetic3A_1152 : i32 to index
          %swap3A_1160 = arith.index_cast %mul3A_1156 : i32 to index
          %swap3A_1161 = tpu.vector_load %arg6[%swap3A_1157, %swap3A_1158, %swap3A_1159, %swap3A_1160] {strides = array<i32>} : memref<2x16x50x32xf32, #tpu.memory_space<vmem>>, vector<1x1x1x16xf32>,
          %swap3A_1162 = vector.shape_cast %swap3A_1161 : vector<1x1x1x16xf32> to vector<16xf32>
          %swap3A_1163 = vector.shape_cast %mul3A_1150 : vector<16xf32> to vector<1x1x1x16xf32>
          tpu.vector_store %arg6[%swap3A_1157, %swap3A_1158, %swap3A_1159, %swap3A_1160], %swap3A_1163 {strides = array<i32>} : memref<2x16x50x32xf32, #tpu.memory_space<vmem>>, vector<1x1x1x16xf32>,
          %scan3A_1164 = arith.constant 1 : i32
          %scan3A_1165 = arith.addi %scan3A_1137, %scan3A_1164 : i32
          %shift_right_arithmetic3A_1166 = arith.constant 1 : i32
          %shift_right_arithmetic3A_1167 = arith.shrsi %scan3A_1165, %shift_right_arithmetic3A_1166 : i32
          %and3A_1168 = arith.constant 1 : i32
          %and3A_1169 = arith.andi %scan3A_1165, %and3A_1168 : i32
          %mul3A_1170 = arith.constant 16 : i32
          %mul3A_1171 = arith.muli %and3A_1169, %mul3A_1170 : i32
          %get3A_1172 = arith.constant 1 : i32
          %get3A_1173 = arith.index_cast %get3A_1172 : i32 to index
          %get3A_1174 = arith.index_cast %scan3A_1131 : i32 to index
          %get3A_1175 = arith.index_cast %shift_right_arithmetic3A_1167 : i32 to index
          %get3A_1176 = arith.index_cast %mul3A_1171 : i32 to index
          %get3A_1177 = tpu.vector_load %arg6[%get3A_1173, %get3A_1174, %get3A_1175, %get3A_1176] {strides = array<i32>} : memref<2x16x50x32xf32, #tpu.memory_space<vmem>>, vector<1x1x1x16xf32>,
          %get3A_1178 = vector.shape_cast %get3A_1177 : vector<1x1x1x16xf32> to vector<16xf32>
          %mul3A_1179 = arith.constant 5.65685415 : f32
          %mul3A_1180 = vector.broadcast %mul3A_1179 : f32 to vector<16xf32>
          %mul3A_1181 = arith.mulf %get3A_1178, %mul3A_1180 : vector<16xf32>
          %shift_right_arithmetic3A_1182 = arith.constant 1 : i32
          %shift_right_arithmetic3A_1183 = arith.shrsi %scan3A_1165, %shift_right_arithmetic3A_1182 : i32
          %and3A_1184 = arith.constant 1 : i32
          %and3A_1185 = arith.andi %scan3A_1165, %and3A_1184 : i32
          %mul3A_1186 = arith.constant 16 : i32
          %mul3A_1187 = arith.muli %and3A_1185, %mul3A_1186 : i32
          %swap3A_1188 = arith.constant 1 : i32
          %swap3A_1189 = arith.index_cast %swap3A_1188 : i32 to index
          %swap3A_1190 = arith.index_cast %scan3A_1131 : i32 to index
          %swap3A_1191 = arith.index_cast %shift_right_arithmetic3A_1183 : i32 to index
          %swap3A_1192 = arith.index_cast %mul3A_1187 : i32 to index
          %swap3A_1193 = tpu.vector_load %arg6[%swap3A_1189, %swap3A_1190, %swap3A_1191, %swap3A_1192] {strides = array<i32>} : memref<2x16x50x32xf32, #tpu.memory_space<vmem>>, vector<1x1x1x16xf32>,
          %swap3A_1194 = vector.shape_cast %swap3A_1193 : vector<1x1x1x16xf32> to vector<16xf32>
          %swap3A_1195 = vector.shape_cast %mul3A_1181 : vector<16xf32> to vector<1x1x1x16xf32>
          tpu.vector_store %arg6[%swap3A_1189, %swap3A_1190, %swap3A_1191, %swap3A_1192], %swap3A_1195 {strides = array<i32>} : memref<2x16x50x32xf32, #tpu.memory_space<vmem>>, vector<1x1x1x16xf32>,
          %scan3A_1196 = arith.constant 2 : i32
          %scan3A_1197 = arith.addi %scan3A_1137, %scan3A_1196 : i32
          %shift_right_arithmetic3A_1198 = arith.constant 1 : i32
          %shift_right_arithmetic3A_1199 = arith.shrsi %scan3A_1197, %shift_right_arithmetic3A_1198 : i32
          %and3A_1200 = arith.constant 1 : i32
          %and3A_1201 = arith.andi %scan3A_1197, %and3A_1200 : i32
          %mul3A_1202 = arith.constant 16 : i32
          %mul3A_1203 = arith.muli %and3A_1201, %mul3A_1202 : i32
          %get3A_1204 = arith.constant 1 : i32
          %get3A_1205 = arith.index_cast %get3A_1204 : i32 to index
          %get3A_1206 = arith.index_cast %scan3A_1131 : i32 to index
          %get3A_1207 = arith.index_cast %shift_right_arithmetic3A_1199 : i32 to index
          %get3A_1208 = arith.index_cast %mul3A_1203 : i32 to index
          %get3A_1209 = tpu.vector_load %arg6[%get3A_1205, %get3A_1206, %get3A_1207, %get3A_1208] {strides = array<i32>} : memref<2x16x50x32xf32, #tpu.memory_space<vmem>>, vector<1x1x1x16xf32>,
          %get3A_1210 = vector.shape_cast %get3A_1209 : vector<1x1x1x16xf32> to vector<16xf32>
          %mul3A_1211 = arith.constant 5.65685415 : f32
          %mul3A_1212 = vector.broadcast %mul3A_1211 : f32 to vector<16xf32>
          %mul3A_1213 = arith.mulf %get3A_1210, %mul3A_1212 : vector<16xf32>
          %shift_right_arithmetic3A_1214 = arith.constant 1 : i32
          %shift_right_arithmetic3A_1215 = arith.shrsi %scan3A_1197, %shift_right_arithmetic3A_1214 : i32
          %and3A_1216 = arith.constant 1 : i32
          %and3A_1217 = arith.andi %scan3A_1197, %and3A_1216 : i32
          %mul3A_1218 = arith.constant 16 : i32
          %mul3A_1219 = arith.muli %and3A_1217, %mul3A_1218 : i32
          %swap3A_1220 = arith.constant 1 : i32
          %swap3A_1221 = arith.index_cast %swap3A_1220 : i32 to index
          %swap3A_1222 = arith.index_cast %scan3A_1131 : i32 to index
          %swap3A_1223 = arith.index_cast %shift_right_arithmetic3A_1215 : i32 to index
          %swap3A_1224 = arith.index_cast %mul3A_1219 : i32 to index
          %swap3A_1225 = tpu.vector_load %arg6[%swap3A_1221, %swap3A_1222, %swap3A_1223, %swap3A_1224] {strides = array<i32>} : memref<2x16x50x32xf32, #tpu.memory_space<vmem>>, vector<1x1x1x16xf32>,
          %swap3A_1226 = vector.shape_cast %swap3A_1225 : vector<1x1x1x16xf32> to vector<16xf32>
          %swap3A_1227 = vector.shape_cast %mul3A_1213 : vector<16xf32> to vector<1x1x1x16xf32>
          tpu.vector_store %arg6[%swap3A_1221, %swap3A_1222, %swap3A_1223, %swap3A_1224], %swap3A_1227 {strides = array<i32>} : memref<2x16x50x32xf32, #tpu.memory_space<vmem>>, vector<1x1x1x16xf32>,
          %scan3A_1228 = arith.constant 3 : i32
          %scan3A_1229 = arith.addi %scan3A_1137, %scan3A_1228 : i32
          %shift_right_arithmetic3A_1230 = arith.constant 1 : i32
          %shift_right_arithmetic3A_1231 = arith.shrsi %scan3A_1229, %shift_right_arithmetic3A_1230 : i32
          %and3A_1232 = arith.constant 1 : i32
          %and3A_1233 = arith.andi %scan3A_1229, %and3A_1232 : i32
          %mul3A_1234 = arith.constant 16 : i32
          %mul3A_1235 = arith.muli %and3A_1233, %mul3A_1234 : i32
          %get3A_1236 = arith.constant 1 : i32
          %get3A_1237 = arith.index_cast %get3A_1236 : i32 to index
          %get3A_1238 = arith.index_cast %scan3A_1131 : i32 to index
          %get3A_1239 = arith.index_cast %shift_right_arithmetic3A_1231 : i32 to index
          %get3A_1240 = arith.index_cast %mul3A_1235 : i32 to index
          %get3A_1241 = tpu.vector_load %arg6[%get3A_1237, %get3A_1238, %get3A_1239, %get3A_1240] {strides = array<i32>} : memref<2x16x50x32xf32, #tpu.memory_space<vmem>>, vector<1x1x1x16xf32>,
          %get3A_1242 = vector.shape_cast %get3A_1241 : vector<1x1x1x16xf32> to vector<16xf32>
          %mul3A_1243 = arith.constant 5.65685415 : f32
          %mul3A_1244 = vector.broadcast %mul3A_1243 : f32 to vector<16xf32>
          %mul3A_1245 = arith.mulf %get3A_1242, %mul3A_1244 : vector<16xf32>
          %shift_right_arithmetic3A_1246 = arith.constant 1 : i32
          %shift_right_arithmetic3A_1247 = arith.shrsi %scan3A_1229, %shift_right_arithmetic3A_1246 : i32
          %and3A_1248 = arith.constant 1 : i32
          %and3A_1249 = arith.andi %scan3A_1229, %and3A_1248 : i32
          %mul3A_1250 = arith.constant 16 : i32
          %mul3A_1251 = arith.muli %and3A_1249, %mul3A_1250 : i32
          %swap3A_1252 = arith.constant 1 : i32
          %swap3A_1253 = arith.index_cast %swap3A_1252 : i32 to index
          %swap3A_1254 = arith.index_cast %scan3A_1131 : i32 to index
          %swap3A_1255 = arith.index_cast %shift_right_arithmetic3A_1247 : i32 to index
          %swap3A_1256 = arith.index_cast %mul3A_1251 : i32 to index
          %swap3A_1257 = tpu.vector_load %arg6[%swap3A_1253, %swap3A_1254, %swap3A_1255, %swap3A_1256] {strides = array<i32>} : memref<2x16x50x32xf32, #tpu.memory_space<vmem>>, vector<1x1x1x16xf32>,
          %swap3A_1258 = vector.shape_cast %swap3A_1257 : vector<1x1x1x16xf32> to vector<16xf32>
          %swap3A_1259 = vector.shape_cast %mul3A_1245 : vector<16xf32> to vector<1x1x1x16xf32>
          tpu.vector_store %arg6[%swap3A_1253, %swap3A_1254, %swap3A_1255, %swap3A_1256], %swap3A_1259 {strides = array<i32>} : memref<2x16x50x32xf32, #tpu.memory_space<vmem>>, vector<1x1x1x16xf32>,
        }
        %scan3A_1136 = arith.constant 100 : i32
      }
      %scan3A_1129 = arith.constant 16 : i32
      %run_scoped3A_1130 = arith.constant 1 : i32
      "tpu.region"() ({
        %run_scoped3A_1131 = tpu.sem_alloc : memref<!tpu.dma_semaphore, #tpu.memory_space<semaphore_mem>>
        %dma_start3A_1132 = arith.constant 0 : i32
        %dma_start3A_1133 = arith.constant 0 : i32
        %dma_start3A_1134 = arith.constant 0 : i32
        %dma_start3A_1135 = tpu.memref_slice %arg6[%run_scoped3A_1130, %dma_start3A_1132, %dma_start3A_1133, %dma_start3A_1134] : memref<2x16x50x32xf32, #tpu.memory_space<vmem>> -> memref<1x16x50x32xf32, #tpu.memory_space<vmem>>
        %dma_start3A_1136 = tpu.memref_squeeze %dma_start3A_1135 : memref<1x16x50x32xf32, #tpu.memory_space<vmem>> -> memref<16x50x32xf32, #tpu.memory_space<vmem>>
        %dma_start3A_1137 = arith.constant 0 : i32
        %dma_start3A_1138 = arith.constant 0 : i32
        %dma_start3A_1139 = tpu.memref_slice %arg4[%add3A_1123, %dma_start3A_1137, %dma_start3A_1138] : memref<16384x50x32xf32, #tpu.memory_space<hbm>> -> memref<16x50x32xf32, #tpu.memory_space<hbm>>
        %dma_start3A_1140 = arith.constant 0 : i32
        %dma_start3A_1141 = arith.constant 0 : i32
        %dma_start3A_1142 = tpu.memref_slice %arg4[%add3A_1123, %dma_start3A_1140, %dma_start3A_1141] : memref<16384x50x32xf32, #tpu.memory_space<hbm>> -> memref<16x50x32xf32, #tpu.memory_space<hbm>>
        %dma_start3A_1143 = arith.constant 0 : i32
        %dma_start3A_1144 = arith.constant 0 : i32
        %dma_start3A_1145 = arith.constant 0 : i32
        %dma_start3A_1146 = tpu.memref_slice %arg6[%run_scoped3A_1130, %dma_start3A_1143, %dma_start3A_1144, %dma_start3A_1145] : memref<2x16x50x32xf32, #tpu.memory_space<vmem>> -> memref<1x16x50x32xf32, #tpu.memory_space<vmem>>
        %dma_start3A_1147 = tpu.memref_squeeze %dma_start3A_1146 : memref<1x16x50x32xf32, #tpu.memory_space<vmem>> -> memref<16x50x32xf32, #tpu.memory_space<vmem>>
        tpu.enqueue_dma source(%dma_start3A_1147 : memref<16x50x32xf32, #tpu.memory_space<vmem>>) target(%dma_start3A_1142 : memref<16x50x32xf32, #tpu.memory_space<hbm>>) target_semaphore(%run_scoped3A_1131 : memref<!tpu.dma_semaphore, #tpu.memory_space<semaphore_mem>>)
        %dma_wait3A_1148 = arith.constant 0 : i32
        %dma_wait3A_1149 = arith.constant 0 : i32
        %dma_wait3A_1150 = arith.constant 0 : i32
        %dma_wait3A_1151 = tpu.memref_slice %arg6[%run_scoped3A_1130, %dma_wait3A_1148, %dma_wait3A_1149, %dma_wait3A_1150] : memref<2x16x50x32xf32, #tpu.memory_space<vmem>> -> memref<1x16x50x32xf32, #tpu.memory_space<vmem>>
        %dma_wait3A_1152 = tpu.memref_squeeze %dma_wait3A_1151 : memref<1x16x50x32xf32, #tpu.memory_space<vmem>> -> memref<16x50x32xf32, #tpu.memory_space<vmem>>
        %dma_wait3A_1153 = arith.constant 0 : i32
        %dma_wait3A_1154 = arith.constant 0 : i32
        %dma_wait3A_1155 = tpu.memref_slice %arg4[%add3A_1123, %dma_wait3A_1153, %dma_wait3A_1154] : memref<16384x50x32xf32, #tpu.memory_space<hbm>> -> memref<16x50x32xf32, #tpu.memory_space<hbm>>
        %dma_wait3A_1156 = arith.constant 0 : i32
        %dma_wait3A_1157 = arith.constant 0 : i32
        %dma_wait3A_1158 = tpu.memref_slice %arg4[%add3A_1123, %dma_wait3A_1156, %dma_wait3A_1157] : memref<16384x50x32xf32, #tpu.memory_space<hbm>> -> memref<16x50x32xf32, #tpu.memory_space<hbm>>
        %dma_wait3A_1159 = arith.constant 0 : i32
        %dma_wait3A_1160 = arith.constant 0 : i32
        %dma_wait3A_1161 = arith.constant 0 : i32
        %dma_wait3A_1162 = tpu.memref_slice %arg6[%run_scoped3A_1130, %dma_wait3A_1159, %dma_wait3A_1160, %dma_wait3A_1161] : memref<2x16x50x32xf32, #tpu.memory_space<vmem>> -> memref<1x16x50x32xf32, #tpu.memory_space<vmem>>
        %dma_wait3A_1163 = tpu.memref_squeeze %dma_wait3A_1162 : memref<1x16x50x32xf32, #tpu.memory_space<vmem>> -> memref<16x50x32xf32, #tpu.memory_space<vmem>>
        tpu.wait_dma2 semaphore(%run_scoped3A_1131 : memref<!tpu.dma_semaphore, #tpu.memory_space<semaphore_mem>>) src(%dma_wait3A_1163 : memref<16x50x32xf32, #tpu.memory_space<vmem>>) dst(%dma_wait3A_1158 : memref<16x50x32xf32, #tpu.memory_space<hbm>>)
        tpu.yield
      }) : () -> ()
    }
    %scan3A_280 = arith.constant 16 : i32
    return
  }
}

</mosaic_0001>

<sc_bundles>
// kernel: kernel.3.cloned.1.call-start
scs
__scs_entry_jumppad:
0x0: {  	(pc) =	sbr.rel $0x88, $3  }
0x1: {  	(tag) =	ssettag $0x0;
	lr =	simm.s32 $0x1  }
0x2: {  	[smem:$0x3F9F] =	sst lr;
	_ =	strace $0xD0000000  }
0x3: {  	_ = 	snop  }
0x4: {  	_ = 	snop  }
0x5: {  	_ = 	snop  }
0x6: {  	_ = 	snop  }
0x7: {  	_ = 	snop  }
__scs_overlays_trampoline_lowered:
0x8: {  	[smem:$0x3FAE] =	sst s0  }
0x9: {  	[smem:$0x3FAF] =	sst s1  }
0xa: {  	[smem:$0x3FB0] =	sst s2  }
0xb: {  	[smem:$0x3FB1] =	sst s3  }
0xc: {  	[smem:$0x3FB2] =	sst s4  }
0xd: {  	[smem:$0x3FB3] =	sst s5  }
0xe: {  	[smem:$0x3FB4] =	sst s6  }
0xf: {  	[smem:$0x3FB5] =	sst s7  }
0x10: {  	[smem:$0x3FB6] =	sst s8  }
0x11: {  	[smem:$0x3FB7] =	sst s9;
	s0 =	simm.s32 @!p0 $0x0  }
0x12: {  	s1 =	sld [smem:$0x3F9D];
	s0 =	simm.s32 @p0 $0x1  }
0x13: {  	[smem:$0x3FB8] =	sst s0;
	s0 =	simm.s32 @!p1 $0x0  }
0x14: {  	s2 =	sld [smem:$0x3F9C];
	s0 =	simm.s32 @p1 $0x1  }
0x15: {  	[smem:$0x3FB9] =	sst s0;
	s0 =	simm.s32 @!p2 $0x0  }
0x16: {  	s3 =	sld [smem:$0x3FDB];
	s0 =	simm.s32 @p2 $0x1  }
0x17: {  	s4 =	simm.s32 $0x1BF5;
	[smem:$0x3FBB] =	sst s0  }
0x18: {  	s0 =	sld [smem:$0x3F9E];
	_ =	swait.ge [sflag:s4], $0x0  }
0x19: {  	s7 =	sld [smem:$0x3F9F]  }
0x1a: {  	s8 =	sadd.s32 $0xFFFFE003, lr  }
0x1b: {  	s9 =	sadd.s32 $0xFFFFFEF7, lr;
	s5 =	simm.s32 $0xFFFFFFFF;
	p2 =	slt.u32 s8, $0xFFFFF086  }
0x1c: {  	p1 =	slt.u32 s9, $0xF7A;
	s5 =	simm.s32 @!p2 $0x0  }
0x1d: {  	s5 =	simm.s32 @p1 $0x1;
	p0 =	seq.s32 s7, s2  }
0x1e: {  	s7 =	smul.u32 @!p0 $0xF7A, s2;
	p2 =	seq.s32 @!p0 s5, $0x0  }
0x1f: {  	s9 =	smul.u32 $0xF7A, s1;
	s8 =	simm.s32 @!p0 $0x1BF5;
	p2 =	por !p2, p0  }
0x20: {  	[sflag:s8] =	ssyncset.s32 @!p0 $0xFFFFF086;
	s6 =	sadd.s32 @!p0 s3, s7;
	s7 =	simm.s32 @!p0 $0x108  }
0x21: {  	s3 =	sadd.s32 s3, s9;
	s6 =	sadd.s32 @!p0 $0x88, s6;
	s7 =	simm.s32 @p2 $0x1082  }
0x22: {  	[simem:s7], [sflag:s8] =	dma.local @!p0 [hbm:s6], $0xF7A  }
0x23: {  	s9 =	sor.u32 $0xD0000000, s2;
	s6 =	simm.s32 $0x108;
	_ =	swait.ge @!p0 [sflag:s8], $0x0  }
0x24: {  	s3 =	sadd.s32 $0x88, s3;
	s6 =	simm.s32 @!p1 $0x1082;
	[sflag:s4] =	ssyncset.s32 $0xFFFFF086  }
0x25: {  	[simem:s6], [sflag:s4] =	dma.local [hbm:s3], $0xF7A  }
0x26: {  	[smem:$0x3F9F] =	sst s1;
	(tag) =	ssettag s2;
	_ =	strace s9  }
0x27: {  	s1 =	sld [smem:$0x3FAF]  }
0x28: {  	s2 =	sld [smem:$0x3FB0]  }
0x29: {  	s4 =	sld [smem:$0x3FB2]  }
0x2a: {  	p0 =	seq.s32 s5, $0x0;
	s5 =	sld [smem:$0x3FB3]  }
0x2b: {  	s6 =	sld [smem:$0x3FB4]  }
0x2c: {  	s7 =	sld [smem:$0x3FB5]  }
0x2d: {  	s3 =	simm.s32 $0x108;
	s8 =	sld [smem:$0x3FB6]  }
0x2e: {  	s3 =	simm.s32 @!p0 $0x1082;
	s9 =	sld [smem:$0x3FB7]  }
0x2f: {  	lr =	sadd.s32 s0, s3;
	s0 =	sld [smem:$0x3FAE]  }
0x30: {  	s3 =	sld [smem:$0x3FB1]  }
0x31: {  	[smem:$0x3FBA] =	sst s10  }
0x32: {  	s10 =	sld [smem:$0x3FB8];
	_ =	sdelay $0x3  }
0x33: {  	p0 =	seq.s32 s10, $0x1;
	s10 =	sld [smem:$0x3FBA];
	_ =	sdelay $0x3  }
0x34: {  	[smem:$0x3FBA] =	sst s10  }
0x35: {  	s10 =	sld [smem:$0x3FB9];
	_ =	sdelay $0x3  }
0x36: {  	p1 =	seq.s32 s10, $0x1;
	s10 =	sld [smem:$0x3FBA];
	_ =	sdelay $0x3  }
0x37: {  	[smem:$0x3FBA] =	sst s10  }
0x38: {  	s10 =	sld [smem:$0x3FBB]  }
0x39: {  	_ = 	snop;
	(pc) =	sbr.ind lr, $3  }
0x3a: {  	_ = 	snop  }
0x3b: {  	_ = 	snop  }
0x3c: {  	p2 =	seq.s32 s10, $0x1;
	s10 =	sld [smem:$0x3FBA]  }
0x3d: {  	_ =	shalt  }
0x3e: {  	_ =	shalt  }
0x3f: {  	_ =	shalt  }
0x40: {  	_ =	shalt  }
0x41: {  	_ =	shalt  }
0x42: {  	_ =	shalt  }
0x43: {  	_ =	shalt  }
0x44: {  	_ =	shalt  }
0x45: {  	_ =	shalt  }
0x46: {  	_ =	shalt  }
0x47: {  	_ =	shalt  }
0x48: {  	_ =	shalt  }
0x49: {  	_ =	shalt  }
0x4a: {  	_ =	shalt  }
0x4b: {  	_ =	shalt  }
0x4c: {  	_ =	shalt  }
0x4d: {  	_ =	shalt  }
0x4e: {  	_ =	shalt  }
0x4f: {  	_ =	shalt  }
0x50: {  	_ =	shalt  }
0x51: {  	_ =	shalt  }
0x52: {  	_ =	shalt  }
0x53: {  	_ =	shalt  }
0x54: {  	_ =	shalt  }
0x55: {  	_ =	shalt  }
0x56: {  	_ =	shalt  }
0x57: {  	_ =	shalt  }
0x58: {  	_ =	shalt  }
0x59: {  	_ =	shalt  }
0x5a: {  	_ =	shalt  }
0x5b: {  	_ =	shalt  }
0x5c: {  	_ =	shalt  }
0x5d: {  	_ =	shalt  }
0x5e: {  	_ =	shalt  }
0x5f: {  	_ =	shalt  }
0x60: {  	_ =	shalt  }
0x61: {  	_ =	shalt  }
0x62: {  	_ =	shalt  }
0x63: {  	_ =	shalt  }
0x64: {  	_ =	shalt  }
0x65: {  	_ =	shalt  }
0x66: {  	_ =	shalt  }
0x67: {  	_ =	shalt  }
0x68: {  	_ =	shalt  }
0x69: {  	_ =	shalt  }
0x6a: {  	_ =	shalt  }
0x6b: {  	_ =	shalt  }
0x6c: {  	_ =	shalt  }
0x6d: {  	_ =	shalt  }
0x6e: {  	_ =	shalt  }
0x6f: {  	_ =	shalt  }
0x70: {  	_ =	shalt  }
0x71: {  	_ =	shalt  }
0x72: {  	_ =	shalt  }
0x73: {  	_ =	shalt  }
0x74: {  	_ =	shalt  }
0x75: {  	_ =	shalt  }
0x76: {  	_ =	shalt  }
0x77: {  	_ =	shalt  }
0x78: {  	_ =	shalt  }
0x79: {  	_ =	shalt  }
0x7a: {  	_ =	shalt  }
0x7b: {  	_ =	shalt  }
0x7c: {  	_ =	shalt  }
0x7d: {  	_ =	shalt  }
0x7e: {  	_ =	shalt  }
0x7f: {  	_ =	shalt  }
0x80: {  	_ =	shalt  }
0x81: {  	_ =	shalt  }
0x82: {  	_ =	shalt  }
0x83: {  	_ =	shalt  }
0x84: {  	_ =	shalt  }
0x85: {  	_ =	shalt  }
0x86: {  	_ =	shalt  }
0x87: {  	_ =	shalt  }
.Lfunc_end0:
.L_simem_size_0:
called_computation.1_lowered:
.L_overlay_start_0:
0x88: {  	s2 =	sld [smem:$0x3FD9]  }
0x89: {  	s3 =	sld [smem:$0x3FFE];
	_ =	sdelay $0x1  }
0x8a: {  	s1 =	srdreg.scid  }
0x8b: {  	s0 =	sand.u32 $0x1, s1  }
0x8c: {  	s17 =	sshll.u32 s0, $0xA;
	s2 =	sadd.s32 s3, s2  }
0x8d: {  	s2 =	sadd.s32 s2, s17  }
0x8e: {  	[smem:$0x3FC6] =	sst s2  }
0x8f: {  	_ = 	snop  }
0x90: {  	s2 =	sld [smem:$0x3FD0];
	(tm) =	ssettm $0x1  }
0x91: {  	s18 =	sld [smem:$0x3FFB];
	_ =	sdelay $0x3  }
0x92: {  	_ =	strace s18  }
0x93: {  	s3 =	sld [smem:$0x3FFC];
	_ =	sdelay $0x3  }
0x94: {  	_ =	strace s3  }
0x95: {  	s3 =	sld [smem:$0x3FFD];
	_ =	sdelay $0x3  }
0x96: {  	_ =	strace s3  }
0x97: {  	_ =	strace $0x8FFFFFFF  }
0x98: {  	s19 =	sld [smem:$0x3FDB];
	_ =	sdelay $0x1  }
0x99: {  	s4 =	simm.s32 $_scs_section_size  }
0x9a: {  	s5 =	simm.s32 $_size__tile_overlayer_lowered;
	s6 =	simm.s32 $_tile_overlayer_lowered  }
0x9b: {  	s22 =	simm.s32 $0x1BFF;
	s21 =	sshll.u32 s6, $0x1;
	s3 =	sadd.s32 s4, s19  }
0x9c: {  	s7 =	simm.s32 $0x0;
	s20 =	sshll.u32 s5, $0x1;
	s5 =	sadd.s32 s21, s3  }
0x9d: {  	[timem:s7], [sflag:s22] =	dma.local [hbm:s5], s20  }
0x9e: {  	_ =	swait.ge [sflag:s22], s20  }
0x9f: {  	s4 =	ssub.s32 $0x0, s20;
	[sflag:s22] =	ssyncset.done $0x0  }
0xa0: {  	[sflag:s22] =	ssyncadd.s32 s4;
	_ =	sdelay $0x1  }
0xa1: {  	s23 =	simm.s32 $0x1B8B  }
0xa2: {  	_ =	swait.ge [sflag:s23], $0x1  }
0xa3: {  	[sflag:s23] =	ssyncset.done $0x0  }
0xa4: {  	s25 =	simm.s32 $0x1B8E;
	s24 =	sld [smem:$0x3FFE];
	[sflag:s23] =	ssyncadd.s32 $0xFFFFFFFF  }
0xa5: {  	s26 =	simm.s32 $execute0_lowered;
	[smem:$0x3FD2] =	sst s25  }
0xa6: {  	s5 =	sshll.u32 s26, $0x1;
	_ =	strace $0x80000046;
	[dreg:$0x1] =	wrdreg $0xFFFFFFFF  }
0xa7: {  	s28 =	simm.s32 $_size_execute0_lowered;
	s3 =	sadd.s32 s3, s5;
	[dreg:$0x0] =	wrdreg $0x0  }
0xa8: {  	s5 =	sshll.u32 s28, $0x1;
	[dreg:$0x2] =	wrdreg s3  }
0xa9: {  	[dreg:$0x3] =	wrdreg s5  }
0xaa: {  	[dreg:$0x4] =	wrdreg $0xC0  }
0xab: {  	_ =	task [dreg:s7], $0x5FFFF  }
0xac: {  	[dreg:$0x1] =	wrdreg $0xFFFFFFFF  }
0xad: {  	[dreg:$0x0] =	wrdreg $0x60  }
0xae: {  	[dreg:$0x2] =	wrdreg s24  }
0xaf: {  	[dreg:$0x3] =	wrdreg s2  }
0xb0: {  	[dreg:$0x4] =	wrdreg $0x9  }
0xb1: {  	_ =	task.clear_ibuf [dreg:s7], $0x5FFFF;
	_ =	strace $0x90000046  }
0xb2: {  	s29 =	simm.s32 $0x9;
	_ =	strace $0x80000048  }
0xb3: {  	_ =	swait.ge [sflag:s29], $0x1  }
0xb4: {  	[sflag:s29] =	ssyncadd.s32 $0xFFFFFFFF  }
0xb5: {  	_ =	strace $0x90000048  }
0xb6: {  	_ =	sfence  }
0xb7: {  	s30 =	sld [smem:$0x0];
	_ =	sdelay $0x2  }
0xb8: {  	s31 =	sshll.u32 s1, $0xD;
	s1 =	sshrl.u32 s1, $0x2  }
0xb9: {  	s3 =	sand.u32 $0x4000, s31;
	s1 =	sadd.s32 s1, s30  }
0xba: {  	s0 =	sor.u32 s3, s0;
	s1 =	sshll.u32 s1, $0x11  }
0xbb: {  	s0 =	sor.u32 s1, s0  }
0xbc: {  	s0 =	sadd.s32 $0x8F2B, s0  }
0xbd: {  	[sflag:s0] =	ssyncadd.remote.s32 $0x1  }
0xbe: {  	_ =	sfence.sel $0xFFFF  }
0xbf: {  	[dreg:$0x0] =	wrdreg $0xFFFFFFFF;
	(pc) =	sbr.abs _section_cstart, $3  }
0xc0: {  	[dreg:$0x1] =	wrdreg $0xFFFFFFFF  }
0xc1: {  	_ =	task.clear_ibuf [dreg:s7], $0x2FFFF;
	_ =	strace $0x9FFFFFFF  }
0xc2: {  	(tm) =	ssettm $0x7FFFFFFF  }
0xc3: {  	_ =	shalt  }
tec
execute0_lowered:
.L_overlay_start_1:
0x0: {  	(tag) =	ssettag $0x1  }
0x1: {  	s0 =	rddreg [dreg:$0x0]  }
0x2: {  	s2 =	rddreg [dreg:$0x1]  }
0x3: {  	s1 =	srdreg.scid;
	s4 =	stileid.u32  }
0x4: {  	s3 =	simm.s32 $0x0;
	s11 =	simm.s32 $0x3;
	s12 =	simm.s32 $0x32  }
0x5: {  	s28 =	simm.s32 $0x5E8;
	s29 =	simm.s32 $0xAFC0;
	s30 =	simm.s32 $0x620  }
0x6: {  	s31 =	simm.s32 $0xB600;
	s14 =	simm.s32 $0x690;
	s15 =	simm.s32 $0xC280  }
0x7: {  	s16 =	simm.s32 $0x6C8;
	s17 =	simm.s32 $0xC8C0;
	s18 =	simm.s32 $0x1  }
0x8: {  	s19 =	simm.s32 $0x2;
	s9 =	simm.s32 $0x0;
	s1 =	sand.u32 $0x1, s1  }
0x9: {  	s4 =	sshll.u32 s4, $0xA;
	[smem:$0x7FF] =	sst s3;
	s6 =	sadd.s32 $0xA00, s0  }
0xa: {  	s5 =	sshll.u32 s1, $0x9;
	s1 =	ssub.s32 $0x2, s1;
	_ =	strace $0x80000047  }
0xb: {  	s4 =	sor.u32 s5, s4;
	s7 =	sshrl.u32 s1, $0x1;
	s5 =	sadd.s32 $0xF42E00, s0  }
0xc: {  	s8 =	smul.u32 $0x7, s4;
	s25 =	ssub.s32 s1, s7;
	s10 =	sor.u32 $0x10, s4  }
0xd: {  	s1 =	simm.s32 $0xBC40;
	s0 =	smax.u32 s25, $0x1;
	s25 =	simm.s32 $0x380  }
0xe: {  	s26 =	sadd.s32 s6, s8;
	s8 =	sor.u32 $0x20, s4;
	[dreg:$0x4] =	wrdreg s0  }
0xf: {  	s0 =	simm.s32 $0x658;
	[dreg:$0x3] =	wrdreg s26;
	s26 =	simm.s32 $0x6B00  }
.LBB2_1:
0x10: {  	[dreg:$0x5] =	wrdreg s9  }
0x11: {  	s7 =	rddreg [dreg:$0x3]  }
0x12: {  	[tilespmem:s3], [sflag:$0x3] =	stream.linear.gather [hbm4b:s7+s3], $0x380, $0x38;
	[tilespmem:$0xCF00] =	vst v63  }
0x13: {  	_ =	swait.ge [sflag:s11], $0x380  }
0x14: {  	[sflag:s11] =	ssyncset.done $0x0  }
0x15: {  	s9 =	simm.s32 $0x700;
	[sflag:s11] =	ssyncadd.s32 $0xFFFFFC80  }
0x16: {  	[tilespmem:s9], [sflag:$0x1] =	stream.indirect.gather [hbm4b:s5+s12], $0x20, s3, s12, $0xb8;
	[tilespmem:$0xCF00] =	vst v63  }
0x17: {  	s13 =	simm.s32 $0x38;
	s20 =	simm.s32 $0xD40  }
0x18: {  	[tilespmem:s20], [sflag:$0x1] =	stream.indirect.gather [hbm4b:s5+s12], $0x20, s13, s12, $0xb8;
	[tilespmem:$0xCF00] =	vst v63  }
0x19: {  	s21 =	simm.s32 $0x70;
	s22 =	simm.s32 $0x1380  }
0x1a: {  	[tilespmem:s22], [sflag:$0x1] =	stream.indirect.gather [hbm4b:s5+s12], $0x20, s21, s12, $0xb8;
	[tilespmem:$0xCF00] =	vst v63  }
0x1b: {  	s23 =	simm.s32 $0xA8;
	s24 =	simm.s32 $0x19C0  }
0x1c: {  	[tilespmem:s24], [sflag:$0x1] =	stream.indirect.gather [hbm4b:s5+s12], $0x20, s23, s12, $0xb8;
	[tilespmem:$0xCF00] =	vst v63  }
0x1d: {  	s13 =	simm.s32 $0xE0;
	s20 =	simm.s32 $0x2000  }
0x1e: {  	[tilespmem:s20], [sflag:$0x1] =	stream.indirect.gather [hbm4b:s5+s12], $0x20, s13, s12, $0xb8;
	[tilespmem:$0xCF00] =	vst v63  }
0x1f: {  	s21 =	simm.s32 $0x118;
	s22 =	simm.s32 $0x2640  }
0x20: {  	[tilespmem:s22], [sflag:$0x1] =	stream.indirect.gather [hbm4b:s5+s12], $0x20, s21, s12, $0xb8;
	[tilespmem:$0xCF00] =	vst v63  }
0x21: {  	s23 =	simm.s32 $0x150;
	s24 =	simm.s32 $0x2C80  }
0x22: {  	[tilespmem:s24], [sflag:$0x1] =	stream.indirect.gather [hbm4b:s5+s12], $0x20, s23, s12, $0xb8;
	[tilespmem:$0xCF00] =	vst v63  }
0x23: {  	s13 =	simm.s32 $0x188;
	s20 =	simm.s32 $0x32C0  }
0x24: {  	[tilespmem:s20], [sflag:$0x1] =	stream.indirect.gather [hbm4b:s5+s12], $0x20, s13, s12, $0xb8;
	[tilespmem:$0xCF00] =	vst v63  }
0x25: {  	s21 =	simm.s32 $0x1C0;
	s22 =	simm.s32 $0x3900  }
0x26: {  	[tilespmem:s22], [sflag:$0x1] =	stream.indirect.gather [hbm4b:s5+s12], $0x20, s21, s12, $0xb8;
	[tilespmem:$0xCF00] =	vst v63  }
0x27: {  	s23 =	simm.s32 $0x1F8;
	s24 =	simm.s32 $0x3F40  }
0x28: {  	[tilespmem:s24], [sflag:$0x1] =	stream.indirect.gather [hbm4b:s5+s12], $0x20, s23, s12, $0xb8;
	[tilespmem:$0xCF00] =	vst v63  }
0x29: {  	s13 =	simm.s32 $0x230;
	s20 =	simm.s32 $0x4580  }
0x2a: {  	[tilespmem:s20], [sflag:$0x1] =	stream.indirect.gather [hbm4b:s5+s12], $0x20, s13, s12, $0xb8;
	[tilespmem:$0xCF00] =	vst v63  }
0x2b: {  	s21 =	simm.s32 $0x268;
	s22 =	simm.s32 $0x4BC0  }
0x2c: {  	[tilespmem:s22], [sflag:$0x1] =	stream.indirect.gather [hbm4b:s5+s12], $0x20, s21, s12, $0xb8;
	[tilespmem:$0xCF00] =	vst v63  }
0x2d: {  	s23 =	simm.s32 $0x2A0;
	s24 =	simm.s32 $0x5200  }
0x2e: {  	[tilespmem:s24], [sflag:$0x1] =	stream.indirect.gather [hbm4b:s5+s12], $0x20, s23, s12, $0xb8;
	[tilespmem:$0xCF00] =	vst v63  }
0x2f: {  	s13 =	simm.s32 $0x2D8;
	s20 =	simm.s32 $0x5840  }
0x30: {  	[tilespmem:s20], [sflag:$0x1] =	stream.indirect.gather [hbm4b:s5+s12], $0x20, s13, s12, $0xb8;
	[tilespmem:$0xCF00] =	vst v63  }
0x31: {  	s21 =	simm.s32 $0x310;
	s22 =	simm.s32 $0x5E80  }
0x32: {  	[tilespmem:s22], [sflag:$0x1] =	stream.indirect.gather [hbm4b:s5+s12], $0x20, s21, s12, $0xb8;
	[tilespmem:$0xCF00] =	vst v63  }
0x33: {  	s23 =	simm.s32 $0x348;
	s24 =	simm.s32 $0x64C0;
	s20 =	simm.s32 $0x0  }
0x34: {  	[tilespmem:s24], [sflag:$0x1] =	stream.indirect.gather [hbm4b:s5+s12], $0x20, s23, s12, $0xb8;
	[tilespmem:$0xCF00] =	vst v63  }
.LBB2_2:
0x35: {  	s22 =	sshll.u32 s20, $0x5  }
0x36: {  	s21 =	sor.u32 s10, s22  }
0x37: {  	s7 =	smul.u32 $0x7, s21;
	_ =	sdelay $0x1  }
0x38: {  	s23 =	simm.s32 $0x0;
	s7 =	sadd.s32 s6, s7  }
0x39: {  	[tilespmem:s25], [sflag:$0x3] =	stream.linear.gather [hbm4b:s7+s23], $0x380, $0x38;
	[tilespmem:$0xCF00] =	vst v63  }
0x3a: {  	_ =	swait.ge [sflag:s11], $0x380  }
0x3b: {  	[sflag:s11] =	ssyncset.done $0x0  }
0x3c: {  	[sflag:s11] =	ssyncadd.s32 $0xFFFFFC80  }
0x3d: {  	[tilespmem:s26], [sflag:$0x2] =	stream.indirect.gather [hbm4b:s5+s12], $0x20, s25, s12, $0xb8;
	[tilespmem:$0xCF00] =	vst v63  }
0x3e: {  	s24 =	simm.s32 $0x3B8;
	s9 =	simm.s32 $0x7140  }
0x3f: {  	[tilespmem:s9], [sflag:$0x2] =	stream.indirect.gather [hbm4b:s5+s12], $0x20, s24, s12, $0xb8;
	[tilespmem:$0xCF00] =	vst v63  }
0x40: {  	s13 =	simm.s32 $0x3F0;
	s24 =	simm.s32 $0x7780  }
0x41: {  	[tilespmem:s24], [sflag:$0x2] =	stream.indirect.gather [hbm4b:s5+s12], $0x20, s13, s12, $0xb8;
	[tilespmem:$0xCF00] =	vst v63  }
0x42: {  	s13 =	simm.s32 $0x428;
	s24 =	simm.s32 $0x7DC0  }
0x43: {  	[tilespmem:s24], [sflag:$0x2] =	stream.indirect.gather [hbm4b:s5+s12], $0x20, s13, s12, $0xb8;
	[tilespmem:$0xCF00] =	vst v63  }
0x44: {  	s13 =	simm.s32 $0x460;
	s24 =	simm.s32 $0x8400  }
0x45: {  	[tilespmem:s24], [sflag:$0x2] =	stream.indirect.gather [hbm4b:s5+s12], $0x20, s13, s12, $0xb8;
	[tilespmem:$0xCF00] =	vst v63  }
0x46: {  	s13 =	simm.s32 $0x498;
	s24 =	simm.s32 $0x8A40  }
0x47: {  	[tilespmem:s24], [sflag:$0x2] =	stream.indirect.gather [hbm4b:s5+s12], $0x20, s13, s12, $0xb8;
	[tilespmem:$0xCF00] =	vst v63  }
0x48: {  	s13 =	simm.s32 $0x4D0;
	s24 =	simm.s32 $0x9080  }
0x49: {  	[tilespmem:s24], [sflag:$0x2] =	stream.indirect.gather [hbm4b:s5+s12], $0x20, s13, s12, $0xb8;
	[tilespmem:$0xCF00] =	vst v63  }
0x4a: {  	s13 =	simm.s32 $0x508;
	s24 =	simm.s32 $0x96C0  }
0x4b: {  	[tilespmem:s24], [sflag:$0x2] =	stream.indirect.gather [hbm4b:s5+s12], $0x20, s13, s12, $0xb8;
	[tilespmem:$0xCF00] =	vst v63  }
0x4c: {  	s13 =	simm.s32 $0x540;
	s24 =	simm.s32 $0x9D00  }
0x4d: {  	[tilespmem:s24], [sflag:$0x2] =	stream.indirect.gather [hbm4b:s5+s12], $0x20, s13, s12, $0xb8;
	[tilespmem:$0xCF00] =	vst v63  }
0x4e: {  	s13 =	simm.s32 $0x578;
	s24 =	simm.s32 $0xA340  }
0x4f: {  	[tilespmem:s24], [sflag:$0x2] =	stream.indirect.gather [hbm4b:s5+s12], $0x20, s13, s12, $0xb8;
	[tilespmem:$0xCF00] =	vst v63  }
0x50: {  	s13 =	simm.s32 $0x5B0;
	s24 =	simm.s32 $0xA980  }
0x51: {  	[tilespmem:s24], [sflag:$0x2] =	stream.indirect.gather [hbm4b:s5+s12], $0x20, s13, s12, $0xb8;
	[tilespmem:$0xCF00] =	vst v63  }
0x52: {  	_ = 	snop  }
0x53: {  	[tilespmem:s29], [sflag:$0x2] =	stream.indirect.gather [hbm4b:s5+s12], $0x20, s28, s12, $0xb8;
	[tilespmem:$0xCF00] =	vst v63  }
0x54: {  	_ = 	snop  }
0x55: {  	[tilespmem:s31], [sflag:$0x2] =	stream.indirect.gather [hbm4b:s5+s12], $0x20, s30, s12, $0xb8;
	[tilespmem:$0xCF00] =	vst v63  }
0x56: {  	_ = 	snop  }
0x57: {  	[tilespmem:s1], [sflag:$0x2] =	stream.indirect.gather [hbm4b:s5+s12], $0x20, s0, s12, $0xb8;
	[tilespmem:$0xCF00] =	vst v63  }
0x58: {  	_ = 	snop  }
0x59: {  	[tilespmem:s15], [sflag:$0x2] =	stream.indirect.gather [hbm4b:s5+s12], $0x20, s14, s12, $0xb8;
	[tilespmem:$0xCF00] =	vst v63  }
0x5a: {  	_ = 	snop  }
0x5b: {  	[tilespmem:s17], [sflag:$0x2] =	stream.indirect.gather [hbm4b:s5+s12], $0x20, s16, s12, $0xb8;
	[tilespmem:$0xCF00] =	vst v63  }
0x5c: {  	_ =	swait.ge [sflag:s18], $0x640  }
0x5d: {  	[sflag:s18] =	ssyncset.done $0x0  }
0x5e: {  	[sflag:s18] =	ssyncadd.s32 $0xFFFFF9C0  }
0x5f: {  	_ =	swait.ge [sflag:s18], $0x640  }
0x60: {  	[sflag:s18] =	ssyncset.done $0x0  }
0x61: {  	[sflag:s18] =	ssyncadd.s32 $0xFFFFF9C0  }
0x62: {  	_ =	swait.ge [sflag:s18], $0x640  }
0x63: {  	[sflag:s18] =	ssyncset.done $0x0  }
0x64: {  	[sflag:s18] =	ssyncadd.s32 $0xFFFFF9C0  }
0x65: {  	_ =	swait.ge [sflag:s18], $0x640  }
0x66: {  	[sflag:s18] =	ssyncset.done $0x0  }
0x67: {  	[sflag:s18] =	ssyncadd.s32 $0xFFFFF9C0  }
0x68: {  	_ =	swait.ge [sflag:s18], $0x640  }
0x69: {  	[sflag:s18] =	ssyncset.done $0x0  }
0x6a: {  	[sflag:s18] =	ssyncadd.s32 $0xFFFFF9C0  }
0x6b: {  	_ =	swait.ge [sflag:s18], $0x640  }
0x6c: {  	[sflag:s18] =	ssyncset.done $0x0  }
0x6d: {  	[sflag:s18] =	ssyncadd.s32 $0xFFFFF9C0  }
0x6e: {  	_ =	swait.ge [sflag:s18], $0x640  }
0x6f: {  	[sflag:s18] =	ssyncset.done $0x0  }
0x70: {  	[sflag:s18] =	ssyncadd.s32 $0xFFFFF9C0  }
0x71: {  	_ =	swait.ge [sflag:s18], $0x640  }
0x72: {  	[sflag:s18] =	ssyncset.done $0x0  }
0x73: {  	[sflag:s18] =	ssyncadd.s32 $0xFFFFF9C0  }
0x74: {  	_ =	swait.ge [sflag:s18], $0x640  }
0x75: {  	[sflag:s18] =	ssyncset.done $0x0  }
0x76: {  	[sflag:s18] =	ssyncadd.s32 $0xFFFFF9C0  }
0x77: {  	_ =	swait.ge [sflag:s18], $0x640  }
0x78: {  	[sflag:s18] =	ssyncset.done $0x0  }
0x79: {  	[sflag:s18] =	ssyncadd.s32 $0xFFFFF9C0  }
0x7a: {  	_ =	swait.ge [sflag:s18], $0x640  }
0x7b: {  	[sflag:s18] =	ssyncset.done $0x0  }
0x7c: {  	[sflag:s18] =	ssyncadd.s32 $0xFFFFF9C0  }
0x7d: {  	_ =	swait.ge [sflag:s18], $0x640  }
0x7e: {  	[sflag:s18] =	ssyncset.done $0x0  }
0x7f: {  	[sflag:s18] =	ssyncadd.s32 $0xFFFFF9C0  }
0x80: {  	_ =	swait.ge [sflag:s18], $0x640  }
0x81: {  	[sflag:s18] =	ssyncset.done $0x0  }
0x82: {  	[sflag:s18] =	ssyncadd.s32 $0xFFFFF9C0  }
0x83: {  	_ =	swait.ge [sflag:s18], $0x640  }
0x84: {  	[sflag:s18] =	ssyncset.done $0x0  }
0x85: {  	[sflag:s18] =	ssyncadd.s32 $0xFFFFF9C0  }
0x86: {  	_ =	swait.ge [sflag:s18], $0x640  }
0x87: {  	[sflag:s18] =	ssyncset.done $0x0  }
0x88: {  	[sflag:s18] =	ssyncadd.s32 $0xFFFFF9C0  }
0x89: {  	_ =	swait.ge [sflag:s18], $0x640  }
0x8a: {  	[sflag:s18] =	ssyncset.done $0x0  }
0x8b: {  	s7 =	simm.s32 $0x720;
	[sflag:s18] =	ssyncadd.s32 $0xFFFFF9C0  }
.LBB2_3:
0x8c: {  	v0 =	vld [tilespmem:s7+$0xFFFFFFE0];
	_ =	sdelay $0x2  }
0x8d: {  	v1 =	vld [tilespmem:s7+$0x0]  }
0x8e: {  	v2 =	vld [tilespmem:s7+$0x10]  }
0x8f: {  	v3 =	vmul.f32 $5.656854150e+00, v0;
	v0 =	vld [tilespmem:s7+$0xFFFFFFF0];
	_ =	sdelay $0x2  }
0x90: {  	v1 =	vmul.f32 $5.656854150e+00, v1  }
0x91: {  	s9 =	simm.s32 $0x0;
	s13 =	sadd.s32 $0x40, s7;
	s24 =	smov.u32 s7;
	v2 =	vmul.f32 $5.656854150e+00, v2;
	[tilespmem:s7+$0xFFFFFFE0] =	vst v3  }
.LBB2_4:
0x92: {  	v3 =	vld [tilespmem:s13+$0xFFFFFFE0];
	v0 =	vmul.f32 $5.656854150e+00, v0;
	[tilespmem:s24+$0x0] =	vst v1  }
0x93: {  	s9 =	sadd.s32 $0x4, s9;
	v1 =	vld [tilespmem:s13+$0x0];
	[tilespmem:s24+$0x10] =	vst v2  }
0x94: {  	p0 =	slt.u32 s9, $0x60;
	v2 =	vld [tilespmem:s13+$0x10];
	[tilespmem:s24+$0xFFFFFFF0] =	vst v0;
	s24 =	smov.u32 s13  }
.Ltmp0:
0x95: {  	v0 =	vld [tilespmem:s13+$0xFFFFFFF0];
	(pc) =	sbr.rel @p0 .LBB2_4-.Ltmp0, $4  }
0x96: {  	_ = 	snop  }
0x97: {  	v3 =	vmul.f32 $5.656854150e+00, v3  }
0x98: {  	v1 =	vmul.f32 $5.656854150e+00, v1  }
0x99: {  	s13 =	sadd.s32 $0x40, s13;
	[tilespmem:s24+$0xFFFFFFE0] =	vst v3;
	v2 =	vmul.f32 $5.656854150e+00, v2  }
0x9a: {  	s23 =	sadd.s32 $0x1, s23  }
0x9b: {  	p0 =	sne.s32 s23, $0x10  }
.Ltmp1:
0x9c: {  	_ = 	snop;
	(pc) =	sbr.rel @p0 .LBB2_3-.Ltmp1, $4  }
0x9d: {  	_ = 	snop  }
0x9e: {  	v0 =	vmul.f32 $5.656854150e+00, v0;
	[tilespmem:s24+$0x0] =	vst v1  }
0x9f: {  	[tilespmem:s24+$0x10] =	vst v2  }
0xa0: {  	s7 =	sadd.s32 $0x640, s7;
	[tilespmem:s24+$0xFFFFFFF0] =	vst v0  }
0xa1: {  	s7 =	sadd.s32 s4, s22  }
0xa2: {  	s7 =	smul.u32 $0xC8, s7;
	_ =	sdelay $0x1  }
0xa3: {  	s9 =	simm.s32 $0x700;
	p0 =	seq.s32 s20, $0xF;
	s7 =	sadd.s32 s2, s7  }
0xa4: {  	[hbm4b:s7+s3] =	stream.linear.scatter [tilespmem:s9], [sflag:$0x3], $0x6400, $0x38;
	[tilespmem:$0xCF00] =	vst v63  }
0xa5: {  	s7 =	sadd.s32 @!p0 s22, s8  }
0xa6: {  	_ =	swait.ge [sflag:s11], $0x6400;
	s7 =	smul.u32 @!p0 $0x7, s7  }
0xa7: {  	[sflag:s11] =	ssyncset.done $0x0  }
0xa8: {  	s9 =	simm.s32 @!p0 $0x0;
	[sflag:s11] =	ssyncadd.s32 $0xFFFF9C00;
	s7 =	sadd.s32 @!p0 s6, s7  }
0xa9: {  	[tilespmem:s9], [sflag:$0x3] =	stream.linear.gather @!p0 [hbm4b:s7+s9], $0x380, $0x38;
	[tilespmem:$0xCF00] =	vst v63  }
0xaa: {  	s7 =	simm.s32 @!p0 $0x3  }
0xab: {  	_ =	swait.ge @!p0 [sflag:s7], $0x380  }
0xac: {  	[sflag:s7] =	ssyncset.done @!p0 $0x0  }
0xad: {  	s13 =	simm.s32 @!p0 $0x700;
	[sflag:s7] =	ssyncadd.s32 @!p0 $0xFFFFFC80;
	s7 =	simm.s32 @!p0 $0x32  }
0xae: {  	[tilespmem:s13], [sflag:$0x1] =	stream.indirect.gather @!p0 [hbm4b:s5+s7], $0x20, s9, s7, $0xb8;
	[tilespmem:$0xCF00] =	vst v63  }
0xaf: {  	s9 =	simm.s32 @!p0 $0x38;
	s13 =	simm.s32 @!p0 $0xD40  }
0xb0: {  	[tilespmem:s13], [sflag:$0x1] =	stream.indirect.gather @!p0 [hbm4b:s5+s7], $0x20, s9, s7, $0xb8;
	[tilespmem:$0xCF00] =	vst v63  }
0xb1: {  	s9 =	simm.s32 @!p0 $0x70;
	s13 =	simm.s32 @!p0 $0x1380  }
0xb2: {  	[tilespmem:s13], [sflag:$0x1] =	stream.indirect.gather @!p0 [hbm4b:s5+s7], $0x20, s9, s7, $0xb8;
	[tilespmem:$0xCF00] =	vst v63  }
0xb3: {  	s9 =	simm.s32 @!p0 $0xA8;
	s13 =	simm.s32 @!p0 $0x19C0  }
0xb4: {  	[tilespmem:s13], [sflag:$0x1] =	stream.indirect.gather @!p0 [hbm4b:s5+s7], $0x20, s9, s7, $0xb8;
	[tilespmem:$0xCF00] =	vst v63  }
0xb5: {  	s9 =	simm.s32 @!p0 $0xE0;
	s13 =	simm.s32 @!p0 $0x2000  }
0xb6: {  	[tilespmem:s13], [sflag:$0x1] =	stream.indirect.gather @!p0 [hbm4b:s5+s7], $0x20, s9, s7, $0xb8;
	[tilespmem:$0xCF00] =	vst v63  }
0xb7: {  	s9 =	simm.s32 @!p0 $0x118;
	s13 =	simm.s32 @!p0 $0x2640  }
0xb8: {  	[tilespmem:s13], [sflag:$0x1] =	stream.indirect.gather @!p0 [hbm4b:s5+s7], $0x20, s9, s7, $0xb8;
	[tilespmem:$0xCF00] =	vst v63  }
0xb9: {  	s9 =	simm.s32 @!p0 $0x150;
	s13 =	simm.s32 @!p0 $0x2C80  }
0xba: {  	[tilespmem:s13], [sflag:$0x1] =	stream.indirect.gather @!p0 [hbm4b:s5+s7], $0x20, s9, s7, $0xb8;
	[tilespmem:$0xCF00] =	vst v63  }
0xbb: {  	s9 =	simm.s32 @!p0 $0x188;
	s13 =	simm.s32 @!p0 $0x32C0  }
0xbc: {  	[tilespmem:s13], [sflag:$0x1] =	stream.indirect.gather @!p0 [hbm4b:s5+s7], $0x20, s9, s7, $0xb8;
	[tilespmem:$0xCF00] =	vst v63  }
0xbd: {  	s9 =	simm.s32 @!p0 $0x1C0;
	s13 =	simm.s32 @!p0 $0x3900  }
0xbe: {  	[tilespmem:s13], [sflag:$0x1] =	stream.indirect.gather @!p0 [hbm4b:s5+s7], $0x20, s9, s7, $0xb8;
	[tilespmem:$0xCF00] =	vst v63  }
0xbf: {  	s9 =	simm.s32 @!p0 $0x1F8;
	s13 =	simm.s32 @!p0 $0x3F40  }
0xc0: {  	[tilespmem:s13], [sflag:$0x1] =	stream.indirect.gather @!p0 [hbm4b:s5+s7], $0x20, s9, s7, $0xb8;
	[tilespmem:$0xCF00] =	vst v63  }
0xc1: {  	s9 =	simm.s32 @!p0 $0x230;
	s13 =	simm.s32 @!p0 $0x4580  }
0xc2: {  	[tilespmem:s13], [sflag:$0x1] =	stream.indirect.gather @!p0 [hbm4b:s5+s7], $0x20, s9, s7, $0xb8;
	[tilespmem:$0xCF00] =	vst v63  }
0xc3: {  	s9 =	simm.s32 @!p0 $0x268;
	s13 =	simm.s32 @!p0 $0x4BC0  }
0xc4: {  	[tilespmem:s13], [sflag:$0x1] =	stream.indirect.gather @!p0 [hbm4b:s5+s7], $0x20, s9, s7, $0xb8;
	[tilespmem:$0xCF00] =	vst v63  }
0xc5: {  	s9 =	simm.s32 @!p0 $0x2A0;
	s13 =	simm.s32 @!p0 $0x5200  }
0xc6: {  	[tilespmem:s13], [sflag:$0x1] =	stream.indirect.gather @!p0 [hbm4b:s5+s7], $0x20, s9, s7, $0xb8;
	[tilespmem:$0xCF00] =	vst v63  }
0xc7: {  	s9 =	simm.s32 @!p0 $0x2D8;
	s13 =	simm.s32 @!p0 $0x5840  }
0xc8: {  	[tilespmem:s13], [sflag:$0x1] =	stream.indirect.gather @!p0 [hbm4b:s5+s7], $0x20, s9, s7, $0xb8;
	[tilespmem:$0xCF00] =	vst v63  }
0xc9: {  	s9 =	simm.s32 @!p0 $0x310;
	s13 =	simm.s32 @!p0 $0x5E80  }
0xca: {  	[tilespmem:s13], [sflag:$0x1] =	stream.indirect.gather @!p0 [hbm4b:s5+s7], $0x20, s9, s7, $0xb8;
	[tilespmem:$0xCF00] =	vst v63  }
0xcb: {  	s9 =	simm.s32 @!p0 $0x348;
	s13 =	simm.s32 @!p0 $0x64C0  }
0xcc: {  	[tilespmem:s13], [sflag:$0x1] =	stream.indirect.gather @!p0 [hbm4b:s5+s7], $0x20, s9, s7, $0xb8;
	[tilespmem:$0xCF00] =	vst v63  }
0xcd: {  	_ =	swait.ge [sflag:s19], $0x640  }
0xce: {  	[sflag:s19] =	ssyncset.done $0x0  }
0xcf: {  	[sflag:s19] =	ssyncadd.s32 $0xFFFFF9C0  }
0xd0: {  	_ =	swait.ge [sflag:s19], $0x640  }
0xd1: {  	[sflag:s19] =	ssyncset.done $0x0  }
0xd2: {  	[sflag:s19] =	ssyncadd.s32 $0xFFFFF9C0  }
0xd3: {  	_ =	swait.ge [sflag:s19], $0x640  }
0xd4: {  	[sflag:s19] =	ssyncset.done $0x0  }
0xd5: {  	[sflag:s19] =	ssyncadd.s32 $0xFFFFF9C0  }
0xd6: {  	_ =	swait.ge [sflag:s19], $0x640  }
0xd7: {  	[sflag:s19] =	ssyncset.done $0x0  }
0xd8: {  	[sflag:s19] =	ssyncadd.s32 $0xFFFFF9C0  }
0xd9: {  	_ =	swait.ge [sflag:s19], $0x640  }
0xda: {  	[sflag:s19] =	ssyncset.done $0x0  }
0xdb: {  	[sflag:s19] =	ssyncadd.s32 $0xFFFFF9C0  }
0xdc: {  	_ =	swait.ge [sflag:s19], $0x640  }
0xdd: {  	[sflag:s19] =	ssyncset.done $0x0  }
0xde: {  	[sflag:s19] =	ssyncadd.s32 $0xFFFFF9C0  }
0xdf: {  	_ =	swait.ge [sflag:s19], $0x640  }
0xe0: {  	[sflag:s19] =	ssyncset.done $0x0  }
0xe1: {  	[sflag:s19] =	ssyncadd.s32 $0xFFFFF9C0  }
0xe2: {  	_ =	swait.ge [sflag:s19], $0x640  }
0xe3: {  	[sflag:s19] =	ssyncset.done $0x0  }
0xe4: {  	[sflag:s19] =	ssyncadd.s32 $0xFFFFF9C0  }
0xe5: {  	_ =	swait.ge [sflag:s19], $0x640  }
0xe6: {  	[sflag:s19] =	ssyncset.done $0x0  }
0xe7: {  	[sflag:s19] =	ssyncadd.s32 $0xFFFFF9C0  }
0xe8: {  	_ =	swait.ge [sflag:s19], $0x640  }
0xe9: {  	[sflag:s19] =	ssyncset.done $0x0  }
0xea: {  	[sflag:s19] =	ssyncadd.s32 $0xFFFFF9C0  }
0xeb: {  	_ =	swait.ge [sflag:s19], $0x640  }
0xec: {  	[sflag:s19] =	ssyncset.done $0x0  }
0xed: {  	[sflag:s19] =	ssyncadd.s32 $0xFFFFF9C0  }
0xee: {  	_ =	swait.ge [sflag:s19], $0x640  }
0xef: {  	[sflag:s19] =	ssyncset.done $0x0  }
0xf0: {  	[sflag:s19] =	ssyncadd.s32 $0xFFFFF9C0  }
0xf1: {  	_ =	swait.ge [sflag:s19], $0x640  }
0xf2: {  	[sflag:s19] =	ssyncset.done $0x0  }
0xf3: {  	[sflag:s19] =	ssyncadd.s32 $0xFFFFF9C0  }
0xf4: {  	_ =	swait.ge [sflag:s19], $0x640  }
0xf5: {  	[sflag:s19] =	ssyncset.done $0x0  }
0xf6: {  	[sflag:s19] =	ssyncadd.s32 $0xFFFFF9C0  }
0xf7: {  	_ =	swait.ge [sflag:s19], $0x640  }
0xf8: {  	[sflag:s19] =	ssyncset.done $0x0  }
0xf9: {  	[sflag:s19] =	ssyncadd.s32 $0xFFFFF9C0  }
0xfa: {  	_ =	swait.ge [sflag:s19], $0x640  }
0xfb: {  	[sflag:s19] =	ssyncset.done $0x0  }
0xfc: {  	s23 =	simm.s32 $0x6B30;
	s22 =	simm.s32 $0x0;
	[sflag:s19] =	ssyncadd.s32 $0xFFFFF9C0  }
.LBB2_7:
0xfd: {  	v0 =	vld [tilespmem:s23+$0xFFFFFFD0];
	_ =	sdelay $0x2  }
0xfe: {  	v1 =	vld [tilespmem:s23+$0xFFFFFFE0]  }
0xff: {  	v3 =	vld [tilespmem:s23+$0x0]  }
0x100: {  	v4 =	vmul.f32 $5.656854150e+00, v0;
	v0 =	vld [tilespmem:s23+$0xFFFFFFF0];
	_ =	sdelay $0x2  }
0x101: {  	v2 =	vmul.f32 $5.656854150e+00, v1  }
0x102: {  	s9 =	simm.s32 $0x0;
	s13 =	sadd.s32 $0x40, s23;
	s7 =	smov.u32 s23;
	v1 =	vmul.f32 $5.656854150e+00, v3;
	[tilespmem:s23+$0xFFFFFFD0] =	vst v4  }
.LBB2_8:
0x103: {  	v3 =	vld [tilespmem:s13+$0xFFFFFFD0];
	[tilespmem:s7+$0xFFFFFFE0] =	vst v2;
	v0 =	vmul.f32 $5.656854150e+00, v0  }
0x104: {  	s9 =	sadd.s32 $0x4, s9;
	v2 =	vld [tilespmem:s13+$0xFFFFFFE0];
	[tilespmem:s7+$0x0] =	vst v1  }
0x105: {  	p0 =	slt.u32 s9, $0x60;
	v1 =	vld [tilespmem:s13+$0x0];
	[tilespmem:s7+$0xFFFFFFF0] =	vst v0;
	s7 =	smov.u32 s13  }
.Ltmp2:
0x106: {  	v0 =	vld [tilespmem:s13+$0xFFFFFFF0];
	(pc) =	sbr.rel @p0 .LBB2_8-.Ltmp2, $4  }
0x107: {  	_ = 	snop  }
0x108: {  	v3 =	vmul.f32 $5.656854150e+00, v3  }
0x109: {  	v2 =	vmul.f32 $5.656854150e+00, v2  }
0x10a: {  	s13 =	sadd.s32 $0x40, s13;
	[tilespmem:s7+$0xFFFFFFD0] =	vst v3;
	v1 =	vmul.f32 $5.656854150e+00, v1  }
0x10b: {  	s22 =	sadd.s32 $0x1, s22  }
0x10c: {  	p0 =	sne.s32 s22, $0x10  }
.Ltmp3:
0x10d: {  	_ = 	snop;
	(pc) =	sbr.rel @p0 .LBB2_7-.Ltmp3, $4  }
0x10e: {  	_ = 	snop  }
0x10f: {  	[tilespmem:s7+$0xFFFFFFE0] =	vst v2;
	v0 =	vmul.f32 $5.656854150e+00, v0  }
0x110: {  	[tilespmem:s7+$0x0] =	vst v1  }
0x111: {  	s23 =	sadd.s32 $0x640, s23;
	[tilespmem:s7+$0xFFFFFFF0] =	vst v0  }
0x112: {  	s7 =	smul.u32 $0xC8, s21;
	s20 =	sadd.s32 $0x1, s20  }
0x113: {  	p0 =	sne.s32 s20, $0x10  }
.Ltmp4:
0x114: {  	s7 =	sadd.s32 s2, s7;
	(pc) =	sbr.rel @p0 .LBB2_2-.Ltmp4, $4  }
0x115: {  	[hbm4b:s7+s3] =	stream.linear.scatter [tilespmem:s26], [sflag:$0x3], $0x6400, $0x38;
	[tilespmem:$0xCF00] =	vst v63  }
0x116: {  	_ =	swait.ge [sflag:s11], $0x6400  }
0x117: {  	[sflag:s11] =	ssyncset.done $0x0  }
0x118: {  	[sflag:s11] =	ssyncadd.s32 $0xFFFF9C00  }
0x119: {  	s9 =	rddreg [dreg:$0x5]  }
0x11a: {  	s7 =	rddreg [dreg:$0x4];
	s9 =	sadd.s32 $0x1, s9  }
0x11b: {  	p0 =	sne.s32 s9, s7  }
.Ltmp5:
0x11c: {  	_ = 	snop;
	(pc) =	sbr.rel @p0 .LBB2_1-.Ltmp5, $1  }
0x11d: {  	_ =	sdelay $0x3  }
0x11e: {  	_ =	sfence.sel $0x180000  }
0x11f: {  	[bflag:$0x0] =	sbarrier.arrive $0xFFFF  }
0x120: {  	_ =	strace $0x90000047  }
0x121: {  	s0 =	stileid.u32;
	[bflag:$0x2] =	sbarrier.arrive $0xFFFF  }
0x122: {  	p0 =	sne.s32 s0, $0x0;
	s0 =	rddreg [dreg:$0x2]  }
0x123: {  	s0 =	sadd.s32 @!p0 $0x100000, s0  }
0x124: {  	[sflag:s0] =	ssyncadd.tile.s32 @!p0 $0x1;
	_ =	shalt  }
.Lfunc_end2:
_tile_overlayer_lowered:
.L_overlay_start_2:
0x125: {  	(tag) =	ssettag $0x2  }
0x126: {  	s0 =	rddreg [dreg:$0x0];
	s2 =	stileid.u32  }
0x127: {  	s1 =	rddreg [dreg:$0x1];
	p0 =	sne.s32 s2, $0x0  }
0x128: {  	s3 =	rddreg [dreg:$0x2];
	[bflag:$0x3] =	sbarrier.arrive $0xFFFF;
	s2 =	simm.s32 @!p0 $0x1C03  }
0x129: {  	[timem:s3], [sflag:s2] =	dma.local @!p0 [hbm:s0], s1  }
0x12a: {  	s0 =	simm.s32 @!p0 $0x3  }
0x12b: {  	_ =	swait.ge @!p0 [sflag:s0], s1  }
0x12c: {  	s1 =	ssub.s32 @!p0 $0x0, s1;
	[sflag:s0] =	ssyncset.done @!p0 $0x0  }
0x12d: {  	[sflag:s0] =	ssyncadd.s32 @!p0 s1  }
0x12e: {  	[bflag:$0x3] =	sbarrier.arrive $0xFFFF  }
0x12f: {  	_ =	shalt  }

// kernel: sparse-core-data-format-call.cloned.1.call-start
scs
called_computation_lowered:
.L_overlay_start_0:
0x0: {  	s2 =	sld [smem:$0x3FD9]  }
0x1: {  	s3 =	sld [smem:$0x3FFE];
	_ =	sdelay $0x1  }
0x2: {  	s1 =	srdreg.scid  }
0x3: {  	s0 =	sand.u32 $0x1, s1  }
0x4: {  	s18 =	sshll.u32 s0, $0xA;
	s2 =	sadd.s32 s3, s2  }
0x5: {  	s2 =	sadd.s32 s2, s18  }
0x6: {  	[smem:$0x3FC6] =	sst s2  }
0x7: {  	_ = 	snop  }
0x8: {  	s2 =	sld [smem:$0x3FD0];
	(tm) =	ssettm $0x1  }
0x9: {  	s19 =	sld [smem:$0x3FFB];
	_ =	sdelay $0x3  }
0xa: {  	_ =	strace s19  }
0xb: {  	s3 =	sld [smem:$0x3FFC];
	_ =	sdelay $0x3  }
0xc: {  	_ =	strace s3  }
0xd: {  	s3 =	sld [smem:$0x3FFD];
	_ =	sdelay $0x3  }
0xe: {  	_ =	strace s3  }
0xf: {  	_ =	strace $0x8FFFFFFF  }
0x10: {  	s20 =	sld [smem:$0x3FDB];
	_ =	sdelay $0x1  }
0x11: {  	s4 =	simm.s32 $_scs_section_size  }
0x12: {  	s5 =	simm.s32 $_size__tile_overlayer_lowered;
	s6 =	simm.s32 $_tile_overlayer_lowered  }
0x13: {  	s23 =	simm.s32 $0x1BFF;
	s22 =	sshll.u32 s6, $0x1;
	s3 =	sadd.s32 s4, s20  }
0x14: {  	s7 =	simm.s32 $0x0;
	s21 =	sshll.u32 s5, $0x1;
	s5 =	sadd.s32 s22, s3  }
0x15: {  	[timem:s7], [sflag:s23] =	dma.local [hbm:s5], s21  }
0x16: {  	_ =	swait.ge [sflag:s23], s21  }
0x17: {  	s4 =	ssub.s32 $0x0, s21;
	[sflag:s23] =	ssyncset.done $0x0  }
0x18: {  	[sflag:s23] =	ssyncadd.s32 s4;
	_ =	sdelay $0x1  }
0x19: {  	s24 =	simm.s32 $0x1B8B  }
0x1a: {  	_ =	swait.ge [sflag:s24], $0x1  }
0x1b: {  	[sflag:s24] =	ssyncset.done $0x0  }
0x1c: {  	s26 =	simm.s32 $0x1B8E;
	s25 =	sld [smem:$0x3FFE];
	[sflag:s24] =	ssyncadd.s32 $0xFFFFFFFF  }
0x1d: {  	s27 =	simm.s32 $execute0_lowered;
	[smem:$0x3FD2] =	sst s26  }
0x1e: {  	s5 =	sshll.u32 s27, $0x1;
	_ =	strace $0x80000049;
	[dreg:$0x1] =	wrdreg $0xFFFFFFFF  }
0x1f: {  	s28 =	simm.s32 $_size_execute0_lowered;
	s3 =	sadd.s32 s3, s5;
	[dreg:$0x0] =	wrdreg $0x0  }
0x20: {  	s5 =	sshll.u32 s28, $0x1;
	[dreg:$0x2] =	wrdreg s3  }
0x21: {  	[dreg:$0x3] =	wrdreg s5  }
0x22: {  	[dreg:$0x4] =	wrdreg $0xC0  }
0x23: {  	_ =	task [dreg:s7], $0x5FFFF  }
0x24: {  	[dreg:$0x1] =	wrdreg $0xFFFFFFFF  }
0x25: {  	[dreg:$0x0] =	wrdreg $0x60  }
0x26: {  	[dreg:$0x2] =	wrdreg s25  }
0x27: {  	[dreg:$0x3] =	wrdreg s2  }
0x28: {  	[dreg:$0x4] =	wrdreg $0x9  }
0x29: {  	_ =	task.clear_ibuf [dreg:s7], $0x5FFFF;
	_ =	strace $0x90000049  }
0x2a: {  	s29 =	simm.s32 $0x9;
	_ =	strace $0x8000004B  }
0x2b: {  	_ =	swait.ge [sflag:s29], $0x1  }
0x2c: {  	[sflag:s29] =	ssyncadd.s32 $0xFFFFFFFF  }
0x2d: {  	_ =	strace $0x9000004B  }
0x2e: {  	_ =	sfence  }
0x2f: {  	s30 =	sld [smem:$0x0];
	_ =	sdelay $0x2  }
0x30: {  	s31 =	sshll.u32 s1, $0xD;
	s1 =	sshrl.u32 s1, $0x2  }
0x31: {  	s3 =	sand.u32 $0x4000, s31;
	s1 =	sadd.s32 s1, s30  }
0x32: {  	s0 =	sor.u32 s3, s0;
	s1 =	sshll.u32 s1, $0x11  }
0x33: {  	s0 =	sor.u32 s1, s0  }
0x34: {  	s0 =	sadd.s32 $0x8F2B, s0  }
0x35: {  	[sflag:s0] =	ssyncadd.remote.s32 $0x1  }
0x36: {  	_ =	sfence.sel $0xFFFF  }
0x37: {  	[dreg:$0x0] =	wrdreg $0xFFFFFFFF;
	(pc) =	sbr.abs _section_cstart, $3  }
0x38: {  	[dreg:$0x1] =	wrdreg $0xFFFFFFFF  }
0x39: {  	_ =	task.clear_ibuf [dreg:s7], $0x2FFFF;
	_ =	strace $0x9FFFFFFF  }
0x3a: {  	(tm) =	ssettm $0x7FFFFFFF  }
0x3b: {  	_ =	shalt  }
tec
execute0_lowered:
.L_overlay_start_1:
0x0: {  	(tag) =	ssettag $0x1  }
0x1: {  	s0 =	srdreg.scid  }
0x2: {  	s1 =	sshll.u32 s0, $0x4  }
0x3: {  	s0 =	stileid.u32;
	s1 =	sand.u32 $0x10, s1  }
0x4: {  	s1 =	sor.u32 s0, s1  }
0x5: {  	s6 =	rddreg [dreg:$0x0];
	s4 =	simm.s32 $0x1;
	s2 =	sshll.u32 s1, $0x7  }
0x6: {  	s7 =	simm.s32 $0x2;
	s12 =	simm.s32 $0x0;
	s1 =	ssub.s32 $0x4000, s2  }
0x7: {  	s8 =	simm.s32 $0x20000;
	s13 =	simm.s32 $0x0;
	s3 =	sand.u32 $0xF80, s1  }
0x8: {  	s9 =	simm.s32 $0x0;
	s5 =	sshrl.u32 s1, $0xC;
	p0 =	sne.s32 s3, $0x0  }
.Ltmp0:
0x9: {  	s1 =	rddreg [dreg:$0x2];
	s4 =	simm.s32 @!p0 $0x0;
	(pc) =	sbr.rel .LBB1_1-.Ltmp0, $4  }
0xa: {  	s11 =	simm.s32 $0x0;
	s3 =	rddreg [dreg:$0x1];
	s5 =	sadd.s32 s4, s5  }
0xb: {  	_ =	strace $0x8000004A;
	s4 =	simm.s32 $0x1;
	s5 =	smul.u32 $0x32, s5  }
0xc: {  	s6 =	sadd.s32 $0xA00, s6;
	s10 =	smov.u32 s2;
	[sflag:s4] =	ssyncpa.u1 $0x0  }
0xd: {  	p0 =	por $0x0, $0x0;
	[sflag:s7] =	ssyncpa.u1 $0x0;
	s7 =	sor.u32 $0x1, s5  }
.LBB1_4:
0xe: {  	s16 =	sshll.u32 s13, $0x3;
	s17 =	sand.u32 $0x78, s13  }
0xf: {  	s30 =	sand.u32 $0xF800, s13;
	s12 =	sshll.u32 s12, $0x10;
	s16 =	sand.u32 $0x3C00, s16  }
0x10: {  	s31 =	sand.u32 $0x7, s13;
	s16 =	sor.u32 s17, s16;
	s17 =	sadd.s32 s3, s30  }
0x11: {  	s13 =	sshll.u32 s31, $0x12;
	s16 =	sshrl.u32 s16, $0x3;
	s12 =	sadd.s32 s12, s17  }
0x12: {  	[tilespmem:s15+$0x0 ss:$0x81] =	vst.msk $0xffff, v0;
	s13 =	sor.u32 $0x400, s13;
	s12 =	sadd.s32 s16, s12  }
0x13: {  	[hbm4b:s12+s13] =	stream.strided.scatter [tilespmem:s14], [sflag:$0x2], $0x1000, s8, s13, $0x20;
	[tilespmem:$0x4040] =	vst v63  }
.LBB1_5:
0x14: {  	s14 =	sadd.s32 $0x1, s9  }
0x15: {  	s12 =	sadd.s32 $0x1000, s10;
	s16 =	smov.u32 s10;
	p2 =	sgt.s32 s14, $0x31  }
0x16: {  	s16 =	smov.u32 @p2 s12  }
0x17: {  	s14 =	simm.s32 @p2 $0x0;
	p2 =	sgt.s32 s16, $0x3FFF  }
0x18: {  	s16 =	smov.u32 @p2 s2;
	p2 =	sne.s32 s11, s7  }
.Ltmp1:
0x19: {  	p1 =	slt.u32 s11, $0x2;
	(pc) =	sbr.rel @!p2 .LBB1_6-.Ltmp1, $4  }
0x1a: {  	s15 =	simm.s32 @!p1 $0x2  }
0x1b: {  	s13 =	smov.u32 s10;
	p0 =	por !p0, !p0;
	_ =	swait.ge @!p1 [sflag:s15], $0x1000  }
0x1c: {  	s12 =	smov.u32 s9;
	[sflag:s15] =	ssyncset.done @!p1 $0x0;
	s9 =	smov.u32 s14  }
0x1d: {  	s11 =	sadd.s32 $0x1, s11;
	[sflag:s15] =	ssyncadd.s32 @!p1 $0xFFFFF000;
	s10 =	smov.u32 s16  }
.LBB1_1:
0x1e: {  	p1 =	sge.u32 s11, s5  }
0x1f: {  	s14 =	sand.u32 @!p1 $0x1FFFFFF, s9  }
0x20: {  	s15 =	smulhi.u32 @!p1 $0x4924925, s14;
	_ =	sdelay $0x1  }
0x21: {  	s15 =	smul.u32 @!p1 $0x38, s15  }
0x22: {  	s16 =	sxor.u32 @!p1 $0xFFFFFFFF, s11;
	s17 =	smul.u32 @!p1 $0x380, s10  }
0x23: {  	s31 =	sadd.s32 $0xFFFFFFFF, s11;
	s16 =	sshll.u32 @!p1 s16, $0xC;
	s14 =	ssub.s32 @!p1 s14, s15  }
0x24: {  	s15 =	sand.u32 @!p1 $0x1000, s16;
	s16 =	sadd.s32 @!p1 s6, s17;
	s14 =	sshll.u32 @!p1 s14, $0x4  }
0x25: {  	s17 =	simm.s32 @!p1 $0x1C00;
	s14 =	sadd.s32 @!p1 s14, s16;
	s16 =	simm.s32 @!p1 $0x20  }
0x26: {  	[tilespmem:s15], [sflag:$0x1] =	stream.strided.gather @!p1 [hbm4b:s14+s16], $0x1000, s17, s16, $0x38;
	[tilespmem:$0x4040] =	vst v63  }
0x27: {  	p1 =	sge.u32 s31, s5  }
.Ltmp2:
0x28: {  	_ = 	snop;
	(pc) =	sbr.rel @p1 .LBB1_5-.Ltmp2, $1  }
0x29: {  	_ =	sdelay $0x3  }
0x2a: {  	s14 =	simm.s32 $0x1  }
0x2b: {  	_ =	swait.ge [sflag:s4], $0x1000;
	s14 =	simm.s32 @!p0 $0x0  }
0x2c: {  	[sflag:s4] =	ssyncset.done $0x0;
	s15 =	sshll.u32 s14, $0xC  }
0x2d: {  	[sflag:s4] =	ssyncadd.s32 $0xFFFFF000;
	s18 =	sor.u32 $0x10, s15  }
0x2e: {  	s14 =	smul.u32 $0x4080, s14;
	v1 =	vld [tilespmem:s18+$0x0]  }
0x2f: {  	s30 =	sand.u32 $0x1, s11;
	v0 =	vld [tilespmem:s18+$0xFFFFFFF0]  }
0x30: {  	s15 =	smul.u32 $0x4080, s30;
	s14 =	sshrl.u32 s14, $0x2  }
0x31: {  	s16 =	sor.u32 $0x2000, s14  }
0x32: {  	s31 =	sshrl.u32 s15, $0x2;
	s15 =	sadd.s32 $0x0, s16  }
0x33: {  	s17 =	simm.s32 $0x4;
	s18 =	sadd.s32 $0x20, s18;
	s14 =	sor.u32 $0x2000, s31;
	[tilespmem:s15+$0x810 ss:$0x81] =	vst.msk $0xffff, v1  }
.LBB1_3:
0x34: {  	v1 =	vld [tilespmem:s18+$0x0];
	p1 =	sne.s32 s17, $0x1FC;
	[tilespmem:s15+$0x0 ss:$0x81] =	vst.msk $0xffff, v0;
	s15 =	smov.u32 s17;
	s17 =	sadd.s32 $0x4, s17  }
.Ltmp3:
0x35: {  	v0 =	vld [tilespmem:s18+$0xFFFFFFF0];
	(pc) =	sbr.rel @p1 .LBB1_3-.Ltmp3, $4  }
0x36: {  	_ = 	snop  }
0x37: {  	s15 =	sshra.s32 s15, $0x2  }
0x38: {  	s15 =	sadd.s32 s15, s16  }
0x39: {  	s18 =	sadd.s32 $0x20, s18;
	[tilespmem:s15+$0x810 ss:$0x81] =	vst.msk $0xffff, v1  }
.Ltmp4:
0x3a: {  	_ = 	snop;
	(pc) =	sbr.rel .LBB1_4-.Ltmp4, $1  }
0x3b: {  	_ =	sdelay $0x3  }
.LBB1_6:
0x3c: {  	_ =	sfence.sel $0x180000  }
0x3d: {  	s2 =	simm.s32 $0x1;
	[bflag:$0x0] =	sbarrier.arrive $0xFFFF  }
0x3e: {  	s31 =	simm.s32 $0x2;
	[sflag:s2] =	ssyncpa.u1 $0x1  }
0x3f: {  	[sflag:s31] =	ssyncpa.u1 $0x1  }
0x40: {  	p0 =	sne.s32 s0, $0x0;
	_ =	strace $0x9000004A  }
0x41: {  	s0 =	sadd.s32 @!p0 $0x100000, s1;
	[bflag:$0x2] =	sbarrier.arrive $0xFFFF  }
0x42: {  	[sflag:s0] =	ssyncadd.tile.s32 @!p0 $0x1;
	_ =	shalt  }
.Lfunc_end1:
_tile_overlayer_lowered:
.L_overlay_start_2:
0x43: {  	(tag) =	ssettag $0x2  }
0x44: {  	s0 =	rddreg [dreg:$0x0];
	s2 =	stileid.u32  }
0x45: {  	s1 =	rddreg [dreg:$0x1];
	p0 =	sne.s32 s2, $0x0  }
0x46: {  	s3 =	rddreg [dreg:$0x2];
	[bflag:$0x3] =	sbarrier.arrive $0xFFFF;
	s2 =	simm.s32 @!p0 $0x1C01  }
0x47: {  	[timem:s3], [sflag:s2] =	dma.local @!p0 [hbm:s0], s1  }
0x48: {  	s0 =	simm.s32 @!p0 $0x1  }
0x49: {  	_ =	swait.ge @!p0 [sflag:s0], s1  }
0x4a: {  	s1 =	ssub.s32 @!p0 $0x0, s1;
	[sflag:s0] =	ssyncset.done @!p0 $0x0  }
0x4b: {  	[sflag:s0] =	ssyncadd.s32 @!p0 s1  }
0x4c: {  	[bflag:$0x3] =	sbarrier.arrive $0xFFFF  }
0x4d: {  	_ =	shalt  }

</sc_bundles>
